<compile_context>
chip_gen: v7x
topology: tpu7x:2x2x1
jax: 0.10.2.dev20260603
libtpu: 0.0.44.dev20260713+nightly
codegen_flags: <defaults>
</compile_context>

<pallas_src>
import functools

import jax
import jax.numpy as jnp
from jax import lax
from jax.experimental import pallas as pl
from jax.experimental.pallas import tpu as pltpu
from jax.experimental.pallas import tpu_sc as plsc

N = 50000
E = 800000
IN_DIM = 128
HID = 64
UP_DIM = 768

NPAD = 50176
STRIPE = NPAD // 16
ZCH = 784

EPB = 128
RPT = 396
EPAD = 16 * RPT * EPB
ROWS = EPAD // EPB
K = 3
NBLK = RPT // K

BLK = 2000
GRID = N // BLK

_mesh = plsc.VectorSubcoreMesh(core_axis_name="c", subcore_axis_name="s")
_sc_params = pltpu.CompilerParams(use_tc_tiling_on_sc=False)



def _deg_body(src_rs, dst_rs, ones_hbm, zeros_hbm, out_src, out_dst,
              idxA, idxB, ones_v, semSA, semSB, hist):
    cid = lax.axis_index("c")
    tid = lax.axis_index("s")
    NP = NBLK // 2

    def run(eidx, out_ref):
        for j in range(STRIPE // ZCH):
            pltpu.sync_copy(zeros_hbm, hist.at[pl.ds(tid * STRIPE + j * ZCH, ZCH)])
        pltpu.sync_copy(ones_hbm, ones_v)
        plsc.subcore_barrier()
        base = tid * RPT

        def issue(b, idx, semS):
            pltpu.sync_copy(eidx.at[pl.ds(base + b * K, K)], idx)
            for k in range(K):
                pltpu.async_copy(ones_v, hist.at[idx.at[k]], semS, add=True)

        def wait_s(idx, semS):
            for k in range(K):
                pltpu.make_async_copy(ones_v, hist.at[idx.at[k]], semS).wait()

        issue(0, idxA, semSA)

        def body(sb, carry):
            b0 = 2 * sb

            @pl.when(sb > 0)
            def _():
                wait_s(idxB, semSB)

            issue(b0 + 1, idxB, semSB)

            @pl.when(sb + 1 < NP)
            def _():
                wait_s(idxA, semSA)
                issue(b0 + 2, idxA, semSA)

            return carry

        lax.fori_loop(0, NP, body, 0)
        wait_s(idxA, semSA)
        wait_s(idxB, semSB)
        plsc.subcore_barrier()
        sl = pl.ds(tid * STRIPE, STRIPE)
        pltpu.sync_copy(hist.at[sl], out_ref.at[sl])

    @pl.when(cid == 0)
    def _():
        run(src_rs, out_src)

    @pl.when(cid == 1)
    def _():
        run(dst_rs, out_dst)


_deg_call = functools.partial(
    pl.kernel,
    out_type=(
        jax.ShapeDtypeStruct((NPAD, 16), jnp.float32),
        jax.ShapeDtypeStruct((NPAD, 16), jnp.float32),
    ),
    mesh=_mesh,
    scratch_types=[
        pltpu.VMEM((K, EPB), jnp.int32),
        pltpu.VMEM((K, EPB), jnp.int32),
        pltpu.VMEM((EPB, 16), jnp.float32),
        pltpu.SemaphoreType.DMA,
        pltpu.SemaphoreType.DMA,
        pltpu.VMEM_SHARED((NPAD, 16), jnp.float32),
    ],
    compiler_params=_sc_params,
)(_deg_body)


def _agg_body(sd_rs, h0, h1, zeros_hbm, out0, out1,
              idxA, idxB, rowsA, rowsB, semA, semB, semSA, semSB, acc):
    cid = lax.axis_index("c")
    tid = lax.axis_index("s")
    NP = NBLK // 2

    def run(h_ref, out_ref):
        for j in range(STRIPE // ZCH):
            pltpu.sync_copy(zeros_hbm, acc.at[pl.ds(tid * STRIPE + j * ZCH, ZCH)])
        plsc.subcore_barrier()
        base = tid * RPT

        def issue(b, idx, rows, sem):
            pltpu.sync_copy(sd_rs.at[pl.ds(base + b * K, K)], idx)
            for k in range(K):
                pltpu.async_copy(h_ref.at[idx.at[k, 0]], rows.at[k], sem)

        def wait_g(idx, rows, sem):
            for k in range(K):
                pltpu.make_async_copy(h_ref.at[idx.at[k, 0]], rows.at[k], sem).wait()

        def scatter(idx, rows, semS):
            for k in range(K):
                pltpu.async_copy(rows.at[k], acc.at[idx.at[k, 1]], semS, add=True)

        def wait_s(idx, rows, semS):
            for k in range(K):
                pltpu.make_async_copy(rows.at[k], acc.at[idx.at[k, 1]], semS).wait()

        issue(0, idxA, rowsA, semA)

        def body(sb, carry):
            b0 = 2 * sb

            @pl.when(sb > 0)
            def _():
                wait_s(idxB, rowsB, semSB)

            issue(b0 + 1, idxB, rowsB, semB)
            wait_g(idxA, rowsA, semA)
            scatter(idxA, rowsA, semSA)

            @pl.when(sb + 1 < NP)
            def _():
                wait_s(idxA, rowsA, semSA)
                issue(b0 + 2, idxA, rowsA, semA)

            wait_g(idxB, rowsB, semB)
            scatter(idxB, rowsB, semSB)
            return carry

        lax.fori_loop(0, NP, body, 0)
        wait_s(idxA, rowsA, semSA)
        wait_s(idxB, rowsB, semSB)
        plsc.subcore_barrier()
        sl = pl.ds(tid * STRIPE, STRIPE)
        pltpu.sync_copy(acc.at[sl], out_ref.at[sl])

    @pl.when(cid == 0)
    def _():
        run(h0, out0)

    @pl.when(cid == 1)
    def _():
        run(h1, out1)


_agg_call = functools.partial(
    pl.kernel,
    out_type=(
        jax.ShapeDtypeStruct((NPAD, 32), jnp.float32),
        jax.ShapeDtypeStruct((NPAD, 32), jnp.float32),
    ),
    mesh=_mesh,
    scratch_types=[
        pltpu.VMEM((K, 2, EPB), jnp.int32),
        pltpu.VMEM((K, 2, EPB), jnp.int32),
        pltpu.VMEM((K, EPB, 32), jnp.float32),
        pltpu.VMEM((K, EPB, 32), jnp.float32),
        pltpu.SemaphoreType.DMA,
        pltpu.SemaphoreType.DMA,
        pltpu.SemaphoreType.DMA,
        pltpu.SemaphoreType.DMA,
        pltpu.VMEM_SHARED((NPAD, 32), jnp.float32),
    ],
    compiler_params=_sc_params,
)(_agg_body)



def _down_body(x_ref, w_ref, b_ref, d_ref, h0_ref, h1_ref):
    h = jnp.dot(x_ref[...], w_ref[...],
                preferred_element_type=jnp.float32,
                precision=lax.Precision.DEFAULT) + b_ref[...]
    norm = lax.rsqrt(jnp.maximum(d_ref[:, :1], 1.0))
    h = h * norm
    h0_ref[...] = h[:, :32]
    h1_ref[...] = h[:, 32:]


def _down_call(x, w, b, deg):
    return pl.pallas_call(
        _down_body,
        grid=(GRID,),
        in_specs=[
            pl.BlockSpec((BLK, IN_DIM), lambda i: (i, 0)),
            pl.BlockSpec((IN_DIM, HID), lambda i: (0, 0)),
            pl.BlockSpec((1, HID), lambda i: (0, 0)),
            pl.BlockSpec((BLK, 16), lambda i: (i, 0)),
        ],
        out_specs=(
            pl.BlockSpec((BLK, 32), lambda i: (i, 0)),
            pl.BlockSpec((BLK, 32), lambda i: (i, 0)),
        ),
        out_shape=(
            jax.ShapeDtypeStruct((N, 32), jnp.float32),
            jax.ShapeDtypeStruct((N, 32), jnp.float32),
        ),
    )(x, w, b, deg)


def _fuse_body(wg_ref, bg_ref, wu_ref, bu_ref, wf_ref, bf_ref):
    wf_ref[...] = jnp.dot(wg_ref[...], wu_ref[...],
                          preferred_element_type=jnp.float32,
                          precision=lax.Precision.HIGHEST)
    bf_ref[...] = jnp.dot(bg_ref[...], wu_ref[...],
                          preferred_element_type=jnp.float32,
                          precision=lax.Precision.HIGHEST) + bu_ref[...]


def _fuse_call(wg, bg, wu, bu):
    return pl.pallas_call(
        _fuse_body,
        out_shape=(
            jax.ShapeDtypeStruct((HID, UP_DIM), jnp.float32),
            jax.ShapeDtypeStruct((1, UP_DIM), jnp.float32),
        ),
    )(wg, bg, wu, bu)


def _up_body(a0_ref, a1_ref, d_ref, wf_ref, bf_ref, o_ref):
    a = jnp.concatenate([a0_ref[...], a1_ref[...]], axis=1)
    norm = lax.rsqrt(jnp.maximum(d_ref[:, :1], 1.0))
    a = a * norm
    o_ref[...] = jnp.dot(a, wf_ref[...],
                         preferred_element_type=jnp.float32,
                         precision=lax.Precision.DEFAULT) + bf_ref[...]


def _up_call(a0, a1, deg, wf, bf):
    return pl.pallas_call(
        _up_body,
        grid=(GRID,),
        in_specs=[
            pl.BlockSpec((BLK, 32), lambda i: (i, 0)),
            pl.BlockSpec((BLK, 32), lambda i: (i, 0)),
            pl.BlockSpec((BLK, 16), lambda i: (i, 0)),
            pl.BlockSpec((HID, UP_DIM), lambda i: (0, 0)),
            pl.BlockSpec((1, UP_DIM), lambda i: (0, 0)),
        ],
        out_specs=pl.BlockSpec((BLK, UP_DIM), lambda i: (i, 0)),
        out_shape=jax.ShapeDtypeStruct((N, UP_DIM), jnp.float32),
    )(a0, a1, deg, wf, bf)



def kernel(features, edge_index, W_down, b_down, W_gnn, b_gnn, W_up, b_up):
    src = edge_index[0]
    dst = edge_index[1]
    npad_extra = NPAD - N
    pad_n = EPAD - E
    pad_trash = N + (jnp.arange(pad_n, dtype=jnp.int32) % npad_extra)
    pad_low = jnp.arange(pad_n, dtype=jnp.int32) % EPB
    src_deg_rs = jnp.concatenate([src, pad_trash]).reshape(ROWS, EPB)
    src_gat_rs = jnp.concatenate([src, pad_low]).reshape(ROWS, EPB)
    dst_rs = jnp.concatenate([dst, pad_trash]).reshape(ROWS, EPB)
    sd_rs = jnp.stack([src_gat_rs, dst_rs], axis=1)

    ones16 = jnp.ones((EPB, 16), jnp.float32)
    zeros16 = jnp.zeros((ZCH, 16), jnp.float32)
    zeros32 = jnp.zeros((ZCH, 32), jnp.float32)

    deg_src, deg_dst = _deg_call(src_deg_rs, dst_rs, ones16, zeros16)

    h0, h1 = _down_call(features, W_down, b_down.reshape(1, HID), deg_src)

    agg0, agg1 = _agg_call(sd_rs, h0, h1, zeros32)

    wf, bf = _fuse_call(W_gnn, b_gnn.reshape(1, HID), W_up,
                        b_up.reshape(1, UP_DIM))
    return _up_call(agg0, agg1, deg_dst, wf, bf)

# --- scband reference (transcript-rebuilt; emitter-appended) ---
"""Pipeline reference for scband-adapter-gnn-76330158785174 (READ-ONLY COPY).

The authoritative reference and input builder live on the scoring server;
editing this copy changes nothing except your own understanding.
"""

import jax, jax.numpy as jnp
import numpy as np

N = 50000
E = 800000
IN_DIM = 128
HID = 64
UP_DIM = 768


def setup_inputs(seed: int = 0) -> dict:
    key = jax.random.key(seed)
    ks = jax.random.split(key, 6)
    features = jax.random.normal(ks[0], (N, IN_DIM), dtype=jnp.float32)
    edge_index = jax.random.randint(ks[1], (2, E), 0, N, dtype=jnp.int32)
    W_down = jax.random.normal(ks[2], (IN_DIM, HID), dtype=jnp.float32) * 0.05
    b_down = jnp.zeros((HID,), dtype=jnp.float32)
    W_gnn = jax.random.normal(ks[3], (HID, HID), dtype=jnp.float32) * 0.05
    b_gnn = jnp.zeros((HID,), dtype=jnp.float32)
    W_up = jax.random.normal(ks[4], (HID, UP_DIM), dtype=jnp.float32) * 0.05
    b_up = jnp.zeros((UP_DIM,), dtype=jnp.float32)
    return {
        'features': features,
        'edge_index': edge_index,
        'W_down': W_down,
        'b_down': b_down,
        'W_gnn': W_gnn,
        'b_gnn': b_gnn,
        'W_up': W_up,
        'b_up': b_up,
    }


def reference(features, edge_index, W_down, b_down, W_gnn, b_gnn, W_up, b_up):
    src = edge_index[0]
    dst = edge_index[1]
    # down projection (adapter down)
    down = features @ W_down + b_down
    # DGL GraphConv with norm='both':
    # h = D_in^{-1/2} * A^T * (D_out^{-1/2} * X) then linear
    ones_e = jnp.ones((E,), dtype=jnp.float32)
    out_deg = jax.ops.segment_sum(ones_e, src, num_segments=N)
    out_deg = jnp.clip(out_deg, 1.0, None)
    norm_src = out_deg ** (-0.5)
    h = down * norm_src[:, None]
    # gather messages from src, scatter-add to dst
    msg = h[src]
    agg = jax.ops.segment_sum(msg, dst, num_segments=N)
    in_deg = jax.ops.segment_sum(ones_e, dst, num_segments=N)
    in_deg = jnp.clip(in_deg, 1.0, None)
    norm_dst = in_deg ** (-0.5)
    agg = agg * norm_dst[:, None]
    gnn = agg @ W_gnn + b_gnn
    # up projection (adapter up, hardcoded 768)
    up = gnn @ W_up + b_up
    return up

if __name__ == "__main__":
    import jax
    _d = setup_inputs()
    print(jax.jit(kernel)(*tuple(_d.values())))

</pallas_src>

<mosaic_0001>
#map = affine_map<(d0, d1) -> (0, 0, 0)>
#map1 = affine_map<(d0, d1) -> (0, 0)>
module attributes {stable_mosaic.version = 14 : i64} {
  func.func @_agg_body(%arg0: i32, %arg1: i32, %arg2: memref<6336x2x128xi32, #tpu.memory_space<hbm>>, %arg3: memref<50000x32xf32, #tpu.memory_space<hbm>>, %arg4: memref<50000x32xf32, #tpu.memory_space<hbm>>, %arg5: memref<784x32xf32, #tpu.memory_space<hbm>>, %arg6: memref<50176x32xf32, #tpu.memory_space<hbm>>, %arg7: memref<50176x32xf32, #tpu.memory_space<hbm>>, %arg8: memref<3x2x128xi32, #tpu.memory_space<vmem>>, %arg9: memref<3x2x128xi32, #tpu.memory_space<vmem>>, %arg10: memref<3x128x32xf32, #tpu.memory_space<vmem>>, %arg11: memref<3x128x32xf32, #tpu.memory_space<vmem>>, %arg12: memref<!tpu.dma_semaphore, #tpu.memory_space<semaphore_mem>>, %arg13: memref<!tpu.dma_semaphore, #tpu.memory_space<semaphore_mem>>, %arg14: memref<!tpu.dma_semaphore, #tpu.memory_space<semaphore_mem>>, %arg15: memref<!tpu.dma_semaphore, #tpu.memory_space<semaphore_mem>>, %arg16: memref<50176x32xf32, #tpu.memory_space<vmem_shared>>) attributes {dimension_semantics = [#tpu.dimension_semantics<core_parallel>, #tpu.dimension_semantics<subcore_parallel>], iteration_bounds = array<i64: 2, 16>, scalar_prefetch = 0 : i64, scratch_operands = 9 : i64, tpu.core_type = #tpu.core_type<sc_vector_subcore>, window_params = [{transform_indices = #map}, {transform_indices = #map1}, {transform_indices = #map1}, {transform_indices = #map1}, {transform_indices = #map1}, {transform_indices = #map1}]} {
    %eq3A = arith.constant 0 : i32
    %eq3A_0 = arith.cmpi eq, %arg0, %eq3A : i32
    %convert_element_type3A = arith.extui %eq3A_0 : i1 to i32
    %cond3A = arith.constant 0 : i32
    %cond3A_1 = arith.cmpi ne, %convert_element_type3A, %cond3A : i32
    scf.if %cond3A_1 {
      %mul3A = arith.constant 3136 : i32
      %mul3A_7 = arith.muli %arg1, %mul3A : i32
      %add3A = arith.constant 0 : i32
      %add3A_8 = arith.addi %mul3A_7, %add3A : i32
      "tpu.region"() ({
        %run_scoped3A = tpu.sem_alloc : memref<!tpu.dma_semaphore, #tpu.memory_space<semaphore_mem>>
        %dma_start3A_148 = arith.constant 0 : i32
        %dma_start3A_149 = tpu.memref_slice %arg16[%add3A_8, %dma_start3A_148] : memref<50176x32xf32, #tpu.memory_space<vmem_shared>> -> memref<784x32xf32, #tpu.memory_space<vmem_shared>>
        tpu.enqueue_dma source(%arg5 : memref<784x32xf32, #tpu.memory_space<hbm>>) target(%dma_start3A_149 : memref<784x32xf32, #tpu.memory_space<vmem_shared>>) target_semaphore(%run_scoped3A : memref<!tpu.dma_semaphore, #tpu.memory_space<semaphore_mem>>)
        %dma_wait3A_150 = arith.constant 0 : i32
        %dma_wait3A_151 = tpu.memref_slice %arg16[%add3A_8, %dma_wait3A_150] : memref<50176x32xf32, #tpu.memory_space<vmem_shared>> -> memref<784x32xf32, #tpu.memory_space<vmem_shared>>
        tpu.wait_dma2 semaphore(%run_scoped3A : memref<!tpu.dma_semaphore, #tpu.memory_space<semaphore_mem>>) src(%arg5 : memref<784x32xf32, #tpu.memory_space<hbm>>) dst(%dma_wait3A_151 : memref<784x32xf32, #tpu.memory_space<vmem_shared>>)
        tpu.yield
      }) : () -> ()
      %mul3A_9 = arith.constant 3136 : i32
      %mul3A_10 = arith.muli %arg1, %mul3A_9 : i32
      %add3A_11 = arith.constant 784 : i32
      %add3A_12 = arith.addi %mul3A_10, %add3A_11 : i32
      "tpu.region"() ({
        %run_scoped3A = tpu.sem_alloc : memref<!tpu.dma_semaphore, #tpu.memory_space<semaphore_mem>>
        %dma_start3A_148 = arith.constant 0 : i32
        %dma_start3A_149 = tpu.memref_slice %arg16[%add3A_12, %dma_start3A_148] : memref<50176x32xf32, #tpu.memory_space<vmem_shared>> -> memref<784x32xf32, #tpu.memory_space<vmem_shared>>
        tpu.enqueue_dma source(%arg5 : memref<784x32xf32, #tpu.memory_space<hbm>>) target(%dma_start3A_149 : memref<784x32xf32, #tpu.memory_space<vmem_shared>>) target_semaphore(%run_scoped3A : memref<!tpu.dma_semaphore, #tpu.memory_space<semaphore_mem>>)
        %dma_wait3A_150 = arith.constant 0 : i32
        %dma_wait3A_151 = tpu.memref_slice %arg16[%add3A_12, %dma_wait3A_150] : memref<50176x32xf32, #tpu.memory_space<vmem_shared>> -> memref<784x32xf32, #tpu.memory_space<vmem_shared>>
        tpu.wait_dma2 semaphore(%run_scoped3A : memref<!tpu.dma_semaphore, #tpu.memory_space<semaphore_mem>>) src(%arg5 : memref<784x32xf32, #tpu.memory_space<hbm>>) dst(%dma_wait3A_151 : memref<784x32xf32, #tpu.memory_space<vmem_shared>>)
        tpu.yield
      }) : () -> ()
      %mul3A_13 = arith.constant 3136 : i32
      %mul3A_14 = arith.muli %arg1, %mul3A_13 : i32
      %add3A_15 = arith.constant 1568 : i32
      %add3A_16 = arith.addi %mul3A_14, %add3A_15 : i32
      "tpu.region"() ({
        %run_scoped3A = tpu.sem_alloc : memref<!tpu.dma_semaphore, #tpu.memory_space<semaphore_mem>>
        %dma_start3A_148 = arith.constant 0 : i32
        %dma_start3A_149 = tpu.memref_slice %arg16[%add3A_16, %dma_start3A_148] : memref<50176x32xf32, #tpu.memory_space<vmem_shared>> -> memref<784x32xf32, #tpu.memory_space<vmem_shared>>
        tpu.enqueue_dma source(%arg5 : memref<784x32xf32, #tpu.memory_space<hbm>>) target(%dma_start3A_149 : memref<784x32xf32, #tpu.memory_space<vmem_shared>>) target_semaphore(%run_scoped3A : memref<!tpu.dma_semaphore, #tpu.memory_space<semaphore_mem>>)
        %dma_wait3A_150 = arith.constant 0 : i32
        %dma_wait3A_151 = tpu.memref_slice %arg16[%add3A_16, %dma_wait3A_150] : memref<50176x32xf32, #tpu.memory_space<vmem_shared>> -> memref<784x32xf32, #tpu.memory_space<vmem_shared>>
        tpu.wait_dma2 semaphore(%run_scoped3A : memref<!tpu.dma_semaphore, #tpu.memory_space<semaphore_mem>>) src(%arg5 : memref<784x32xf32, #tpu.memory_space<hbm>>) dst(%dma_wait3A_151 : memref<784x32xf32, #tpu.memory_space<vmem_shared>>)
        tpu.yield
      }) : () -> ()
      %mul3A_17 = arith.constant 3136 : i32
      %mul3A_18 = arith.muli %arg1, %mul3A_17 : i32
      %add3A_19 = arith.constant 2352 : i32
      %add3A_20 = arith.addi %mul3A_18, %add3A_19 : i32
      "tpu.region"() ({
        %run_scoped3A = tpu.sem_alloc : memref<!tpu.dma_semaphore, #tpu.memory_space<semaphore_mem>>
        %dma_start3A_148 = arith.constant 0 : i32
        %dma_start3A_149 = tpu.memref_slice %arg16[%add3A_20, %dma_start3A_148] : memref<50176x32xf32, #tpu.memory_space<vmem_shared>> -> memref<784x32xf32, #tpu.memory_space<vmem_shared>>
        tpu.enqueue_dma source(%arg5 : memref<784x32xf32, #tpu.memory_space<hbm>>) target(%dma_start3A_149 : memref<784x32xf32, #tpu.memory_space<vmem_shared>>) target_semaphore(%run_scoped3A : memref<!tpu.dma_semaphore, #tpu.memory_space<semaphore_mem>>)
        %dma_wait3A_150 = arith.constant 0 : i32
        %dma_wait3A_151 = tpu.memref_slice %arg16[%add3A_20, %dma_wait3A_150] : memref<50176x32xf32, #tpu.memory_space<vmem_shared>> -> memref<784x32xf32, #tpu.memory_space<vmem_shared>>
        tpu.wait_dma2 semaphore(%run_scoped3A : memref<!tpu.dma_semaphore, #tpu.memory_space<semaphore_mem>>) src(%arg5 : memref<784x32xf32, #tpu.memory_space<hbm>>) dst(%dma_wait3A_151 : memref<784x32xf32, #tpu.memory_space<vmem_shared>>)
        tpu.yield
      }) : () -> ()
      %barrier3A = arith.constant 0 : index
      tpu.barrier barrier_id(%barrier3A)
      %mul3A_21 = arith.constant 396 : i32
      %mul3A_22 = arith.muli %arg1, %mul3A_21 : i32
      %add3A_23 = arith.constant 0 : i32
      %add3A_24 = arith.addi %mul3A_22, %add3A_23 : i32
      "tpu.region"() ({
        %run_scoped3A = tpu.sem_alloc : memref<!tpu.dma_semaphore, #tpu.memory_space<semaphore_mem>>
        %dma_start3A_148 = arith.constant 0 : i32
        %dma_start3A_149 = arith.constant 0 : i32
        %dma_start3A_150 = tpu.memref_slice %arg2[%add3A_24, %dma_start3A_148, %dma_start3A_149] : memref<6336x2x128xi32, #tpu.memory_space<hbm>> -> memref<3x2x128xi32, #tpu.memory_space<hbm>>
        %dma_start3A_151 = arith.constant 0 : i32
        %dma_start3A_152 = arith.constant 0 : i32
        %dma_start3A_153 = tpu.memref_slice %arg2[%add3A_24, %dma_start3A_151, %dma_start3A_152] : memref<6336x2x128xi32, #tpu.memory_space<hbm>> -> memref<3x2x128xi32, #tpu.memory_space<hbm>>
        tpu.enqueue_dma source(%dma_start3A_153 : memref<3x2x128xi32, #tpu.memory_space<hbm>>) target(%arg8 : memref<3x2x128xi32, #tpu.memory_space<vmem>>) target_semaphore(%run_scoped3A : memref<!tpu.dma_semaphore, #tpu.memory_space<semaphore_mem>>)
        %dma_wait3A_154 = arith.constant 0 : i32
        %dma_wait3A_155 = arith.constant 0 : i32
        %dma_wait3A_156 = tpu.memref_slice %arg2[%add3A_24, %dma_wait3A_154, %dma_wait3A_155] : memref<6336x2x128xi32, #tpu.memory_space<hbm>> -> memref<3x2x128xi32, #tpu.memory_space<hbm>>
        %dma_wait3A_157 = arith.constant 0 : i32
        %dma_wait3A_158 = arith.constant 0 : i32
        %dma_wait3A_159 = tpu.memref_slice %arg2[%add3A_24, %dma_wait3A_157, %dma_wait3A_158] : memref<6336x2x128xi32, #tpu.memory_space<hbm>> -> memref<3x2x128xi32, #tpu.memory_space<hbm>>
        tpu.wait_dma2 semaphore(%run_scoped3A : memref<!tpu.dma_semaphore, #tpu.memory_space<semaphore_mem>>) src(%dma_wait3A_159 : memref<3x2x128xi32, #tpu.memory_space<hbm>>) dst(%arg8 : memref<3x2x128xi32, #tpu.memory_space<vmem>>)
        tpu.yield
      }) : () -> ()
      %dma_start3A = arith.constant 0 : i32
      %dma_start3A_25 = arith.constant 0 : i32
      %dma_start3A_26 = arith.constant 0 : i32
      %dma_start3A_27 = arith.constant 0 : i32
      %dma_start3A_28 = arith.constant 0 : i32
      %dma_start3A_29 = tpu.memref_slice %arg10[%dma_start3A_26, %dma_start3A_27, %dma_start3A_28] : memref<3x128x32xf32, #tpu.memory_space<vmem>> -> memref<1x128x32xf32, #tpu.memory_space<vmem>>
      %dma_start3A_30 = tpu.memref_squeeze %dma_start3A_29 : memref<1x128x32xf32, #tpu.memory_space<vmem>> -> memref<128x32xf32, #tpu.memory_space<vmem>>
      %dma_start3A_31 = arith.constant 0 : i32
      %dma_start3A_32 = tpu.memref_slice %arg8[%dma_start3A, %dma_start3A_25, %dma_start3A_31] : memref<3x2x128xi32, #tpu.memory_space<vmem>> -> memref<1x1x128xi32, #tpu.memory_space<vmem>>
      %dma_start3A_33 = tpu.memref_squeeze %dma_start3A_32 : memref<1x1x128xi32, #tpu.memory_space<vmem>> -> memref<128xi32, #tpu.memory_space<vmem>>
      %dma_start3A_34 = arith.constant 0 : i32
      %dma_start3A_35 = arith.constant 0 : i32
      %dma_start3A_36 = tpu.memref_slice %arg3[%dma_start3A_34, %dma_start3A_35] : memref<50000x32xf32, #tpu.memory_space<hbm>> -> memref<50000x32xf32, #tpu.memory_space<hbm>>
      tpu.enqueue_indirect_dma source(%dma_start3A_36 : memref<50000x32xf32, #tpu.memory_space<hbm>>) target(%dma_start3A_30 : memref<128x32xf32, #tpu.memory_space<vmem>>) offsets(%dma_start3A_33 : memref<128xi32, #tpu.memory_space<vmem>>) semaphore(%arg12 : memref<!tpu.dma_semaphore, #tpu.memory_space<semaphore_mem>>)
      %dma_start3A_37 = arith.constant 1 : i32
      %dma_start3A_38 = arith.constant 0 : i32
      %dma_start3A_39 = arith.constant 1 : i32
      %dma_start3A_40 = arith.constant 0 : i32
      %dma_start3A_41 = arith.constant 0 : i32
      %dma_start3A_42 = tpu.memref_slice %arg10[%dma_start3A_39, %dma_start3A_40, %dma_start3A_41] : memref<3x128x32xf32, #tpu.memory_space<vmem>> -> memref<1x128x32xf32, #tpu.memory_space<vmem>>
      %dma_start3A_43 = tpu.memref_squeeze %dma_start3A_42 : memref<1x128x32xf32, #tpu.memory_space<vmem>> -> memref<128x32xf32, #tpu.memory_space<vmem>>
      %dma_start3A_44 = arith.constant 0 : i32
      %dma_start3A_45 = tpu.memref_slice %arg8[%dma_start3A_37, %dma_start3A_38, %dma_start3A_44] : memref<3x2x128xi32, #tpu.memory_space<vmem>> -> memref<1x1x128xi32, #tpu.memory_space<vmem>>
      %dma_start3A_46 = tpu.memref_squeeze %dma_start3A_45 : memref<1x1x128xi32, #tpu.memory_space<vmem>> -> memref<128xi32, #tpu.memory_space<vmem>>
      %dma_start3A_47 = arith.constant 0 : i32
      %dma_start3A_48 = arith.constant 0 : i32
      %dma_start3A_49 = tpu.memref_slice %arg3[%dma_start3A_47, %dma_start3A_48] : memref<50000x32xf32, #tpu.memory_space<hbm>> -> memref<50000x32xf32, #tpu.memory_space<hbm>>
      tpu.enqueue_indirect_dma source(%dma_start3A_49 : memref<50000x32xf32, #tpu.memory_space<hbm>>) target(%dma_start3A_43 : memref<128x32xf32, #tpu.memory_space<vmem>>) offsets(%dma_start3A_46 : memref<128xi32, #tpu.memory_space<vmem>>) semaphore(%arg12 : memref<!tpu.dma_semaphore, #tpu.memory_space<semaphore_mem>>)
      %dma_start3A_50 = arith.constant 2 : i32
      %dma_start3A_51 = arith.constant 0 : i32
      %dma_start3A_52 = arith.constant 2 : i32
      %dma_start3A_53 = arith.constant 0 : i32
      %dma_start3A_54 = arith.constant 0 : i32
      %dma_start3A_55 = tpu.memref_slice %arg10[%dma_start3A_52, %dma_start3A_53, %dma_start3A_54] : memref<3x128x32xf32, #tpu.memory_space<vmem>> -> memref<1x128x32xf32, #tpu.memory_space<vmem>>
      %dma_start3A_56 = tpu.memref_squeeze %dma_start3A_55 : memref<1x128x32xf32, #tpu.memory_space<vmem>> -> memref<128x32xf32, #tpu.memory_space<vmem>>
      %dma_start3A_57 = arith.constant 0 : i32
      %dma_start3A_58 = tpu.memref_slice %arg8[%dma_start3A_50, %dma_start3A_51, %dma_start3A_57] : memref<3x2x128xi32, #tpu.memory_space<vmem>> -> memref<1x1x128xi32, #tpu.memory_space<vmem>>
      %dma_start3A_59 = tpu.memref_squeeze %dma_start3A_58 : memref<1x1x128xi32, #tpu.memory_space<vmem>> -> memref<128xi32, #tpu.memory_space<vmem>>
      %dma_start3A_60 = arith.constant 0 : i32
      %dma_start3A_61 = arith.constant 0 : i32
      %dma_start3A_62 = tpu.memref_slice %arg3[%dma_start3A_60, %dma_start3A_61] : memref<50000x32xf32, #tpu.memory_space<hbm>> -> memref<50000x32xf32, #tpu.memory_space<hbm>>
      tpu.enqueue_indirect_dma source(%dma_start3A_62 : memref<50000x32xf32, #tpu.memory_space<hbm>>) target(%dma_start3A_56 : memref<128x32xf32, #tpu.memory_space<vmem>>) offsets(%dma_start3A_59 : memref<128xi32, #tpu.memory_space<vmem>>) semaphore(%arg12 : memref<!tpu.dma_semaphore, #tpu.memory_space<semaphore_mem>>)
      %scan3A = arith.constant 0 : i32
      %scan3A_63 = arith.constant 0 : i32
      %scan3A_64 = arith.constant 66 : i32
      %scan3A_65 = arith.addi %scan3A_63, %scan3A_64 : i32
      %scan3A_66 = arith.constant 1 : i32
      scf.for %scan3A_148 = %scan3A_63 to %scan3A_65 step %scan3A_66  : i32 {
        %mul3A_149 = arith.constant 2 : i32
        %mul3A_150 = arith.muli %mul3A_149, %scan3A_148 : i32
        %gt3A = arith.constant 0 : i32
        %gt3A_151 = arith.cmpi sgt, %scan3A_148, %gt3A : i32
        %convert_element_type3A_152 = arith.extui %gt3A_151 : i1 to i32
        %cond3A_153 = arith.constant 0 : i32
        %cond3A_154 = arith.cmpi ne, %convert_element_type3A_152, %cond3A_153 : i32
        scf.if %cond3A_154 {
          %dma_wait3A_361 = arith.constant 0 : i32
          %dma_wait3A_362 = arith.constant 0 : i32
          %dma_wait3A_363 = arith.constant 1 : i32
          %dma_wait3A_364 = arith.constant 0 : i32
          %dma_wait3A_365 = arith.constant 0 : i32
          %dma_wait3A_366 = tpu.memref_slice %arg11[%dma_wait3A_361, %dma_wait3A_364, %dma_wait3A_365] : memref<3x128x32xf32, #tpu.memory_space<vmem>> -> memref<1x128x32xf32, #tpu.memory_space<vmem>>
          %dma_wait3A_367 = tpu.memref_squeeze %dma_wait3A_366 : memref<1x128x32xf32, #tpu.memory_space<vmem>> -> memref<128x32xf32, #tpu.memory_space<vmem>>
          %dma_wait3A_368 = arith.constant 0 : i32
          %dma_wait3A_369 = tpu.memref_slice %arg9[%dma_wait3A_362, %dma_wait3A_363, %dma_wait3A_368] : memref<3x2x128xi32, #tpu.memory_space<vmem>> -> memref<1x1x128xi32, #tpu.memory_space<vmem>>
          %dma_wait3A_370 = tpu.memref_squeeze %dma_wait3A_369 : memref<1x1x128xi32, #tpu.memory_space<vmem>> -> memref<128xi32, #tpu.memory_space<vmem>>
          %dma_wait3A_371 = arith.constant 0 : i32
          %dma_wait3A_372 = arith.constant 0 : i32
          %dma_wait3A_373 = tpu.memref_slice %arg16[%dma_wait3A_371, %dma_wait3A_372] : memref<50176x32xf32, #tpu.memory_space<vmem_shared>> -> memref<50176x32xf32, #tpu.memory_space<vmem_shared>>
          tpu.wait_indirect_dma semaphore(%arg15 : memref<!tpu.dma_semaphore, #tpu.memory_space<semaphore_mem>>) src(%dma_wait3A_367 : memref<128x32xf32, #tpu.memory_space<vmem>>) dst(%dma_wait3A_373 : memref<50176x32xf32, #tpu.memory_space<vmem_shared>>)
          %dma_wait3A_374 = arith.constant 1 : i32
          %dma_wait3A_375 = arith.constant 1 : i32
          %dma_wait3A_376 = arith.constant 1 : i32
          %dma_wait3A_377 = arith.constant 0 : i32
          %dma_wait3A_378 = arith.constant 0 : i32
          %dma_wait3A_379 = tpu.memref_slice %arg11[%dma_wait3A_374, %dma_wait3A_377, %dma_wait3A_378] : memref<3x128x32xf32, #tpu.memory_space<vmem>> -> memref<1x128x32xf32, #tpu.memory_space<vmem>>
          %dma_wait3A_380 = tpu.memref_squeeze %dma_wait3A_379 : memref<1x128x32xf32, #tpu.memory_space<vmem>> -> memref<128x32xf32, #tpu.memory_space<vmem>>
          %dma_wait3A_381 = arith.constant 0 : i32
          %dma_wait3A_382 = tpu.memref_slice %arg9[%dma_wait3A_375, %dma_wait3A_376, %dma_wait3A_381] : memref<3x2x128xi32, #tpu.memory_space<vmem>> -> memref<1x1x128xi32, #tpu.memory_space<vmem>>
          %dma_wait3A_383 = tpu.memref_squeeze %dma_wait3A_382 : memref<1x1x128xi32, #tpu.memory_space<vmem>> -> memref<128xi32, #tpu.memory_space<vmem>>
          %dma_wait3A_384 = arith.constant 0 : i32
          %dma_wait3A_385 = arith.constant 0 : i32
          %dma_wait3A_386 = tpu.memref_slice %arg16[%dma_wait3A_384, %dma_wait3A_385] : memref<50176x32xf32, #tpu.memory_space<vmem_shared>> -> memref<50176x32xf32, #tpu.memory_space<vmem_shared>>
          tpu.wait_indirect_dma semaphore(%arg15 : memref<!tpu.dma_semaphore, #tpu.memory_space<semaphore_mem>>) src(%dma_wait3A_380 : memref<128x32xf32, #tpu.memory_space<vmem>>) dst(%dma_wait3A_386 : memref<50176x32xf32, #tpu.memory_space<vmem_shared>>)
          %dma_wait3A_387 = arith.constant 2 : i32
          %dma_wait3A_388 = arith.constant 2 : i32
          %dma_wait3A_389 = arith.constant 1 : i32
          %dma_wait3A_390 = arith.constant 0 : i32
          %dma_wait3A_391 = arith.constant 0 : i32
          %dma_wait3A_392 = tpu.memref_slice %arg11[%dma_wait3A_387, %dma_wait3A_390, %dma_wait3A_391] : memref<3x128x32xf32, #tpu.memory_space<vmem>> -> memref<1x128x32xf32, #tpu.memory_space<vmem>>
          %dma_wait3A_393 = tpu.memref_squeeze %dma_wait3A_392 : memref<1x128x32xf32, #tpu.memory_space<vmem>> -> memref<128x32xf32, #tpu.memory_space<vmem>>
          %dma_wait3A_394 = arith.constant 0 : i32
          %dma_wait3A_395 = tpu.memref_slice %arg9[%dma_wait3A_388, %dma_wait3A_389, %dma_wait3A_394] : memref<3x2x128xi32, #tpu.memory_space<vmem>> -> memref<1x1x128xi32, #tpu.memory_space<vmem>>
          %dma_wait3A_396 = tpu.memref_squeeze %dma_wait3A_395 : memref<1x1x128xi32, #tpu.memory_space<vmem>> -> memref<128xi32, #tpu.memory_space<vmem>>
          %dma_wait3A_397 = arith.constant 0 : i32
          %dma_wait3A_398 = arith.constant 0 : i32
          %dma_wait3A_399 = tpu.memref_slice %arg16[%dma_wait3A_397, %dma_wait3A_398] : memref<50176x32xf32, #tpu.memory_space<vmem_shared>> -> memref<50176x32xf32, #tpu.memory_space<vmem_shared>>
          tpu.wait_indirect_dma semaphore(%arg15 : memref<!tpu.dma_semaphore, #tpu.memory_space<semaphore_mem>>) src(%dma_wait3A_393 : memref<128x32xf32, #tpu.memory_space<vmem>>) dst(%dma_wait3A_399 : memref<50176x32xf32, #tpu.memory_space<vmem_shared>>)
        } else {
        }
        %add3A_155 = arith.constant 1 : i32
        %add3A_156 = arith.addi %mul3A_150, %add3A_155 : i32
        %mul3A_157 = arith.constant 3 : i32
        %mul3A_158 = arith.muli %add3A_156, %mul3A_157 : i32
        %add3A_159 = arith.addi %mul3A_22, %mul3A_158 : i32
        "tpu.region"() ({
          %run_scoped3A = tpu.sem_alloc : memref<!tpu.dma_semaphore, #tpu.memory_space<semaphore_mem>>
          %dma_start3A_361 = arith.constant 0 : i32
          %dma_start3A_362 = arith.constant 0 : i32
          %dma_start3A_363 = tpu.memref_slice %arg2[%add3A_159, %dma_start3A_361, %dma_start3A_362] : memref<6336x2x128xi32, #tpu.memory_space<hbm>> -> memref<3x2x128xi32, #tpu.memory_space<hbm>>
          %dma_start3A_364 = arith.constant 0 : i32
          %dma_start3A_365 = arith.constant 0 : i32
          %dma_start3A_366 = tpu.memref_slice %arg2[%add3A_159, %dma_start3A_364, %dma_start3A_365] : memref<6336x2x128xi32, #tpu.memory_space<hbm>> -> memref<3x2x128xi32, #tpu.memory_space<hbm>>
          tpu.enqueue_dma source(%dma_start3A_366 : memref<3x2x128xi32, #tpu.memory_space<hbm>>) target(%arg9 : memref<3x2x128xi32, #tpu.memory_space<vmem>>) target_semaphore(%run_scoped3A : memref<!tpu.dma_semaphore, #tpu.memory_space<semaphore_mem>>)
          %dma_wait3A_367 = arith.constant 0 : i32
          %dma_wait3A_368 = arith.constant 0 : i32
          %dma_wait3A_369 = tpu.memref_slice %arg2[%add3A_159, %dma_wait3A_367, %dma_wait3A_368] : memref<6336x2x128xi32, #tpu.memory_space<hbm>> -> memref<3x2x128xi32, #tpu.memory_space<hbm>>
          %dma_wait3A_370 = arith.constant 0 : i32
          %dma_wait3A_371 = arith.constant 0 : i32
          %dma_wait3A_372 = tpu.memref_slice %arg2[%add3A_159, %dma_wait3A_370, %dma_wait3A_371] : memref<6336x2x128xi32, #tpu.memory_space<hbm>> -> memref<3x2x128xi32, #tpu.memory_space<hbm>>
          tpu.wait_dma2 semaphore(%run_scoped3A : memref<!tpu.dma_semaphore, #tpu.memory_space<semaphore_mem>>) src(%dma_wait3A_372 : memref<3x2x128xi32, #tpu.memory_space<hbm>>) dst(%arg9 : memref<3x2x128xi32, #tpu.memory_space<vmem>>)
          tpu.yield
        }) : () -> ()
        %dma_start3A_160 = arith.constant 0 : i32
        %dma_start3A_161 = arith.constant 0 : i32
        %dma_start3A_162 = arith.constant 0 : i32
        %dma_start3A_163 = arith.constant 0 : i32
        %dma_start3A_164 = arith.constant 0 : i32
        %dma_start3A_165 = tpu.memref_slice %arg11[%dma_start3A_162, %dma_start3A_163, %dma_start3A_164] : memref<3x128x32xf32, #tpu.memory_space<vmem>> -> memref<1x128x32xf32, #tpu.memory_space<vmem>>
        %dma_start3A_166 = tpu.memref_squeeze %dma_start3A_165 : memref<1x128x32xf32, #tpu.memory_space<vmem>> -> memref<128x32xf32, #tpu.memory_space<vmem>>
        %dma_start3A_167 = arith.constant 0 : i32
        %dma_start3A_168 = tpu.memref_slice %arg9[%dma_start3A_160, %dma_start3A_161, %dma_start3A_167] : memref<3x2x128xi32, #tpu.memory_space<vmem>> -> memref<1x1x128xi32, #tpu.memory_space<vmem>>
        %dma_start3A_169 = tpu.memref_squeeze %dma_start3A_168 : memref<1x1x128xi32, #tpu.memory_space<vmem>> -> memref<128xi32, #tpu.memory_space<vmem>>
        %dma_start3A_170 = arith.constant 0 : i32
        %dma_start3A_171 = arith.constant 0 : i32
        %dma_start3A_172 = tpu.memref_slice %arg3[%dma_start3A_170, %dma_start3A_171] : memref<50000x32xf32, #tpu.memory_space<hbm>> -> memref<50000x32xf32, #tpu.memory_space<hbm>>
        tpu.enqueue_indirect_dma source(%dma_start3A_172 : memref<50000x32xf32, #tpu.memory_space<hbm>>) target(%dma_start3A_166 : memref<128x32xf32, #tpu.memory_space<vmem>>) offsets(%dma_start3A_169 : memref<128xi32, #tpu.memory_space<vmem>>) semaphore(%arg13 : memref<!tpu.dma_semaphore, #tpu.memory_space<semaphore_mem>>)
        %dma_start3A_173 = arith.constant 1 : i32
        %dma_start3A_174 = arith.constant 0 : i32
        %dma_start3A_175 = arith.constant 1 : i32
        %dma_start3A_176 = arith.constant 0 : i32
        %dma_start3A_177 = arith.constant 0 : i32
        %dma_start3A_178 = tpu.memref_slice %arg11[%dma_start3A_175, %dma_start3A_176, %dma_start3A_177] : memref<3x128x32xf32, #tpu.memory_space<vmem>> -> memref<1x128x32xf32, #tpu.memory_space<vmem>>
        %dma_start3A_179 = tpu.memref_squeeze %dma_start3A_178 : memref<1x128x32xf32, #tpu.memory_space<vmem>> -> memref<128x32xf32, #tpu.memory_space<vmem>>
        %dma_start3A_180 = arith.constant 0 : i32
        %dma_start3A_181 = tpu.memref_slice %arg9[%dma_start3A_173, %dma_start3A_174, %dma_start3A_180] : memref<3x2x128xi32, #tpu.memory_space<vmem>> -> memref<1x1x128xi32, #tpu.memory_space<vmem>>
        %dma_start3A_182 = tpu.memref_squeeze %dma_start3A_181 : memref<1x1x128xi32, #tpu.memory_space<vmem>> -> memref<128xi32, #tpu.memory_space<vmem>>
        %dma_start3A_183 = arith.constant 0 : i32
        %dma_start3A_184 = arith.constant 0 : i32
        %dma_start3A_185 = tpu.memref_slice %arg3[%dma_start3A_183, %dma_start3A_184] : memref<50000x32xf32, #tpu.memory_space<hbm>> -> memref<50000x32xf32, #tpu.memory_space<hbm>>
        tpu.enqueue_indirect_dma source(%dma_start3A_185 : memref<50000x32xf32, #tpu.memory_space<hbm>>) target(%dma_start3A_179 : memref<128x32xf32, #tpu.memory_space<vmem>>) offsets(%dma_start3A_182 : memref<128xi32, #tpu.memory_space<vmem>>) semaphore(%arg13 : memref<!tpu.dma_semaphore, #tpu.memory_space<semaphore_mem>>)
        %dma_start3A_186 = arith.constant 2 : i32
        %dma_start3A_187 = arith.constant 0 : i32
        %dma_start3A_188 = arith.constant 2 : i32
        %dma_start3A_189 = arith.constant 0 : i32
        %dma_start3A_190 = arith.constant 0 : i32
        %dma_start3A_191 = tpu.memref_slice %arg11[%dma_start3A_188, %dma_start3A_189, %dma_start3A_190] : memref<3x128x32xf32, #tpu.memory_space<vmem>> -> memref<1x128x32xf32, #tpu.memory_space<vmem>>
        %dma_start3A_192 = tpu.memref_squeeze %dma_start3A_191 : memref<1x128x32xf32, #tpu.memory_space<vmem>> -> memref<128x32xf32, #tpu.memory_space<vmem>>
        %dma_start3A_193 = arith.constant 0 : i32
        %dma_start3A_194 = tpu.memref_slice %arg9[%dma_start3A_186, %dma_start3A_187, %dma_start3A_193] : memref<3x2x128xi32, #tpu.memory_space<vmem>> -> memref<1x1x128xi32, #tpu.memory_space<vmem>>
        %dma_start3A_195 = tpu.memref_squeeze %dma_start3A_194 : memref<1x1x128xi32, #tpu.memory_space<vmem>> -> memref<128xi32, #tpu.memory_space<vmem>>
        %dma_start3A_196 = arith.constant 0 : i32
        %dma_start3A_197 = arith.constant 0 : i32
        %dma_start3A_198 = tpu.memref_slice %arg3[%dma_start3A_196, %dma_start3A_197] : memref<50000x32xf32, #tpu.memory_space<hbm>> -> memref<50000x32xf32, #tpu.memory_space<hbm>>
        tpu.enqueue_indirect_dma source(%dma_start3A_198 : memref<50000x32xf32, #tpu.memory_space<hbm>>) target(%dma_start3A_192 : memref<128x32xf32, #tpu.memory_space<vmem>>) offsets(%dma_start3A_195 : memref<128xi32, #tpu.memory_space<vmem>>) semaphore(%arg13 : memref<!tpu.dma_semaphore, #tpu.memory_space<semaphore_mem>>)
        %dma_wait3A_199 = arith.constant 0 : i32
        %dma_wait3A_200 = arith.constant 0 : i32
        %dma_wait3A_201 = arith.constant 0 : i32
        %dma_wait3A_202 = arith.constant 0 : i32
        %dma_wait3A_203 = arith.constant 0 : i32
        %dma_wait3A_204 = tpu.memref_slice %arg10[%dma_wait3A_201, %dma_wait3A_202, %dma_wait3A_203] : memref<3x128x32xf32, #tpu.memory_space<vmem>> -> memref<1x128x32xf32, #tpu.memory_space<vmem>>
        %dma_wait3A_205 = tpu.memref_squeeze %dma_wait3A_204 : memref<1x128x32xf32, #tpu.memory_space<vmem>> -> memref<128x32xf32, #tpu.memory_space<vmem>>
        %dma_wait3A_206 = arith.constant 0 : i32
        %dma_wait3A_207 = tpu.memref_slice %arg8[%dma_wait3A_199, %dma_wait3A_200, %dma_wait3A_206] : memref<3x2x128xi32, #tpu.memory_space<vmem>> -> memref<1x1x128xi32, #tpu.memory_space<vmem>>
        %dma_wait3A_208 = tpu.memref_squeeze %dma_wait3A_207 : memref<1x1x128xi32, #tpu.memory_space<vmem>> -> memref<128xi32, #tpu.memory_space<vmem>>
        %dma_wait3A_209 = arith.constant 0 : i32
        %dma_wait3A_210 = arith.constant 0 : i32
        %dma_wait3A_211 = tpu.memref_slice %arg3[%dma_wait3A_209, %dma_wait3A_210] : memref<50000x32xf32, #tpu.memory_space<hbm>> -> memref<50000x32xf32, #tpu.memory_space<hbm>>
        tpu.wait_indirect_dma semaphore(%arg12 : memref<!tpu.dma_semaphore, #tpu.memory_space<semaphore_mem>>) src(%dma_wait3A_211 : memref<50000x32xf32, #tpu.memory_space<hbm>>) dst(%dma_wait3A_205 : memref<128x32xf32, #tpu.memory_space<vmem>>)
        %dma_wait3A_212 = arith.constant 1 : i32
        %dma_wait3A_213 = arith.constant 0 : i32
        %dma_wait3A_214 = arith.constant 1 : i32
        %dma_wait3A_215 = arith.constant 0 : i32
        %dma_wait3A_216 = arith.constant 0 : i32
        %dma_wait3A_217 = tpu.memref_slice %arg10[%dma_wait3A_214, %dma_wait3A_215, %dma_wait3A_216] : memref<3x128x32xf32, #tpu.memory_space<vmem>> -> memref<1x128x32xf32, #tpu.memory_space<vmem>>
        %dma_wait3A_218 = tpu.memref_squeeze %dma_wait3A_217 : memref<1x128x32xf32, #tpu.memory_space<vmem>> -> memref<128x32xf32, #tpu.memory_space<vmem>>
        %dma_wait3A_219 = arith.constant 0 : i32
        %dma_wait3A_220 = tpu.memref_slice %arg8[%dma_wait3A_212, %dma_wait3A_213, %dma_wait3A_219] : memref<3x2x128xi32, #tpu.memory_space<vmem>> -> memref<1x1x128xi32, #tpu.memory_space<vmem>>
        %dma_wait3A_221 = tpu.memref_squeeze %dma_wait3A_220 : memref<1x1x128xi32, #tpu.memory_space<vmem>> -> memref<128xi32, #tpu.memory_space<vmem>>
        %dma_wait3A_222 = arith.constant 0 : i32
        %dma_wait3A_223 = arith.constant 0 : i32
        %dma_wait3A_224 = tpu.memref_slice %arg3[%dma_wait3A_222, %dma_wait3A_223] : memref<50000x32xf32, #tpu.memory_space<hbm>> -> memref<50000x32xf32, #tpu.memory_space<hbm>>
        tpu.wait_indirect_dma semaphore(%arg12 : memref<!tpu.dma_semaphore, #tpu.memory_space<semaphore_mem>>) src(%dma_wait3A_224 : memref<50000x32xf32, #tpu.memory_space<hbm>>) dst(%dma_wait3A_218 : memref<128x32xf32, #tpu.memory_space<vmem>>)
        %dma_wait3A_225 = arith.constant 2 : i32
        %dma_wait3A_226 = arith.constant 0 : i32
        %dma_wait3A_227 = arith.constant 2 : i32
        %dma_wait3A_228 = arith.constant 0 : i32
        %dma_wait3A_229 = arith.constant 0 : i32
        %dma_wait3A_230 = tpu.memref_slice %arg10[%dma_wait3A_227, %dma_wait3A_228, %dma_wait3A_229] : memref<3x128x32xf32, #tpu.memory_space<vmem>> -> memref<1x128x32xf32, #tpu.memory_space<vmem>>
        %dma_wait3A_231 = tpu.memref_squeeze %dma_wait3A_230 : memref<1x128x32xf32, #tpu.memory_space<vmem>> -> memref<128x32xf32, #tpu.memory_space<vmem>>
        %dma_wait3A_232 = arith.constant 0 : i32
        %dma_wait3A_233 = tpu.memref_slice %arg8[%dma_wait3A_225, %dma_wait3A_226, %dma_wait3A_232] : memref<3x2x128xi32, #tpu.memory_space<vmem>> -> memref<1x1x128xi32, #tpu.memory_space<vmem>>
        %dma_wait3A_234 = tpu.memref_squeeze %dma_wait3A_233 : memref<1x1x128xi32, #tpu.memory_space<vmem>> -> memref<128xi32, #tpu.memory_space<vmem>>
        %dma_wait3A_235 = arith.constant 0 : i32
        %dma_wait3A_236 = arith.constant 0 : i32
        %dma_wait3A_237 = tpu.memref_slice %arg3[%dma_wait3A_235, %dma_wait3A_236] : memref<50000x32xf32, #tpu.memory_space<hbm>> -> memref<50000x32xf32, #tpu.memory_space<hbm>>
        tpu.wait_indirect_dma semaphore(%arg12 : memref<!tpu.dma_semaphore, #tpu.memory_space<semaphore_mem>>) src(%dma_wait3A_237 : memref<50000x32xf32, #tpu.memory_space<hbm>>) dst(%dma_wait3A_231 : memref<128x32xf32, #tpu.memory_space<vmem>>)
        %dma_start3A_238 = arith.constant 0 : i32
        %dma_start3A_239 = arith.constant 0 : i32
        %dma_start3A_240 = arith.constant 1 : i32
        %dma_start3A_241 = arith.constant 0 : i32
        %dma_start3A_242 = arith.constant 0 : i32
        %dma_start3A_243 = tpu.memref_slice %arg10[%dma_start3A_238, %dma_start3A_241, %dma_start3A_242] : memref<3x128x32xf32, #tpu.memory_space<vmem>> -> memref<1x128x32xf32, #tpu.memory_space<vmem>>
        %dma_start3A_244 = tpu.memref_squeeze %dma_start3A_243 : memref<1x128x32xf32, #tpu.memory_space<vmem>> -> memref<128x32xf32, #tpu.memory_space<vmem>>
        %dma_start3A_245 = arith.constant 0 : i32
        %dma_start3A_246 = tpu.memref_slice %arg8[%dma_start3A_239, %dma_start3A_240, %dma_start3A_245] : memref<3x2x128xi32, #tpu.memory_space<vmem>> -> memref<1x1x128xi32, #tpu.memory_space<vmem>>
        %dma_start3A_247 = tpu.memref_squeeze %dma_start3A_246 : memref<1x1x128xi32, #tpu.memory_space<vmem>> -> memref<128xi32, #tpu.memory_space<vmem>>
        %dma_start3A_248 = arith.constant 0 : i32
        %dma_start3A_249 = arith.constant 0 : i32
        %dma_start3A_250 = tpu.memref_slice %arg16[%dma_start3A_248, %dma_start3A_249] : memref<50176x32xf32, #tpu.memory_space<vmem_shared>> -> memref<50176x32xf32, #tpu.memory_space<vmem_shared>>
        tpu.enqueue_indirect_dma source(%dma_start3A_244 : memref<128x32xf32, #tpu.memory_space<vmem>>) target(%dma_start3A_250 : memref<50176x32xf32, #tpu.memory_space<vmem_shared>>) offsets(%dma_start3A_247 : memref<128xi32, #tpu.memory_space<vmem>>) semaphore(%arg14 : memref<!tpu.dma_semaphore, #tpu.memory_space<semaphore_mem>>) {add = true}
        %dma_start3A_251 = arith.constant 1 : i32
        %dma_start3A_252 = arith.constant 1 : i32
        %dma_start3A_253 = arith.constant 1 : i32
        %dma_start3A_254 = arith.constant 0 : i32
        %dma_start3A_255 = arith.constant 0 : i32
        %dma_start3A_256 = tpu.memref_slice %arg10[%dma_start3A_251, %dma_start3A_254, %dma_start3A_255] : memref<3x128x32xf32, #tpu.memory_space<vmem>> -> memref<1x128x32xf32, #tpu.memory_space<vmem>>
        %dma_start3A_257 = tpu.memref_squeeze %dma_start3A_256 : memref<1x128x32xf32, #tpu.memory_space<vmem>> -> memref<128x32xf32, #tpu.memory_space<vmem>>
        %dma_start3A_258 = arith.constant 0 : i32
        %dma_start3A_259 = tpu.memref_slice %arg8[%dma_start3A_252, %dma_start3A_253, %dma_start3A_258] : memref<3x2x128xi32, #tpu.memory_space<vmem>> -> memref<1x1x128xi32, #tpu.memory_space<vmem>>
        %dma_start3A_260 = tpu.memref_squeeze %dma_start3A_259 : memref<1x1x128xi32, #tpu.memory_space<vmem>> -> memref<128xi32, #tpu.memory_space<vmem>>
        %dma_start3A_261 = arith.constant 0 : i32
        %dma_start3A_262 = arith.constant 0 : i32
        %dma_start3A_263 = tpu.memref_slice %arg16[%dma_start3A_261, %dma_start3A_262] : memref<50176x32xf32, #tpu.memory_space<vmem_shared>> -> memref<50176x32xf32, #tpu.memory_space<vmem_shared>>
        tpu.enqueue_indirect_dma source(%dma_start3A_257 : memref<128x32xf32, #tpu.memory_space<vmem>>) target(%dma_start3A_263 : memref<50176x32xf32, #tpu.memory_space<vmem_shared>>) offsets(%dma_start3A_260 : memref<128xi32, #tpu.memory_space<vmem>>) semaphore(%arg14 : memref<!tpu.dma_semaphore, #tpu.memory_space<semaphore_mem>>) {add = true}
        %dma_start3A_264 = arith.constant 2 : i32
        %dma_start3A_265 = arith.constant 2 : i32
        %dma_start3A_266 = arith.constant 1 : i32
        %dma_start3A_267 = arith.constant 0 : i32
        %dma_start3A_268 = arith.constant 0 : i32
        %dma_start3A_269 = tpu.memref_slice %arg10[%dma_start3A_264, %dma_start3A_267, %dma_start3A_268] : memref<3x128x32xf32, #tpu.memory_space<vmem>> -> memref<1x128x32xf32, #tpu.memory_space<vmem>>
        %dma_start3A_270 = tpu.memref_squeeze %dma_start3A_269 : memref<1x128x32xf32, #tpu.memory_space<vmem>> -> memref<128x32xf32, #tpu.memory_space<vmem>>
        %dma_start3A_271 = arith.constant 0 : i32
        %dma_start3A_272 = tpu.memref_slice %arg8[%dma_start3A_265, %dma_start3A_266, %dma_start3A_271] : memref<3x2x128xi32, #tpu.memory_space<vmem>> -> memref<1x1x128xi32, #tpu.memory_space<vmem>>
        %dma_start3A_273 = tpu.memref_squeeze %dma_start3A_272 : memref<1x1x128xi32, #tpu.memory_space<vmem>> -> memref<128xi32, #tpu.memory_space<vmem>>
        %dma_start3A_274 = arith.constant 0 : i32
        %dma_start3A_275 = arith.constant 0 : i32
        %dma_start3A_276 = tpu.memref_slice %arg16[%dma_start3A_274, %dma_start3A_275] : memref<50176x32xf32, #tpu.memory_space<vmem_shared>> -> memref<50176x32xf32, #tpu.memory_space<vmem_shared>>
        tpu.enqueue_indirect_dma source(%dma_start3A_270 : memref<128x32xf32, #tpu.memory_space<vmem>>) target(%dma_start3A_276 : memref<50176x32xf32, #tpu.memory_space<vmem_shared>>) offsets(%dma_start3A_273 : memref<128xi32, #tpu.memory_space<vmem>>) semaphore(%arg14 : memref<!tpu.dma_semaphore, #tpu.memory_space<semaphore_mem>>) {add = true}
        %add3A_277 = arith.constant 1 : i32
        %add3A_278 = arith.addi %scan3A_148, %add3A_277 : i32
        %lt3A = arith.constant 66 : i32
        %lt3A_279 = arith.cmpi slt, %add3A_278, %lt3A : i32
        %convert_element_type3A_280 = arith.extui %lt3A_279 : i1 to i32
        %cond3A_281 = arith.constant 0 : i32
        %cond3A_282 = arith.cmpi ne, %convert_element_type3A_280, %cond3A_281 : i32
        scf.if %cond3A_282 {
          %dma_wait3A_361 = arith.constant 0 : i32
          %dma_wait3A_362 = arith.constant 0 : i32
          %dma_wait3A_363 = arith.constant 1 : i32
          %dma_wait3A_364 = arith.constant 0 : i32
          %dma_wait3A_365 = arith.constant 0 : i32
          %dma_wait3A_366 = tpu.memref_slice %arg10[%dma_wait3A_361, %dma_wait3A_364, %dma_wait3A_365] : memref<3x128x32xf32, #tpu.memory_space<vmem>> -> memref<1x128x32xf32, #tpu.memory_space<vmem>>
          %dma_wait3A_367 = tpu.memref_squeeze %dma_wait3A_366 : memref<1x128x32xf32, #tpu.memory_space<vmem>> -> memref<128x32xf32, #tpu.memory_space<vmem>>
          %dma_wait3A_368 = arith.constant 0 : i32
          %dma_wait3A_369 = tpu.memref_slice %arg8[%dma_wait3A_362, %dma_wait3A_363, %dma_wait3A_368] : memref<3x2x128xi32, #tpu.memory_space<vmem>> -> memref<1x1x128xi32, #tpu.memory_space<vmem>>
          %dma_wait3A_370 = tpu.memref_squeeze %dma_wait3A_369 : memref<1x1x128xi32, #tpu.memory_space<vmem>> -> memref<128xi32, #tpu.memory_space<vmem>>
          %dma_wait3A_371 = arith.constant 0 : i32
          %dma_wait3A_372 = arith.constant 0 : i32
          %dma_wait3A_373 = tpu.memref_slice %arg16[%dma_wait3A_371, %dma_wait3A_372] : memref<50176x32xf32, #tpu.memory_space<vmem_shared>> -> memref<50176x32xf32, #tpu.memory_space<vmem_shared>>
          tpu.wait_indirect_dma semaphore(%arg14 : memref<!tpu.dma_semaphore, #tpu.memory_space<semaphore_mem>>) src(%dma_wait3A_367 : memref<128x32xf32, #tpu.memory_space<vmem>>) dst(%dma_wait3A_373 : memref<50176x32xf32, #tpu.memory_space<vmem_shared>>)
          %dma_wait3A_374 = arith.constant 1 : i32
          %dma_wait3A_375 = arith.constant 1 : i32
          %dma_wait3A_376 = arith.constant 1 : i32
          %dma_wait3A_377 = arith.constant 0 : i32
          %dma_wait3A_378 = arith.constant 0 : i32
          %dma_wait3A_379 = tpu.memref_slice %arg10[%dma_wait3A_374, %dma_wait3A_377, %dma_wait3A_378] : memref<3x128x32xf32, #tpu.memory_space<vmem>> -> memref<1x128x32xf32, #tpu.memory_space<vmem>>
          %dma_wait3A_380 = tpu.memref_squeeze %dma_wait3A_379 : memref<1x128x32xf32, #tpu.memory_space<vmem>> -> memref<128x32xf32, #tpu.memory_space<vmem>>
          %dma_wait3A_381 = arith.constant 0 : i32
          %dma_wait3A_382 = tpu.memref_slice %arg8[%dma_wait3A_375, %dma_wait3A_376, %dma_wait3A_381] : memref<3x2x128xi32, #tpu.memory_space<vmem>> -> memref<1x1x128xi32, #tpu.memory_space<vmem>>
          %dma_wait3A_383 = tpu.memref_squeeze %dma_wait3A_382 : memref<1x1x128xi32, #tpu.memory_space<vmem>> -> memref<128xi32, #tpu.memory_space<vmem>>
          %dma_wait3A_384 = arith.constant 0 : i32
          %dma_wait3A_385 = arith.constant 0 : i32
          %dma_wait3A_386 = tpu.memref_slice %arg16[%dma_wait3A_384, %dma_wait3A_385] : memref<50176x32xf32, #tpu.memory_space<vmem_shared>> -> memref<50176x32xf32, #tpu.memory_space<vmem_shared>>
          tpu.wait_indirect_dma semaphore(%arg14 : memref<!tpu.dma_semaphore, #tpu.memory_space<semaphore_mem>>) src(%dma_wait3A_380 : memref<128x32xf32, #tpu.memory_space<vmem>>) dst(%dma_wait3A_386 : memref<50176x32xf32, #tpu.memory_space<vmem_shared>>)
          %dma_wait3A_387 = arith.constant 2 : i32
          %dma_wait3A_388 = arith.constant 2 : i32
          %dma_wait3A_389 = arith.constant 1 : i32
          %dma_wait3A_390 = arith.constant 0 : i32
          %dma_wait3A_391 = arith.constant 0 : i32
          %dma_wait3A_392 = tpu.memref_slice %arg10[%dma_wait3A_387, %dma_wait3A_390, %dma_wait3A_391] : memref<3x128x32xf32, #tpu.memory_space<vmem>> -> memref<1x128x32xf32, #tpu.memory_space<vmem>>
          %dma_wait3A_393 = tpu.memref_squeeze %dma_wait3A_392 : memref<1x128x32xf32, #tpu.memory_space<vmem>> -> memref<128x32xf32, #tpu.memory_space<vmem>>
          %dma_wait3A_394 = arith.constant 0 : i32
          %dma_wait3A_395 = tpu.memref_slice %arg8[%dma_wait3A_388, %dma_wait3A_389, %dma_wait3A_394] : memref<3x2x128xi32, #tpu.memory_space<vmem>> -> memref<1x1x128xi32, #tpu.memory_space<vmem>>
          %dma_wait3A_396 = tpu.memref_squeeze %dma_wait3A_395 : memref<1x1x128xi32, #tpu.memory_space<vmem>> -> memref<128xi32, #tpu.memory_space<vmem>>
          %dma_wait3A_397 = arith.constant 0 : i32
          %dma_wait3A_398 = arith.constant 0 : i32
          %dma_wait3A_399 = tpu.memref_slice %arg16[%dma_wait3A_397, %dma_wait3A_398] : memref<50176x32xf32, #tpu.memory_space<vmem_shared>> -> memref<50176x32xf32, #tpu.memory_space<vmem_shared>>
          tpu.wait_indirect_dma semaphore(%arg14 : memref<!tpu.dma_semaphore, #tpu.memory_space<semaphore_mem>>) src(%dma_wait3A_393 : memref<128x32xf32, #tpu.memory_space<vmem>>) dst(%dma_wait3A_399 : memref<50176x32xf32, #tpu.memory_space<vmem_shared>>)
          %add3A_400 = arith.constant 2 : i32
          %add3A_401 = arith.addi %mul3A_150, %add3A_400 : i32
          %mul3A_402 = arith.constant 3 : i32
          %mul3A_403 = arith.muli %add3A_401, %mul3A_402 : i32
          %add3A_404 = arith.addi %mul3A_22, %mul3A_403 : i32
          "tpu.region"() ({
            %run_scoped3A = tpu.sem_alloc : memref<!tpu.dma_semaphore, #tpu.memory_space<semaphore_mem>>
            %dma_start3A_444 = arith.constant 0 : i32
            %dma_start3A_445 = arith.constant 0 : i32
            %dma_start3A_446 = tpu.memref_slice %arg2[%add3A_404, %dma_start3A_444, %dma_start3A_445] : memref<6336x2x128xi32, #tpu.memory_space<hbm>> -> memref<3x2x128xi32, #tpu.memory_space<hbm>>
            %dma_start3A_447 = arith.constant 0 : i32
            %dma_start3A_448 = arith.constant 0 : i32
            %dma_start3A_449 = tpu.memref_slice %arg2[%add3A_404, %dma_start3A_447, %dma_start3A_448] : memref<6336x2x128xi32, #tpu.memory_space<hbm>> -> memref<3x2x128xi32, #tpu.memory_space<hbm>>
            tpu.enqueue_dma source(%dma_start3A_449 : memref<3x2x128xi32, #tpu.memory_space<hbm>>) target(%arg8 : memref<3x2x128xi32, #tpu.memory_space<vmem>>) target_semaphore(%run_scoped3A : memref<!tpu.dma_semaphore, #tpu.memory_space<semaphore_mem>>)
            %dma_wait3A_450 = arith.constant 0 : i32
            %dma_wait3A_451 = arith.constant 0 : i32
            %dma_wait3A_452 = tpu.memref_slice %arg2[%add3A_404, %dma_wait3A_450, %dma_wait3A_451] : memref<6336x2x128xi32, #tpu.memory_space<hbm>> -> memref<3x2x128xi32, #tpu.memory_space<hbm>>
            %dma_wait3A_453 = arith.constant 0 : i32
            %dma_wait3A_454 = arith.constant 0 : i32
            %dma_wait3A_455 = tpu.memref_slice %arg2[%add3A_404, %dma_wait3A_453, %dma_wait3A_454] : memref<6336x2x128xi32, #tpu.memory_space<hbm>> -> memref<3x2x128xi32, #tpu.memory_space<hbm>>
            tpu.wait_dma2 semaphore(%run_scoped3A : memref<!tpu.dma_semaphore, #tpu.memory_space<semaphore_mem>>) src(%dma_wait3A_455 : memref<3x2x128xi32, #tpu.memory_space<hbm>>) dst(%arg8 : memref<3x2x128xi32, #tpu.memory_space<vmem>>)
            tpu.yield
          }) : () -> ()
          %dma_start3A_405 = arith.constant 0 : i32
          %dma_start3A_406 = arith.constant 0 : i32
          %dma_start3A_407 = arith.constant 0 : i32
          %dma_start3A_408 = arith.constant 0 : i32
          %dma_start3A_409 = arith.constant 0 : i32
          %dma_start3A_410 = tpu.memref_slice %arg10[%dma_start3A_407, %dma_start3A_408, %dma_start3A_409] : memref<3x128x32xf32, #tpu.memory_space<vmem>> -> memref<1x128x32xf32, #tpu.memory_space<vmem>>
          %dma_start3A_411 = tpu.memref_squeeze %dma_start3A_410 : memref<1x128x32xf32, #tpu.memory_space<vmem>> -> memref<128x32xf32, #tpu.memory_space<vmem>>
          %dma_start3A_412 = arith.constant 0 : i32
          %dma_start3A_413 = tpu.memref_slice %arg8[%dma_start3A_405, %dma_start3A_406, %dma_start3A_412] : memref<3x2x128xi32, #tpu.memory_space<vmem>> -> memref<1x1x128xi32, #tpu.memory_space<vmem>>
          %dma_start3A_414 = tpu.memref_squeeze %dma_start3A_413 : memref<1x1x128xi32, #tpu.memory_space<vmem>> -> memref<128xi32, #tpu.memory_space<vmem>>
          %dma_start3A_415 = arith.constant 0 : i32
          %dma_start3A_416 = arith.constant 0 : i32
          %dma_start3A_417 = tpu.memref_slice %arg3[%dma_start3A_415, %dma_start3A_416] : memref<50000x32xf32, #tpu.memory_space<hbm>> -> memref<50000x32xf32, #tpu.memory_space<hbm>>
          tpu.enqueue_indirect_dma source(%dma_start3A_417 : memref<50000x32xf32, #tpu.memory_space<hbm>>) target(%dma_start3A_411 : memref<128x32xf32, #tpu.memory_space<vmem>>) offsets(%dma_start3A_414 : memref<128xi32, #tpu.memory_space<vmem>>) semaphore(%arg12 : memref<!tpu.dma_semaphore, #tpu.memory_space<semaphore_mem>>)
          %dma_start3A_418 = arith.constant 1 : i32
          %dma_start3A_419 = arith.constant 0 : i32
          %dma_start3A_420 = arith.constant 1 : i32
          %dma_start3A_421 = arith.constant 0 : i32
          %dma_start3A_422 = arith.constant 0 : i32
          %dma_start3A_423 = tpu.memref_slice %arg10[%dma_start3A_420, %dma_start3A_421, %dma_start3A_422] : memref<3x128x32xf32, #tpu.memory_space<vmem>> -> memref<1x128x32xf32, #tpu.memory_space<vmem>>
          %dma_start3A_424 = tpu.memref_squeeze %dma_start3A_423 : memref<1x128x32xf32, #tpu.memory_space<vmem>> -> memref<128x32xf32, #tpu.memory_space<vmem>>
          %dma_start3A_425 = arith.constant 0 : i32
          %dma_start3A_426 = tpu.memref_slice %arg8[%dma_start3A_418, %dma_start3A_419, %dma_start3A_425] : memref<3x2x128xi32, #tpu.memory_space<vmem>> -> memref<1x1x128xi32, #tpu.memory_space<vmem>>
          %dma_start3A_427 = tpu.memref_squeeze %dma_start3A_426 : memref<1x1x128xi32, #tpu.memory_space<vmem>> -> memref<128xi32, #tpu.memory_space<vmem>>
          %dma_start3A_428 = arith.constant 0 : i32
          %dma_start3A_429 = arith.constant 0 : i32
          %dma_start3A_430 = tpu.memref_slice %arg3[%dma_start3A_428, %dma_start3A_429] : memref<50000x32xf32, #tpu.memory_space<hbm>> -> memref<50000x32xf32, #tpu.memory_space<hbm>>
          tpu.enqueue_indirect_dma source(%dma_start3A_430 : memref<50000x32xf32, #tpu.memory_space<hbm>>) target(%dma_start3A_424 : memref<128x32xf32, #tpu.memory_space<vmem>>) offsets(%dma_start3A_427 : memref<128xi32, #tpu.memory_space<vmem>>) semaphore(%arg12 : memref<!tpu.dma_semaphore, #tpu.memory_space<semaphore_mem>>)
          %dma_start3A_431 = arith.constant 2 : i32
          %dma_start3A_432 = arith.constant 0 : i32
          %dma_start3A_433 = arith.constant 2 : i32
          %dma_start3A_434 = arith.constant 0 : i32
          %dma_start3A_435 = arith.constant 0 : i32
          %dma_start3A_436 = tpu.memref_slice %arg10[%dma_start3A_433, %dma_start3A_434, %dma_start3A_435] : memref<3x128x32xf32, #tpu.memory_space<vmem>> -> memref<1x128x32xf32, #tpu.memory_space<vmem>>
          %dma_start3A_437 = tpu.memref_squeeze %dma_start3A_436 : memref<1x128x32xf32, #tpu.memory_space<vmem>> -> memref<128x32xf32, #tpu.memory_space<vmem>>
          %dma_start3A_438 = arith.constant 0 : i32
          %dma_start3A_439 = tpu.memref_slice %arg8[%dma_start3A_431, %dma_start3A_432, %dma_start3A_438] : memref<3x2x128xi32, #tpu.memory_space<vmem>> -> memref<1x1x128xi32, #tpu.memory_space<vmem>>
          %dma_start3A_440 = tpu.memref_squeeze %dma_start3A_439 : memref<1x1x128xi32, #tpu.memory_space<vmem>> -> memref<128xi32, #tpu.memory_space<vmem>>
          %dma_start3A_441 = arith.constant 0 : i32
          %dma_start3A_442 = arith.constant 0 : i32
          %dma_start3A_443 = tpu.memref_slice %arg3[%dma_start3A_441, %dma_start3A_442] : memref<50000x32xf32, #tpu.memory_space<hbm>> -> memref<50000x32xf32, #tpu.memory_space<hbm>>
          tpu.enqueue_indirect_dma source(%dma_start3A_443 : memref<50000x32xf32, #tpu.memory_space<hbm>>) target(%dma_start3A_437 : memref<128x32xf32, #tpu.memory_space<vmem>>) offsets(%dma_start3A_440 : memref<128xi32, #tpu.memory_space<vmem>>) semaphore(%arg12 : memref<!tpu.dma_semaphore, #tpu.memory_space<semaphore_mem>>)
        } else {
        }
        %dma_wait3A_283 = arith.constant 0 : i32
        %dma_wait3A_284 = arith.constant 0 : i32
        %dma_wait3A_285 = arith.constant 0 : i32
        %dma_wait3A_286 = arith.constant 0 : i32
        %dma_wait3A_287 = arith.constant 0 : i32
        %dma_wait3A_288 = tpu.memref_slice %arg11[%dma_wait3A_285, %dma_wait3A_286, %dma_wait3A_287] : memref<3x128x32xf32, #tpu.memory_space<vmem>> -> memref<1x128x32xf32, #tpu.memory_space<vmem>>
        %dma_wait3A_289 = tpu.memref_squeeze %dma_wait3A_288 : memref<1x128x32xf32, #tpu.memory_space<vmem>> -> memref<128x32xf32, #tpu.memory_space<vmem>>
        %dma_wait3A_290 = arith.constant 0 : i32
        %dma_wait3A_291 = tpu.memref_slice %arg9[%dma_wait3A_283, %dma_wait3A_284, %dma_wait3A_290] : memref<3x2x128xi32, #tpu.memory_space<vmem>> -> memref<1x1x128xi32, #tpu.memory_space<vmem>>
        %dma_wait3A_292 = tpu.memref_squeeze %dma_wait3A_291 : memref<1x1x128xi32, #tpu.memory_space<vmem>> -> memref<128xi32, #tpu.memory_space<vmem>>
        %dma_wait3A_293 = arith.constant 0 : i32
        %dma_wait3A_294 = arith.constant 0 : i32
        %dma_wait3A_295 = tpu.memref_slice %arg3[%dma_wait3A_293, %dma_wait3A_294] : memref<50000x32xf32, #tpu.memory_space<hbm>> -> memref<50000x32xf32, #tpu.memory_space<hbm>>
        tpu.wait_indirect_dma semaphore(%arg13 : memref<!tpu.dma_semaphore, #tpu.memory_space<semaphore_mem>>) src(%dma_wait3A_295 : memref<50000x32xf32, #tpu.memory_space<hbm>>) dst(%dma_wait3A_289 : memref<128x32xf32, #tpu.memory_space<vmem>>)
        %dma_wait3A_296 = arith.constant 1 : i32
        %dma_wait3A_297 = arith.constant 0 : i32
        %dma_wait3A_298 = arith.constant 1 : i32
        %dma_wait3A_299 = arith.constant 0 : i32
        %dma_wait3A_300 = arith.constant 0 : i32
        %dma_wait3A_301 = tpu.memref_slice %arg11[%dma_wait3A_298, %dma_wait3A_299, %dma_wait3A_300] : memref<3x128x32xf32, #tpu.memory_space<vmem>> -> memref<1x128x32xf32, #tpu.memory_space<vmem>>
        %dma_wait3A_302 = tpu.memref_squeeze %dma_wait3A_301 : memref<1x128x32xf32, #tpu.memory_space<vmem>> -> memref<128x32xf32, #tpu.memory_space<vmem>>
        %dma_wait3A_303 = arith.constant 0 : i32
        %dma_wait3A_304 = tpu.memref_slice %arg9[%dma_wait3A_296, %dma_wait3A_297, %dma_wait3A_303] : memref<3x2x128xi32, #tpu.memory_space<vmem>> -> memref<1x1x128xi32, #tpu.memory_space<vmem>>
        %dma_wait3A_305 = tpu.memref_squeeze %dma_wait3A_304 : memref<1x1x128xi32, #tpu.memory_space<vmem>> -> memref<128xi32, #tpu.memory_space<vmem>>
        %dma_wait3A_306 = arith.constant 0 : i32
        %dma_wait3A_307 = arith.constant 0 : i32
        %dma_wait3A_308 = tpu.memref_slice %arg3[%dma_wait3A_306, %dma_wait3A_307] : memref<50000x32xf32, #tpu.memory_space<hbm>> -> memref<50000x32xf32, #tpu.memory_space<hbm>>
        tpu.wait_indirect_dma semaphore(%arg13 : memref<!tpu.dma_semaphore, #tpu.memory_space<semaphore_mem>>) src(%dma_wait3A_308 : memref<50000x32xf32, #tpu.memory_space<hbm>>) dst(%dma_wait3A_302 : memref<128x32xf32, #tpu.memory_space<vmem>>)
        %dma_wait3A_309 = arith.constant 2 : i32
        %dma_wait3A_310 = arith.constant 0 : i32
        %dma_wait3A_311 = arith.constant 2 : i32
        %dma_wait3A_312 = arith.constant 0 : i32
        %dma_wait3A_313 = arith.constant 0 : i32
        %dma_wait3A_314 = tpu.memref_slice %arg11[%dma_wait3A_311, %dma_wait3A_312, %dma_wait3A_313] : memref<3x128x32xf32, #tpu.memory_space<vmem>> -> memref<1x128x32xf32, #tpu.memory_space<vmem>>
        %dma_wait3A_315 = tpu.memref_squeeze %dma_wait3A_314 : memref<1x128x32xf32, #tpu.memory_space<vmem>> -> memref<128x32xf32, #tpu.memory_space<vmem>>
        %dma_wait3A_316 = arith.constant 0 : i32
        %dma_wait3A_317 = tpu.memref_slice %arg9[%dma_wait3A_309, %dma_wait3A_310, %dma_wait3A_316] : memref<3x2x128xi32, #tpu.memory_space<vmem>> -> memref<1x1x128xi32, #tpu.memory_space<vmem>>
        %dma_wait3A_318 = tpu.memref_squeeze %dma_wait3A_317 : memref<1x1x128xi32, #tpu.memory_space<vmem>> -> memref<128xi32, #tpu.memory_space<vmem>>
        %dma_wait3A_319 = arith.constant 0 : i32
        %dma_wait3A_320 = arith.constant 0 : i32
        %dma_wait3A_321 = tpu.memref_slice %arg3[%dma_wait3A_319, %dma_wait3A_320] : memref<50000x32xf32, #tpu.memory_space<hbm>> -> memref<50000x32xf32, #tpu.memory_space<hbm>>
        tpu.wait_indirect_dma semaphore(%arg13 : memref<!tpu.dma_semaphore, #tpu.memory_space<semaphore_mem>>) src(%dma_wait3A_321 : memref<50000x32xf32, #tpu.memory_space<hbm>>) dst(%dma_wait3A_315 : memref<128x32xf32, #tpu.memory_space<vmem>>)
        %dma_start3A_322 = arith.constant 0 : i32
        %dma_start3A_323 = arith.constant 0 : i32
        %dma_start3A_324 = arith.constant 1 : i32
        %dma_start3A_325 = arith.constant 0 : i32
        %dma_start3A_326 = arith.constant 0 : i32
        %dma_start3A_327 = tpu.memref_slice %arg11[%dma_start3A_322, %dma_start3A_325, %dma_start3A_326] : memref<3x128x32xf32, #tpu.memory_space<vmem>> -> memref<1x128x32xf32, #tpu.memory_space<vmem>>
        %dma_start3A_328 = tpu.memref_squeeze %dma_start3A_327 : memref<1x128x32xf32, #tpu.memory_space<vmem>> -> memref<128x32xf32, #tpu.memory_space<vmem>>
        %dma_start3A_329 = arith.constant 0 : i32
        %dma_start3A_330 = tpu.memref_slice %arg9[%dma_start3A_323, %dma_start3A_324, %dma_start3A_329] : memref<3x2x128xi32, #tpu.memory_space<vmem>> -> memref<1x1x128xi32, #tpu.memory_space<vmem>>
        %dma_start3A_331 = tpu.memref_squeeze %dma_start3A_330 : memref<1x1x128xi32, #tpu.memory_space<vmem>> -> memref<128xi32, #tpu.memory_space<vmem>>
        %dma_start3A_332 = arith.constant 0 : i32
        %dma_start3A_333 = arith.constant 0 : i32
        %dma_start3A_334 = tpu.memref_slice %arg16[%dma_start3A_332, %dma_start3A_333] : memref<50176x32xf32, #tpu.memory_space<vmem_shared>> -> memref<50176x32xf32, #tpu.memory_space<vmem_shared>>
        tpu.enqueue_indirect_dma source(%dma_start3A_328 : memref<128x32xf32, #tpu.memory_space<vmem>>) target(%dma_start3A_334 : memref<50176x32xf32, #tpu.memory_space<vmem_shared>>) offsets(%dma_start3A_331 : memref<128xi32, #tpu.memory_space<vmem>>) semaphore(%arg15 : memref<!tpu.dma_semaphore, #tpu.memory_space<semaphore_mem>>) {add = true}
        %dma_start3A_335 = arith.constant 1 : i32
        %dma_start3A_336 = arith.constant 1 : i32
        %dma_start3A_337 = arith.constant 1 : i32
        %dma_start3A_338 = arith.constant 0 : i32
        %dma_start3A_339 = arith.constant 0 : i32
        %dma_start3A_340 = tpu.memref_slice %arg11[%dma_start3A_335, %dma_start3A_338, %dma_start3A_339] : memref<3x128x32xf32, #tpu.memory_space<vmem>> -> memref<1x128x32xf32, #tpu.memory_space<vmem>>
        %dma_start3A_341 = tpu.memref_squeeze %dma_start3A_340 : memref<1x128x32xf32, #tpu.memory_space<vmem>> -> memref<128x32xf32, #tpu.memory_space<vmem>>
        %dma_start3A_342 = arith.constant 0 : i32
        %dma_start3A_343 = tpu.memref_slice %arg9[%dma_start3A_336, %dma_start3A_337, %dma_start3A_342] : memref<3x2x128xi32, #tpu.memory_space<vmem>> -> memref<1x1x128xi32, #tpu.memory_space<vmem>>
        %dma_start3A_344 = tpu.memref_squeeze %dma_start3A_343 : memref<1x1x128xi32, #tpu.memory_space<vmem>> -> memref<128xi32, #tpu.memory_space<vmem>>
        %dma_start3A_345 = arith.constant 0 : i32
        %dma_start3A_346 = arith.constant 0 : i32
        %dma_start3A_347 = tpu.memref_slice %arg16[%dma_start3A_345, %dma_start3A_346] : memref<50176x32xf32, #tpu.memory_space<vmem_shared>> -> memref<50176x32xf32, #tpu.memory_space<vmem_shared>>
        tpu.enqueue_indirect_dma source(%dma_start3A_341 : memref<128x32xf32, #tpu.memory_space<vmem>>) target(%dma_start3A_347 : memref<50176x32xf32, #tpu.memory_space<vmem_shared>>) offsets(%dma_start3A_344 : memref<128xi32, #tpu.memory_space<vmem>>) semaphore(%arg15 : memref<!tpu.dma_semaphore, #tpu.memory_space<semaphore_mem>>) {add = true}
        %dma_start3A_348 = arith.constant 2 : i32
        %dma_start3A_349 = arith.constant 2 : i32
        %dma_start3A_350 = arith.constant 1 : i32
        %dma_start3A_351 = arith.constant 0 : i32
        %dma_start3A_352 = arith.constant 0 : i32
        %dma_start3A_353 = tpu.memref_slice %arg11[%dma_start3A_348, %dma_start3A_351, %dma_start3A_352] : memref<3x128x32xf32, #tpu.memory_space<vmem>> -> memref<1x128x32xf32, #tpu.memory_space<vmem>>
        %dma_start3A_354 = tpu.memref_squeeze %dma_start3A_353 : memref<1x128x32xf32, #tpu.memory_space<vmem>> -> memref<128x32xf32, #tpu.memory_space<vmem>>
        %dma_start3A_355 = arith.constant 0 : i32
        %dma_start3A_356 = tpu.memref_slice %arg9[%dma_start3A_349, %dma_start3A_350, %dma_start3A_355] : memref<3x2x128xi32, #tpu.memory_space<vmem>> -> memref<1x1x128xi32, #tpu.memory_space<vmem>>
        %dma_start3A_357 = tpu.memref_squeeze %dma_start3A_356 : memref<1x1x128xi32, #tpu.memory_space<vmem>> -> memref<128xi32, #tpu.memory_space<vmem>>
        %dma_start3A_358 = arith.constant 0 : i32
        %dma_start3A_359 = arith.constant 0 : i32
        %dma_start3A_360 = tpu.memref_slice %arg16[%dma_start3A_358, %dma_start3A_359] : memref<50176x32xf32, #tpu.memory_space<vmem_shared>> -> memref<50176x32xf32, #tpu.memory_space<vmem_shared>>
        tpu.enqueue_indirect_dma source(%dma_start3A_354 : memref<128x32xf32, #tpu.memory_space<vmem>>) target(%dma_start3A_360 : memref<50176x32xf32, #tpu.memory_space<vmem_shared>>) offsets(%dma_start3A_357 : memref<128xi32, #tpu.memory_space<vmem>>) semaphore(%arg15 : memref<!tpu.dma_semaphore, #tpu.memory_space<semaphore_mem>>) {add = true}
      }
      %scan3A_67 = arith.constant 66 : i32
      %dma_wait3A = arith.constant 0 : i32
      %dma_wait3A_68 = arith.constant 0 : i32
      %dma_wait3A_69 = arith.constant 1 : i32
      %dma_wait3A_70 = arith.constant 0 : i32
      %dma_wait3A_71 = arith.constant 0 : i32
      %dma_wait3A_72 = tpu.memref_slice %arg10[%dma_wait3A, %dma_wait3A_70, %dma_wait3A_71] : memref<3x128x32xf32, #tpu.memory_space<vmem>> -> memref<1x128x32xf32, #tpu.memory_space<vmem>>
      %dma_wait3A_73 = tpu.memref_squeeze %dma_wait3A_72 : memref<1x128x32xf32, #tpu.memory_space<vmem>> -> memref<128x32xf32, #tpu.memory_space<vmem>>
      %dma_wait3A_74 = arith.constant 0 : i32
      %dma_wait3A_75 = tpu.memref_slice %arg8[%dma_wait3A_68, %dma_wait3A_69, %dma_wait3A_74] : memref<3x2x128xi32, #tpu.memory_space<vmem>> -> memref<1x1x128xi32, #tpu.memory_space<vmem>>
      %dma_wait3A_76 = tpu.memref_squeeze %dma_wait3A_75 : memref<1x1x128xi32, #tpu.memory_space<vmem>> -> memref<128xi32, #tpu.memory_space<vmem>>
      %dma_wait3A_77 = arith.constant 0 : i32
      %dma_wait3A_78 = arith.constant 0 : i32
      %dma_wait3A_79 = tpu.memref_slice %arg16[%dma_wait3A_77, %dma_wait3A_78] : memref<50176x32xf32, #tpu.memory_space<vmem_shared>> -> memref<50176x32xf32, #tpu.memory_space<vmem_shared>>
      tpu.wait_indirect_dma semaphore(%arg14 : memref<!tpu.dma_semaphore, #tpu.memory_space<semaphore_mem>>) src(%dma_wait3A_73 : memref<128x32xf32, #tpu.memory_space<vmem>>) dst(%dma_wait3A_79 : memref<50176x32xf32, #tpu.memory_space<vmem_shared>>)
      %dma_wait3A_80 = arith.constant 1 : i32
      %dma_wait3A_81 = arith.constant 1 : i32
      %dma_wait3A_82 = arith.constant 1 : i32
      %dma_wait3A_83 = arith.constant 0 : i32
      %dma_wait3A_84 = arith.constant 0 : i32
      %dma_wait3A_85 = tpu.memref_slice %arg10[%dma_wait3A_80, %dma_wait3A_83, %dma_wait3A_84] : memref<3x128x32xf32, #tpu.memory_space<vmem>> -> memref<1x128x32xf32, #tpu.memory_space<vmem>>
      %dma_wait3A_86 = tpu.memref_squeeze %dma_wait3A_85 : memref<1x128x32xf32, #tpu.memory_space<vmem>> -> memref<128x32xf32, #tpu.memory_space<vmem>>
      %dma_wait3A_87 = arith.constant 0 : i32
      %dma_wait3A_88 = tpu.memref_slice %arg8[%dma_wait3A_81, %dma_wait3A_82, %dma_wait3A_87] : memref<3x2x128xi32, #tpu.memory_space<vmem>> -> memref<1x1x128xi32, #tpu.memory_space<vmem>>
      %dma_wait3A_89 = tpu.memref_squeeze %dma_wait3A_88 : memref<1x1x128xi32, #tpu.memory_space<vmem>> -> memref<128xi32, #tpu.memory_space<vmem>>
      %dma_wait3A_90 = arith.constant 0 : i32
      %dma_wait3A_91 = arith.constant 0 : i32
      %dma_wait3A_92 = tpu.memref_slice %arg16[%dma_wait3A_90, %dma_wait3A_91] : memref<50176x32xf32, #tpu.memory_space<vmem_shared>> -> memref<50176x32xf32, #tpu.memory_space<vmem_shared>>
      tpu.wait_indirect_dma semaphore(%arg14 : memref<!tpu.dma_semaphore, #tpu.memory_space<semaphore_mem>>) src(%dma_wait3A_86 : memref<128x32xf32, #tpu.memory_space<vmem>>) dst(%dma_wait3A_92 : memref<50176x32xf32, #tpu.memory_space<vmem_shared>>)
      %dma_wait3A_93 = arith.constant 2 : i32
      %dma_wait3A_94 = arith.constant 2 : i32
      %dma_wait3A_95 = arith.constant 1 : i32
      %dma_wait3A_96 = arith.constant 0 : i32
      %dma_wait3A_97 = arith.constant 0 : i32
      %dma_wait3A_98 = tpu.memref_slice %arg10[%dma_wait3A_93, %dma_wait3A_96, %dma_wait3A_97] : memref<3x128x32xf32, #tpu.memory_space<vmem>> -> memref<1x128x32xf32, #tpu.memory_space<vmem>>
      %dma_wait3A_99 = tpu.memref_squeeze %dma_wait3A_98 : memref<1x128x32xf32, #tpu.memory_space<vmem>> -> memref<128x32xf32, #tpu.memory_space<vmem>>
      %dma_wait3A_100 = arith.constant 0 : i32
      %dma_wait3A_101 = tpu.memref_slice %arg8[%dma_wait3A_94, %dma_wait3A_95, %dma_wait3A_100] : memref<3x2x128xi32, #tpu.memory_space<vmem>> -> memref<1x1x128xi32, #tpu.memory_space<vmem>>
      %dma_wait3A_102 = tpu.memref_squeeze %dma_wait3A_101 : memref<1x1x128xi32, #tpu.memory_space<vmem>> -> memref<128xi32, #tpu.memory_space<vmem>>
      %dma_wait3A_103 = arith.constant 0 : i32
      %dma_wait3A_104 = arith.constant 0 : i32
      %dma_wait3A_105 = tpu.memref_slice %arg16[%dma_wait3A_103, %dma_wait3A_104] : memref<50176x32xf32, #tpu.memory_space<vmem_shared>> -> memref<50176x32xf32, #tpu.memory_space<vmem_shared>>
      tpu.wait_indirect_dma semaphore(%arg14 : memref<!tpu.dma_semaphore, #tpu.memory_space<semaphore_mem>>) src(%dma_wait3A_99 : memref<128x32xf32, #tpu.memory_space<vmem>>) dst(%dma_wait3A_105 : memref<50176x32xf32, #tpu.memory_space<vmem_shared>>)
      %dma_wait3A_106 = arith.constant 0 : i32
      %dma_wait3A_107 = arith.constant 0 : i32
      %dma_wait3A_108 = arith.constant 1 : i32
      %dma_wait3A_109 = arith.constant 0 : i32
      %dma_wait3A_110 = arith.constant 0 : i32
      %dma_wait3A_111 = tpu.memref_slice %arg11[%dma_wait3A_106, %dma_wait3A_109, %dma_wait3A_110] : memref<3x128x32xf32, #tpu.memory_space<vmem>> -> memref<1x128x32xf32, #tpu.memory_space<vmem>>
      %dma_wait3A_112 = tpu.memref_squeeze %dma_wait3A_111 : memref<1x128x32xf32, #tpu.memory_space<vmem>> -> memref<128x32xf32, #tpu.memory_space<vmem>>
      %dma_wait3A_113 = arith.constant 0 : i32
      %dma_wait3A_114 = tpu.memref_slice %arg9[%dma_wait3A_107, %dma_wait3A_108, %dma_wait3A_113] : memref<3x2x128xi32, #tpu.memory_space<vmem>> -> memref<1x1x128xi32, #tpu.memory_space<vmem>>
      %dma_wait3A_115 = tpu.memref_squeeze %dma_wait3A_114 : memref<1x1x128xi32, #tpu.memory_space<vmem>> -> memref<128xi32, #tpu.memory_space<vmem>>
      %dma_wait3A_116 = arith.constant 0 : i32
      %dma_wait3A_117 = arith.constant 0 : i32
      %dma_wait3A_118 = tpu.memref_slice %arg16[%dma_wait3A_116, %dma_wait3A_117] : memref<50176x32xf32, #tpu.memory_space<vmem_shared>> -> memref<50176x32xf32, #tpu.memory_space<vmem_shared>>
      tpu.wait_indirect_dma semaphore(%arg15 : memref<!tpu.dma_semaphore, #tpu.memory_space<semaphore_mem>>) src(%dma_wait3A_112 : memref<128x32xf32, #tpu.memory_space<vmem>>) dst(%dma_wait3A_118 : memref<50176x32xf32, #tpu.memory_space<vmem_shared>>)
      %dma_wait3A_119 = arith.constant 1 : i32
      %dma_wait3A_120 = arith.constant 1 : i32
      %dma_wait3A_121 = arith.constant 1 : i32
      %dma_wait3A_122 = arith.constant 0 : i32
      %dma_wait3A_123 = arith.constant 0 : i32
      %dma_wait3A_124 = tpu.memref_slice %arg11[%dma_wait3A_119, %dma_wait3A_122, %dma_wait3A_123] : memref<3x128x32xf32, #tpu.memory_space<vmem>> -> memref<1x128x32xf32, #tpu.memory_space<vmem>>
      %dma_wait3A_125 = tpu.memref_squeeze %dma_wait3A_124 : memref<1x128x32xf32, #tpu.memory_space<vmem>> -> memref<128x32xf32, #tpu.memory_space<vmem>>
      %dma_wait3A_126 = arith.constant 0 : i32
      %dma_wait3A_127 = tpu.memref_slice %arg9[%dma_wait3A_120, %dma_wait3A_121, %dma_wait3A_126] : memref<3x2x128xi32, #tpu.memory_space<vmem>> -> memref<1x1x128xi32, #tpu.memory_space<vmem>>
      %dma_wait3A_128 = tpu.memref_squeeze %dma_wait3A_127 : memref<1x1x128xi32, #tpu.memory_space<vmem>> -> memref<128xi32, #tpu.memory_space<vmem>>
      %dma_wait3A_129 = arith.constant 0 : i32
      %dma_wait3A_130 = arith.constant 0 : i32
      %dma_wait3A_131 = tpu.memref_slice %arg16[%dma_wait3A_129, %dma_wait3A_130] : memref<50176x32xf32, #tpu.memory_space<vmem_shared>> -> memref<50176x32xf32, #tpu.memory_space<vmem_shared>>
      tpu.wait_indirect_dma semaphore(%arg15 : memref<!tpu.dma_semaphore, #tpu.memory_space<semaphore_mem>>) src(%dma_wait3A_125 : memref<128x32xf32, #tpu.memory_space<vmem>>) dst(%dma_wait3A_131 : memref<50176x32xf32, #tpu.memory_space<vmem_shared>>)
      %dma_wait3A_132 = arith.constant 2 : i32
      %dma_wait3A_133 = arith.constant 2 : i32
      %dma_wait3A_134 = arith.constant 1 : i32
      %dma_wait3A_135 = arith.constant 0 : i32
      %dma_wait3A_136 = arith.constant 0 : i32
      %dma_wait3A_137 = tpu.memref_slice %arg11[%dma_wait3A_132, %dma_wait3A_135, %dma_wait3A_136] : memref<3x128x32xf32, #tpu.memory_space<vmem>> -> memref<1x128x32xf32, #tpu.memory_space<vmem>>
      %dma_wait3A_138 = tpu.memref_squeeze %dma_wait3A_137 : memref<1x128x32xf32, #tpu.memory_space<vmem>> -> memref<128x32xf32, #tpu.memory_space<vmem>>
      %dma_wait3A_139 = arith.constant 0 : i32
      %dma_wait3A_140 = tpu.memref_slice %arg9[%dma_wait3A_133, %dma_wait3A_134, %dma_wait3A_139] : memref<3x2x128xi32, #tpu.memory_space<vmem>> -> memref<1x1x128xi32, #tpu.memory_space<vmem>>
      %dma_wait3A_141 = tpu.memref_squeeze %dma_wait3A_140 : memref<1x1x128xi32, #tpu.memory_space<vmem>> -> memref<128xi32, #tpu.memory_space<vmem>>
      %dma_wait3A_142 = arith.constant 0 : i32
      %dma_wait3A_143 = arith.constant 0 : i32
      %dma_wait3A_144 = tpu.memref_slice %arg16[%dma_wait3A_142, %dma_wait3A_143] : memref<50176x32xf32, #tpu.memory_space<vmem_shared>> -> memref<50176x32xf32, #tpu.memory_space<vmem_shared>>
      tpu.wait_indirect_dma semaphore(%arg15 : memref<!tpu.dma_semaphore, #tpu.memory_space<semaphore_mem>>) src(%dma_wait3A_138 : memref<128x32xf32, #tpu.memory_space<vmem>>) dst(%dma_wait3A_144 : memref<50176x32xf32, #tpu.memory_space<vmem_shared>>)
      %barrier3A_145 = arith.constant 0 : index
      tpu.barrier barrier_id(%barrier3A_145)
      %mul3A_146 = arith.constant 3136 : i32
      %mul3A_147 = arith.muli %arg1, %mul3A_146 : i32
      "tpu.region"() ({
        %run_scoped3A = tpu.sem_alloc : memref<!tpu.dma_semaphore, #tpu.memory_space<semaphore_mem>>
        %dma_start3A_148 = arith.constant 0 : i32
        %dma_start3A_149 = tpu.memref_slice %arg6[%mul3A_147, %dma_start3A_148] : memref<50176x32xf32, #tpu.memory_space<hbm>> -> memref<3136x32xf32, #tpu.memory_space<hbm>>
        %dma_start3A_150 = arith.constant 0 : i32
        %dma_start3A_151 = tpu.memref_slice %arg16[%mul3A_147, %dma_start3A_150] : memref<50176x32xf32, #tpu.memory_space<vmem_shared>> -> memref<3136x32xf32, #tpu.memory_space<vmem_shared>>
        tpu.enqueue_dma source(%dma_start3A_151 : memref<3136x32xf32, #tpu.memory_space<vmem_shared>>) target(%dma_start3A_149 : memref<3136x32xf32, #tpu.memory_space<hbm>>) target_semaphore(%run_scoped3A : memref<!tpu.dma_semaphore, #tpu.memory_space<semaphore_mem>>)
        %dma_wait3A_152 = arith.constant 0 : i32
        %dma_wait3A_153 = tpu.memref_slice %arg6[%mul3A_147, %dma_wait3A_152] : memref<50176x32xf32, #tpu.memory_space<hbm>> -> memref<3136x32xf32, #tpu.memory_space<hbm>>
        %dma_wait3A_154 = arith.constant 0 : i32
        %dma_wait3A_155 = tpu.memref_slice %arg16[%mul3A_147, %dma_wait3A_154] : memref<50176x32xf32, #tpu.memory_space<vmem_shared>> -> memref<3136x32xf32, #tpu.memory_space<vmem_shared>>
        tpu.wait_dma2 semaphore(%run_scoped3A : memref<!tpu.dma_semaphore, #tpu.memory_space<semaphore_mem>>) src(%dma_wait3A_155 : memref<3136x32xf32, #tpu.memory_space<vmem_shared>>) dst(%dma_wait3A_153 : memref<3136x32xf32, #tpu.memory_space<hbm>>)
        tpu.yield
      }) : () -> ()
    } else {
    }
    %eq3A_2 = arith.constant 1 : i32
    %eq3A_3 = arith.cmpi eq, %arg0, %eq3A_2 : i32
    %convert_element_type3A_4 = arith.extui %eq3A_3 : i1 to i32
    %cond3A_5 = arith.constant 0 : i32
    %cond3A_6 = arith.cmpi ne, %convert_element_type3A_4, %cond3A_5 : i32
    scf.if %cond3A_6 {
      %mul3A = arith.constant 3136 : i32
      %mul3A_7 = arith.muli %arg1, %mul3A : i32
      %add3A = arith.constant 0 : i32
      %add3A_8 = arith.addi %mul3A_7, %add3A : i32
      "tpu.region"() ({
        %run_scoped3A = tpu.sem_alloc : memref<!tpu.dma_semaphore, #tpu.memory_space<semaphore_mem>>
        %dma_start3A_148 = arith.constant 0 : i32
        %dma_start3A_149 = tpu.memref_slice %arg16[%add3A_8, %dma_start3A_148] : memref<50176x32xf32, #tpu.memory_space<vmem_shared>> -> memref<784x32xf32, #tpu.memory_space<vmem_shared>>
        tpu.enqueue_dma source(%arg5 : memref<784x32xf32, #tpu.memory_space<hbm>>) target(%dma_start3A_149 : memref<784x32xf32, #tpu.memory_space<vmem_shared>>) target_semaphore(%run_scoped3A : memref<!tpu.dma_semaphore, #tpu.memory_space<semaphore_mem>>)
        %dma_wait3A_150 = arith.constant 0 : i32
        %dma_wait3A_151 = tpu.memref_slice %arg16[%add3A_8, %dma_wait3A_150] : memref<50176x32xf32, #tpu.memory_space<vmem_shared>> -> memref<784x32xf32, #tpu.memory_space<vmem_shared>>
        tpu.wait_dma2 semaphore(%run_scoped3A : memref<!tpu.dma_semaphore, #tpu.memory_space<semaphore_mem>>) src(%arg5 : memref<784x32xf32, #tpu.memory_space<hbm>>) dst(%dma_wait3A_151 : memref<784x32xf32, #tpu.memory_space<vmem_shared>>)
        tpu.yield
      }) : () -> ()
      %mul3A_9 = arith.constant 3136 : i32
      %mul3A_10 = arith.muli %arg1, %mul3A_9 : i32
      %add3A_11 = arith.constant 784 : i32
      %add3A_12 = arith.addi %mul3A_10, %add3A_11 : i32
      "tpu.region"() ({
        %run_scoped3A = tpu.sem_alloc : memref<!tpu.dma_semaphore, #tpu.memory_space<semaphore_mem>>
        %dma_start3A_148 = arith.constant 0 : i32
        %dma_start3A_149 = tpu.memref_slice %arg16[%add3A_12, %dma_start3A_148] : memref<50176x32xf32, #tpu.memory_space<vmem_shared>> -> memref<784x32xf32, #tpu.memory_space<vmem_shared>>
        tpu.enqueue_dma source(%arg5 : memref<784x32xf32, #tpu.memory_space<hbm>>) target(%dma_start3A_149 : memref<784x32xf32, #tpu.memory_space<vmem_shared>>) target_semaphore(%run_scoped3A : memref<!tpu.dma_semaphore, #tpu.memory_space<semaphore_mem>>)
        %dma_wait3A_150 = arith.constant 0 : i32
        %dma_wait3A_151 = tpu.memref_slice %arg16[%add3A_12, %dma_wait3A_150] : memref<50176x32xf32, #tpu.memory_space<vmem_shared>> -> memref<784x32xf32, #tpu.memory_space<vmem_shared>>
        tpu.wait_dma2 semaphore(%run_scoped3A : memref<!tpu.dma_semaphore, #tpu.memory_space<semaphore_mem>>) src(%arg5 : memref<784x32xf32, #tpu.memory_space<hbm>>) dst(%dma_wait3A_151 : memref<784x32xf32, #tpu.memory_space<vmem_shared>>)
        tpu.yield
      }) : () -> ()
      %mul3A_13 = arith.constant 3136 : i32
      %mul3A_14 = arith.muli %arg1, %mul3A_13 : i32
      %add3A_15 = arith.constant 1568 : i32
      %add3A_16 = arith.addi %mul3A_14, %add3A_15 : i32
      "tpu.region"() ({
        %run_scoped3A = tpu.sem_alloc : memref<!tpu.dma_semaphore, #tpu.memory_space<semaphore_mem>>
        %dma_start3A_148 = arith.constant 0 : i32
        %dma_start3A_149 = tpu.memref_slice %arg16[%add3A_16, %dma_start3A_148] : memref<50176x32xf32, #tpu.memory_space<vmem_shared>> -> memref<784x32xf32, #tpu.memory_space<vmem_shared>>
        tpu.enqueue_dma source(%arg5 : memref<784x32xf32, #tpu.memory_space<hbm>>) target(%dma_start3A_149 : memref<784x32xf32, #tpu.memory_space<vmem_shared>>) target_semaphore(%run_scoped3A : memref<!tpu.dma_semaphore, #tpu.memory_space<semaphore_mem>>)
        %dma_wait3A_150 = arith.constant 0 : i32
        %dma_wait3A_151 = tpu.memref_slice %arg16[%add3A_16, %dma_wait3A_150] : memref<50176x32xf32, #tpu.memory_space<vmem_shared>> -> memref<784x32xf32, #tpu.memory_space<vmem_shared>>
        tpu.wait_dma2 semaphore(%run_scoped3A : memref<!tpu.dma_semaphore, #tpu.memory_space<semaphore_mem>>) src(%arg5 : memref<784x32xf32, #tpu.memory_space<hbm>>) dst(%dma_wait3A_151 : memref<784x32xf32, #tpu.memory_space<vmem_shared>>)
        tpu.yield
      }) : () -> ()
      %mul3A_17 = arith.constant 3136 : i32
      %mul3A_18 = arith.muli %arg1, %mul3A_17 : i32
      %add3A_19 = arith.constant 2352 : i32
      %add3A_20 = arith.addi %mul3A_18, %add3A_19 : i32
      "tpu.region"() ({
        %run_scoped3A = tpu.sem_alloc : memref<!tpu.dma_semaphore, #tpu.memory_space<semaphore_mem>>
        %dma_start3A_148 = arith.constant 0 : i32
        %dma_start3A_149 = tpu.memref_slice %arg16[%add3A_20, %dma_start3A_148] : memref<50176x32xf32, #tpu.memory_space<vmem_shared>> -> memref<784x32xf32, #tpu.memory_space<vmem_shared>>
        tpu.enqueue_dma source(%arg5 : memref<784x32xf32, #tpu.memory_space<hbm>>) target(%dma_start3A_149 : memref<784x32xf32, #tpu.memory_space<vmem_shared>>) target_semaphore(%run_scoped3A : memref<!tpu.dma_semaphore, #tpu.memory_space<semaphore_mem>>)
        %dma_wait3A_150 = arith.constant 0 : i32
        %dma_wait3A_151 = tpu.memref_slice %arg16[%add3A_20, %dma_wait3A_150] : memref<50176x32xf32, #tpu.memory_space<vmem_shared>> -> memref<784x32xf32, #tpu.memory_space<vmem_shared>>
        tpu.wait_dma2 semaphore(%run_scoped3A : memref<!tpu.dma_semaphore, #tpu.memory_space<semaphore_mem>>) src(%arg5 : memref<784x32xf32, #tpu.memory_space<hbm>>) dst(%dma_wait3A_151 : memref<784x32xf32, #tpu.memory_space<vmem_shared>>)
        tpu.yield
      }) : () -> ()
      %barrier3A = arith.constant 0 : index
      tpu.barrier barrier_id(%barrier3A)
      %mul3A_21 = arith.constant 396 : i32
      %mul3A_22 = arith.muli %arg1, %mul3A_21 : i32
      %add3A_23 = arith.constant 0 : i32
      %add3A_24 = arith.addi %mul3A_22, %add3A_23 : i32
      "tpu.region"() ({
        %run_scoped3A = tpu.sem_alloc : memref<!tpu.dma_semaphore, #tpu.memory_space<semaphore_mem>>
        %dma_start3A_148 = arith.constant 0 : i32
        %dma_start3A_149 = arith.constant 0 : i32
        %dma_start3A_150 = tpu.memref_slice %arg2[%add3A_24, %dma_start3A_148, %dma_start3A_149] : memref<6336x2x128xi32, #tpu.memory_space<hbm>> -> memref<3x2x128xi32, #tpu.memory_space<hbm>>
        %dma_start3A_151 = arith.constant 0 : i32
        %dma_start3A_152 = arith.constant 0 : i32
        %dma_start3A_153 = tpu.memref_slice %arg2[%add3A_24, %dma_start3A_151, %dma_start3A_152] : memref<6336x2x128xi32, #tpu.memory_space<hbm>> -> memref<3x2x128xi32, #tpu.memory_space<hbm>>
        tpu.enqueue_dma source(%dma_start3A_153 : memref<3x2x128xi32, #tpu.memory_space<hbm>>) target(%arg8 : memref<3x2x128xi32, #tpu.memory_space<vmem>>) target_semaphore(%run_scoped3A : memref<!tpu.dma_semaphore, #tpu.memory_space<semaphore_mem>>)
        %dma_wait3A_154 = arith.constant 0 : i32
        %dma_wait3A_155 = arith.constant 0 : i32
        %dma_wait3A_156 = tpu.memref_slice %arg2[%add3A_24, %dma_wait3A_154, %dma_wait3A_155] : memref<6336x2x128xi32, #tpu.memory_space<hbm>> -> memref<3x2x128xi32, #tpu.memory_space<hbm>>
        %dma_wait3A_157 = arith.constant 0 : i32
        %dma_wait3A_158 = arith.constant 0 : i32
        %dma_wait3A_159 = tpu.memref_slice %arg2[%add3A_24, %dma_wait3A_157, %dma_wait3A_158] : memref<6336x2x128xi32, #tpu.memory_space<hbm>> -> memref<3x2x128xi32, #tpu.memory_space<hbm>>
        tpu.wait_dma2 semaphore(%run_scoped3A : memref<!tpu.dma_semaphore, #tpu.memory_space<semaphore_mem>>) src(%dma_wait3A_159 : memref<3x2x128xi32, #tpu.memory_space<hbm>>) dst(%arg8 : memref<3x2x128xi32, #tpu.memory_space<vmem>>)
        tpu.yield
      }) : () -> ()
      %dma_start3A = arith.constant 0 : i32
      %dma_start3A_25 = arith.constant 0 : i32
      %dma_start3A_26 = arith.constant 0 : i32
      %dma_start3A_27 = arith.constant 0 : i32
      %dma_start3A_28 = arith.constant 0 : i32
      %dma_start3A_29 = tpu.memref_slice %arg10[%dma_start3A_26, %dma_start3A_27, %dma_start3A_28] : memref<3x128x32xf32, #tpu.memory_space<vmem>> -> memref<1x128x32xf32, #tpu.memory_space<vmem>>
      %dma_start3A_30 = tpu.memref_squeeze %dma_start3A_29 : memref<1x128x32xf32, #tpu.memory_space<vmem>> -> memref<128x32xf32, #tpu.memory_space<vmem>>
      %dma_start3A_31 = arith.constant 0 : i32
      %dma_start3A_32 = tpu.memref_slice %arg8[%dma_start3A, %dma_start3A_25, %dma_start3A_31] : memref<3x2x128xi32, #tpu.memory_space<vmem>> -> memref<1x1x128xi32, #tpu.memory_space<vmem>>
      %dma_start3A_33 = tpu.memref_squeeze %dma_start3A_32 : memref<1x1x128xi32, #tpu.memory_space<vmem>> -> memref<128xi32, #tpu.memory_space<vmem>>
      %dma_start3A_34 = arith.constant 0 : i32
      %dma_start3A_35 = arith.constant 0 : i32
      %dma_start3A_36 = tpu.memref_slice %arg4[%dma_start3A_34, %dma_start3A_35] : memref<50000x32xf32, #tpu.memory_space<hbm>> -> memref<50000x32xf32, #tpu.memory_space<hbm>>
      tpu.enqueue_indirect_dma source(%dma_start3A_36 : memref<50000x32xf32, #tpu.memory_space<hbm>>) target(%dma_start3A_30 : memref<128x32xf32, #tpu.memory_space<vmem>>) offsets(%dma_start3A_33 : memref<128xi32, #tpu.memory_space<vmem>>) semaphore(%arg12 : memref<!tpu.dma_semaphore, #tpu.memory_space<semaphore_mem>>)
      %dma_start3A_37 = arith.constant 1 : i32
      %dma_start3A_38 = arith.constant 0 : i32
      %dma_start3A_39 = arith.constant 1 : i32
      %dma_start3A_40 = arith.constant 0 : i32
      %dma_start3A_41 = arith.constant 0 : i32
      %dma_start3A_42 = tpu.memref_slice %arg10[%dma_start3A_39, %dma_start3A_40, %dma_start3A_41] : memref<3x128x32xf32, #tpu.memory_space<vmem>> -> memref<1x128x32xf32, #tpu.memory_space<vmem>>
      %dma_start3A_43 = tpu.memref_squeeze %dma_start3A_42 : memref<1x128x32xf32, #tpu.memory_space<vmem>> -> memref<128x32xf32, #tpu.memory_space<vmem>>
      %dma_start3A_44 = arith.constant 0 : i32
      %dma_start3A_45 = tpu.memref_slice %arg8[%dma_start3A_37, %dma_start3A_38, %dma_start3A_44] : memref<3x2x128xi32, #tpu.memory_space<vmem>> -> memref<1x1x128xi32, #tpu.memory_space<vmem>>
      %dma_start3A_46 = tpu.memref_squeeze %dma_start3A_45 : memref<1x1x128xi32, #tpu.memory_space<vmem>> -> memref<128xi32, #tpu.memory_space<vmem>>
      %dma_start3A_47 = arith.constant 0 : i32
      %dma_start3A_48 = arith.constant 0 : i32
      %dma_start3A_49 = tpu.memref_slice %arg4[%dma_start3A_47, %dma_start3A_48] : memref<50000x32xf32, #tpu.memory_space<hbm>> -> memref<50000x32xf32, #tpu.memory_space<hbm>>
      tpu.enqueue_indirect_dma source(%dma_start3A_49 : memref<50000x32xf32, #tpu.memory_space<hbm>>) target(%dma_start3A_43 : memref<128x32xf32, #tpu.memory_space<vmem>>) offsets(%dma_start3A_46 : memref<128xi32, #tpu.memory_space<vmem>>) semaphore(%arg12 : memref<!tpu.dma_semaphore, #tpu.memory_space<semaphore_mem>>)
      %dma_start3A_50 = arith.constant 2 : i32
      %dma_start3A_51 = arith.constant 0 : i32
      %dma_start3A_52 = arith.constant 2 : i32
      %dma_start3A_53 = arith.constant 0 : i32
      %dma_start3A_54 = arith.constant 0 : i32
      %dma_start3A_55 = tpu.memref_slice %arg10[%dma_start3A_52, %dma_start3A_53, %dma_start3A_54] : memref<3x128x32xf32, #tpu.memory_space<vmem>> -> memref<1x128x32xf32, #tpu.memory_space<vmem>>
      %dma_start3A_56 = tpu.memref_squeeze %dma_start3A_55 : memref<1x128x32xf32, #tpu.memory_space<vmem>> -> memref<128x32xf32, #tpu.memory_space<vmem>>
      %dma_start3A_57 = arith.constant 0 : i32
      %dma_start3A_58 = tpu.memref_slice %arg8[%dma_start3A_50, %dma_start3A_51, %dma_start3A_57] : memref<3x2x128xi32, #tpu.memory_space<vmem>> -> memref<1x1x128xi32, #tpu.memory_space<vmem>>
      %dma_start3A_59 = tpu.memref_squeeze %dma_start3A_58 : memref<1x1x128xi32, #tpu.memory_space<vmem>> -> memref<128xi32, #tpu.memory_space<vmem>>
      %dma_start3A_60 = arith.constant 0 : i32
      %dma_start3A_61 = arith.constant 0 : i32
      %dma_start3A_62 = tpu.memref_slice %arg4[%dma_start3A_60, %dma_start3A_61] : memref<50000x32xf32, #tpu.memory_space<hbm>> -> memref<50000x32xf32, #tpu.memory_space<hbm>>
      tpu.enqueue_indirect_dma source(%dma_start3A_62 : memref<50000x32xf32, #tpu.memory_space<hbm>>) target(%dma_start3A_56 : memref<128x32xf32, #tpu.memory_space<vmem>>) offsets(%dma_start3A_59 : memref<128xi32, #tpu.memory_space<vmem>>) semaphore(%arg12 : memref<!tpu.dma_semaphore, #tpu.memory_space<semaphore_mem>>)
      %scan3A = arith.constant 0 : i32
      %scan3A_63 = arith.constant 0 : i32
      %scan3A_64 = arith.constant 66 : i32
      %scan3A_65 = arith.addi %scan3A_63, %scan3A_64 : i32
      %scan3A_66 = arith.constant 1 : i32
      scf.for %scan3A_148 = %scan3A_63 to %scan3A_65 step %scan3A_66  : i32 {
        %mul3A_149 = arith.constant 2 : i32
        %mul3A_150 = arith.muli %mul3A_149, %scan3A_148 : i32
        %gt3A = arith.constant 0 : i32
        %gt3A_151 = arith.cmpi sgt, %scan3A_148, %gt3A : i32
        %convert_element_type3A_152 = arith.extui %gt3A_151 : i1 to i32
        %cond3A_153 = arith.constant 0 : i32
        %cond3A_154 = arith.cmpi ne, %convert_element_type3A_152, %cond3A_153 : i32
        scf.if %cond3A_154 {
          %dma_wait3A_361 = arith.constant 0 : i32
          %dma_wait3A_362 = arith.constant 0 : i32
          %dma_wait3A_363 = arith.constant 1 : i32
          %dma_wait3A_364 = arith.constant 0 : i32
          %dma_wait3A_365 = arith.constant 0 : i32
          %dma_wait3A_366 = tpu.memref_slice %arg11[%dma_wait3A_361, %dma_wait3A_364, %dma_wait3A_365] : memref<3x128x32xf32, #tpu.memory_space<vmem>> -> memref<1x128x32xf32, #tpu.memory_space<vmem>>
          %dma_wait3A_367 = tpu.memref_squeeze %dma_wait3A_366 : memref<1x128x32xf32, #tpu.memory_space<vmem>> -> memref<128x32xf32, #tpu.memory_space<vmem>>
          %dma_wait3A_368 = arith.constant 0 : i32
          %dma_wait3A_369 = tpu.memref_slice %arg9[%dma_wait3A_362, %dma_wait3A_363, %dma_wait3A_368] : memref<3x2x128xi32, #tpu.memory_space<vmem>> -> memref<1x1x128xi32, #tpu.memory_space<vmem>>
          %dma_wait3A_370 = tpu.memref_squeeze %dma_wait3A_369 : memref<1x1x128xi32, #tpu.memory_space<vmem>> -> memref<128xi32, #tpu.memory_space<vmem>>
          %dma_wait3A_371 = arith.constant 0 : i32
          %dma_wait3A_372 = arith.constant 0 : i32
          %dma_wait3A_373 = tpu.memref_slice %arg16[%dma_wait3A_371, %dma_wait3A_372] : memref<50176x32xf32, #tpu.memory_space<vmem_shared>> -> memref<50176x32xf32, #tpu.memory_space<vmem_shared>>
          tpu.wait_indirect_dma semaphore(%arg15 : memref<!tpu.dma_semaphore, #tpu.memory_space<semaphore_mem>>) src(%dma_wait3A_367 : memref<128x32xf32, #tpu.memory_space<vmem>>) dst(%dma_wait3A_373 : memref<50176x32xf32, #tpu.memory_space<vmem_shared>>)
          %dma_wait3A_374 = arith.constant 1 : i32
          %dma_wait3A_375 = arith.constant 1 : i32
          %dma_wait3A_376 = arith.constant 1 : i32
          %dma_wait3A_377 = arith.constant 0 : i32
          %dma_wait3A_378 = arith.constant 0 : i32
          %dma_wait3A_379 = tpu.memref_slice %arg11[%dma_wait3A_374, %dma_wait3A_377, %dma_wait3A_378] : memref<3x128x32xf32, #tpu.memory_space<vmem>> -> memref<1x128x32xf32, #tpu.memory_space<vmem>>
          %dma_wait3A_380 = tpu.memref_squeeze %dma_wait3A_379 : memref<1x128x32xf32, #tpu.memory_space<vmem>> -> memref<128x32xf32, #tpu.memory_space<vmem>>
          %dma_wait3A_381 = arith.constant 0 : i32
          %dma_wait3A_382 = tpu.memref_slice %arg9[%dma_wait3A_375, %dma_wait3A_376, %dma_wait3A_381] : memref<3x2x128xi32, #tpu.memory_space<vmem>> -> memref<1x1x128xi32, #tpu.memory_space<vmem>>
          %dma_wait3A_383 = tpu.memref_squeeze %dma_wait3A_382 : memref<1x1x128xi32, #tpu.memory_space<vmem>> -> memref<128xi32, #tpu.memory_space<vmem>>
          %dma_wait3A_384 = arith.constant 0 : i32
          %dma_wait3A_385 = arith.constant 0 : i32
          %dma_wait3A_386 = tpu.memref_slice %arg16[%dma_wait3A_384, %dma_wait3A_385] : memref<50176x32xf32, #tpu.memory_space<vmem_shared>> -> memref<50176x32xf32, #tpu.memory_space<vmem_shared>>
          tpu.wait_indirect_dma semaphore(%arg15 : memref<!tpu.dma_semaphore, #tpu.memory_space<semaphore_mem>>) src(%dma_wait3A_380 : memref<128x32xf32, #tpu.memory_space<vmem>>) dst(%dma_wait3A_386 : memref<50176x32xf32, #tpu.memory_space<vmem_shared>>)
          %dma_wait3A_387 = arith.constant 2 : i32
          %dma_wait3A_388 = arith.constant 2 : i32
          %dma_wait3A_389 = arith.constant 1 : i32
          %dma_wait3A_390 = arith.constant 0 : i32
          %dma_wait3A_391 = arith.constant 0 : i32
          %dma_wait3A_392 = tpu.memref_slice %arg11[%dma_wait3A_387, %dma_wait3A_390, %dma_wait3A_391] : memref<3x128x32xf32, #tpu.memory_space<vmem>> -> memref<1x128x32xf32, #tpu.memory_space<vmem>>
          %dma_wait3A_393 = tpu.memref_squeeze %dma_wait3A_392 : memref<1x128x32xf32, #tpu.memory_space<vmem>> -> memref<128x32xf32, #tpu.memory_space<vmem>>
          %dma_wait3A_394 = arith.constant 0 : i32
          %dma_wait3A_395 = tpu.memref_slice %arg9[%dma_wait3A_388, %dma_wait3A_389, %dma_wait3A_394] : memref<3x2x128xi32, #tpu.memory_space<vmem>> -> memref<1x1x128xi32, #tpu.memory_space<vmem>>
          %dma_wait3A_396 = tpu.memref_squeeze %dma_wait3A_395 : memref<1x1x128xi32, #tpu.memory_space<vmem>> -> memref<128xi32, #tpu.memory_space<vmem>>
          %dma_wait3A_397 = arith.constant 0 : i32
          %dma_wait3A_398 = arith.constant 0 : i32
          %dma_wait3A_399 = tpu.memref_slice %arg16[%dma_wait3A_397, %dma_wait3A_398] : memref<50176x32xf32, #tpu.memory_space<vmem_shared>> -> memref<50176x32xf32, #tpu.memory_space<vmem_shared>>
          tpu.wait_indirect_dma semaphore(%arg15 : memref<!tpu.dma_semaphore, #tpu.memory_space<semaphore_mem>>) src(%dma_wait3A_393 : memref<128x32xf32, #tpu.memory_space<vmem>>) dst(%dma_wait3A_399 : memref<50176x32xf32, #tpu.memory_space<vmem_shared>>)
        } else {
        }
        %add3A_155 = arith.constant 1 : i32
        %add3A_156 = arith.addi %mul3A_150, %add3A_155 : i32
        %mul3A_157 = arith.constant 3 : i32
        %mul3A_158 = arith.muli %add3A_156, %mul3A_157 : i32
        %add3A_159 = arith.addi %mul3A_22, %mul3A_158 : i32
        "tpu.region"() ({
          %run_scoped3A = tpu.sem_alloc : memref<!tpu.dma_semaphore, #tpu.memory_space<semaphore_mem>>
          %dma_start3A_361 = arith.constant 0 : i32
          %dma_start3A_362 = arith.constant 0 : i32
          %dma_start3A_363 = tpu.memref_slice %arg2[%add3A_159, %dma_start3A_361, %dma_start3A_362] : memref<6336x2x128xi32, #tpu.memory_space<hbm>> -> memref<3x2x128xi32, #tpu.memory_space<hbm>>
          %dma_start3A_364 = arith.constant 0 : i32
          %dma_start3A_365 = arith.constant 0 : i32
          %dma_start3A_366 = tpu.memref_slice %arg2[%add3A_159, %dma_start3A_364, %dma_start3A_365] : memref<6336x2x128xi32, #tpu.memory_space<hbm>> -> memref<3x2x128xi32, #tpu.memory_space<hbm>>
          tpu.enqueue_dma source(%dma_start3A_366 : memref<3x2x128xi32, #tpu.memory_space<hbm>>) target(%arg9 : memref<3x2x128xi32, #tpu.memory_space<vmem>>) target_semaphore(%run_scoped3A : memref<!tpu.dma_semaphore, #tpu.memory_space<semaphore_mem>>)
          %dma_wait3A_367 = arith.constant 0 : i32
          %dma_wait3A_368 = arith.constant 0 : i32
          %dma_wait3A_369 = tpu.memref_slice %arg2[%add3A_159, %dma_wait3A_367, %dma_wait3A_368] : memref<6336x2x128xi32, #tpu.memory_space<hbm>> -> memref<3x2x128xi32, #tpu.memory_space<hbm>>
          %dma_wait3A_370 = arith.constant 0 : i32
          %dma_wait3A_371 = arith.constant 0 : i32
          %dma_wait3A_372 = tpu.memref_slice %arg2[%add3A_159, %dma_wait3A_370, %dma_wait3A_371] : memref<6336x2x128xi32, #tpu.memory_space<hbm>> -> memref<3x2x128xi32, #tpu.memory_space<hbm>>
          tpu.wait_dma2 semaphore(%run_scoped3A : memref<!tpu.dma_semaphore, #tpu.memory_space<semaphore_mem>>) src(%dma_wait3A_372 : memref<3x2x128xi32, #tpu.memory_space<hbm>>) dst(%arg9 : memref<3x2x128xi32, #tpu.memory_space<vmem>>)
          tpu.yield
        }) : () -> ()
        %dma_start3A_160 = arith.constant 0 : i32
        %dma_start3A_161 = arith.constant 0 : i32
        %dma_start3A_162 = arith.constant 0 : i32
        %dma_start3A_163 = arith.constant 0 : i32
        %dma_start3A_164 = arith.constant 0 : i32
        %dma_start3A_165 = tpu.memref_slice %arg11[%dma_start3A_162, %dma_start3A_163, %dma_start3A_164] : memref<3x128x32xf32, #tpu.memory_space<vmem>> -> memref<1x128x32xf32, #tpu.memory_space<vmem>>
        %dma_start3A_166 = tpu.memref_squeeze %dma_start3A_165 : memref<1x128x32xf32, #tpu.memory_space<vmem>> -> memref<128x32xf32, #tpu.memory_space<vmem>>
        %dma_start3A_167 = arith.constant 0 : i32
        %dma_start3A_168 = tpu.memref_slice %arg9[%dma_start3A_160, %dma_start3A_161, %dma_start3A_167] : memref<3x2x128xi32, #tpu.memory_space<vmem>> -> memref<1x1x128xi32, #tpu.memory_space<vmem>>
        %dma_start3A_169 = tpu.memref_squeeze %dma_start3A_168 : memref<1x1x128xi32, #tpu.memory_space<vmem>> -> memref<128xi32, #tpu.memory_space<vmem>>
        %dma_start3A_170 = arith.constant 0 : i32
        %dma_start3A_171 = arith.constant 0 : i32
        %dma_start3A_172 = tpu.memref_slice %arg4[%dma_start3A_170, %dma_start3A_171] : memref<50000x32xf32, #tpu.memory_space<hbm>> -> memref<50000x32xf32, #tpu.memory_space<hbm>>
        tpu.enqueue_indirect_dma source(%dma_start3A_172 : memref<50000x32xf32, #tpu.memory_space<hbm>>) target(%dma_start3A_166 : memref<128x32xf32, #tpu.memory_space<vmem>>) offsets(%dma_start3A_169 : memref<128xi32, #tpu.memory_space<vmem>>) semaphore(%arg13 : memref<!tpu.dma_semaphore, #tpu.memory_space<semaphore_mem>>)
        %dma_start3A_173 = arith.constant 1 : i32
        %dma_start3A_174 = arith.constant 0 : i32
        %dma_start3A_175 = arith.constant 1 : i32
        %dma_start3A_176 = arith.constant 0 : i32
        %dma_start3A_177 = arith.constant 0 : i32
        %dma_start3A_178 = tpu.memref_slice %arg11[%dma_start3A_175, %dma_start3A_176, %dma_start3A_177] : memref<3x128x32xf32, #tpu.memory_space<vmem>> -> memref<1x128x32xf32, #tpu.memory_space<vmem>>
        %dma_start3A_179 = tpu.memref_squeeze %dma_start3A_178 : memref<1x128x32xf32, #tpu.memory_space<vmem>> -> memref<128x32xf32, #tpu.memory_space<vmem>>
        %dma_start3A_180 = arith.constant 0 : i32
        %dma_start3A_181 = tpu.memref_slice %arg9[%dma_start3A_173, %dma_start3A_174, %dma_start3A_180] : memref<3x2x128xi32, #tpu.memory_space<vmem>> -> memref<1x1x128xi32, #tpu.memory_space<vmem>>
        %dma_start3A_182 = tpu.memref_squeeze %dma_start3A_181 : memref<1x1x128xi32, #tpu.memory_space<vmem>> -> memref<128xi32, #tpu.memory_space<vmem>>
        %dma_start3A_183 = arith.constant 0 : i32
        %dma_start3A_184 = arith.constant 0 : i32
        %dma_start3A_185 = tpu.memref_slice %arg4[%dma_start3A_183, %dma_start3A_184] : memref<50000x32xf32, #tpu.memory_space<hbm>> -> memref<50000x32xf32, #tpu.memory_space<hbm>>
        tpu.enqueue_indirect_dma source(%dma_start3A_185 : memref<50000x32xf32, #tpu.memory_space<hbm>>) target(%dma_start3A_179 : memref<128x32xf32, #tpu.memory_space<vmem>>) offsets(%dma_start3A_182 : memref<128xi32, #tpu.memory_space<vmem>>) semaphore(%arg13 : memref<!tpu.dma_semaphore, #tpu.memory_space<semaphore_mem>>)
        %dma_start3A_186 = arith.constant 2 : i32
        %dma_start3A_187 = arith.constant 0 : i32
        %dma_start3A_188 = arith.constant 2 : i32
        %dma_start3A_189 = arith.constant 0 : i32
        %dma_start3A_190 = arith.constant 0 : i32
        %dma_start3A_191 = tpu.memref_slice %arg11[%dma_start3A_188, %dma_start3A_189, %dma_start3A_190] : memref<3x128x32xf32, #tpu.memory_space<vmem>> -> memref<1x128x32xf32, #tpu.memory_space<vmem>>
        %dma_start3A_192 = tpu.memref_squeeze %dma_start3A_191 : memref<1x128x32xf32, #tpu.memory_space<vmem>> -> memref<128x32xf32, #tpu.memory_space<vmem>>
        %dma_start3A_193 = arith.constant 0 : i32
        %dma_start3A_194 = tpu.memref_slice %arg9[%dma_start3A_186, %dma_start3A_187, %dma_start3A_193] : memref<3x2x128xi32, #tpu.memory_space<vmem>> -> memref<1x1x128xi32, #tpu.memory_space<vmem>>
        %dma_start3A_195 = tpu.memref_squeeze %dma_start3A_194 : memref<1x1x128xi32, #tpu.memory_space<vmem>> -> memref<128xi32, #tpu.memory_space<vmem>>
        %dma_start3A_196 = arith.constant 0 : i32
        %dma_start3A_197 = arith.constant 0 : i32
        %dma_start3A_198 = tpu.memref_slice %arg4[%dma_start3A_196, %dma_start3A_197] : memref<50000x32xf32, #tpu.memory_space<hbm>> -> memref<50000x32xf32, #tpu.memory_space<hbm>>
        tpu.enqueue_indirect_dma source(%dma_start3A_198 : memref<50000x32xf32, #tpu.memory_space<hbm>>) target(%dma_start3A_192 : memref<128x32xf32, #tpu.memory_space<vmem>>) offsets(%dma_start3A_195 : memref<128xi32, #tpu.memory_space<vmem>>) semaphore(%arg13 : memref<!tpu.dma_semaphore, #tpu.memory_space<semaphore_mem>>)
        %dma_wait3A_199 = arith.constant 0 : i32
        %dma_wait3A_200 = arith.constant 0 : i32
        %dma_wait3A_201 = arith.constant 0 : i32
        %dma_wait3A_202 = arith.constant 0 : i32
        %dma_wait3A_203 = arith.constant 0 : i32
        %dma_wait3A_204 = tpu.memref_slice %arg10[%dma_wait3A_201, %dma_wait3A_202, %dma_wait3A_203] : memref<3x128x32xf32, #tpu.memory_space<vmem>> -> memref<1x128x32xf32, #tpu.memory_space<vmem>>
        %dma_wait3A_205 = tpu.memref_squeeze %dma_wait3A_204 : memref<1x128x32xf32, #tpu.memory_space<vmem>> -> memref<128x32xf32, #tpu.memory_space<vmem>>
        %dma_wait3A_206 = arith.constant 0 : i32
        %dma_wait3A_207 = tpu.memref_slice %arg8[%dma_wait3A_199, %dma_wait3A_200, %dma_wait3A_206] : memref<3x2x128xi32, #tpu.memory_space<vmem>> -> memref<1x1x128xi32, #tpu.memory_space<vmem>>
        %dma_wait3A_208 = tpu.memref_squeeze %dma_wait3A_207 : memref<1x1x128xi32, #tpu.memory_space<vmem>> -> memref<128xi32, #tpu.memory_space<vmem>>
        %dma_wait3A_209 = arith.constant 0 : i32
        %dma_wait3A_210 = arith.constant 0 : i32
        %dma_wait3A_211 = tpu.memref_slice %arg4[%dma_wait3A_209, %dma_wait3A_210] : memref<50000x32xf32, #tpu.memory_space<hbm>> -> memref<50000x32xf32, #tpu.memory_space<hbm>>
        tpu.wait_indirect_dma semaphore(%arg12 : memref<!tpu.dma_semaphore, #tpu.memory_space<semaphore_mem>>) src(%dma_wait3A_211 : memref<50000x32xf32, #tpu.memory_space<hbm>>) dst(%dma_wait3A_205 : memref<128x32xf32, #tpu.memory_space<vmem>>)
        %dma_wait3A_212 = arith.constant 1 : i32
        %dma_wait3A_213 = arith.constant 0 : i32
        %dma_wait3A_214 = arith.constant 1 : i32
        %dma_wait3A_215 = arith.constant 0 : i32
        %dma_wait3A_216 = arith.constant 0 : i32
        %dma_wait3A_217 = tpu.memref_slice %arg10[%dma_wait3A_214, %dma_wait3A_215, %dma_wait3A_216] : memref<3x128x32xf32, #tpu.memory_space<vmem>> -> memref<1x128x32xf32, #tpu.memory_space<vmem>>
        %dma_wait3A_218 = tpu.memref_squeeze %dma_wait3A_217 : memref<1x128x32xf32, #tpu.memory_space<vmem>> -> memref<128x32xf32, #tpu.memory_space<vmem>>
        %dma_wait3A_219 = arith.constant 0 : i32
        %dma_wait3A_220 = tpu.memref_slice %arg8[%dma_wait3A_212, %dma_wait3A_213, %dma_wait3A_219] : memref<3x2x128xi32, #tpu.memory_space<vmem>> -> memref<1x1x128xi32, #tpu.memory_space<vmem>>
        %dma_wait3A_221 = tpu.memref_squeeze %dma_wait3A_220 : memref<1x1x128xi32, #tpu.memory_space<vmem>> -> memref<128xi32, #tpu.memory_space<vmem>>
        %dma_wait3A_222 = arith.constant 0 : i32
        %dma_wait3A_223 = arith.constant 0 : i32
        %dma_wait3A_224 = tpu.memref_slice %arg4[%dma_wait3A_222, %dma_wait3A_223] : memref<50000x32xf32, #tpu.memory_space<hbm>> -> memref<50000x32xf32, #tpu.memory_space<hbm>>
        tpu.wait_indirect_dma semaphore(%arg12 : memref<!tpu.dma_semaphore, #tpu.memory_space<semaphore_mem>>) src(%dma_wait3A_224 : memref<50000x32xf32, #tpu.memory_space<hbm>>) dst(%dma_wait3A_218 : memref<128x32xf32, #tpu.memory_space<vmem>>)
        %dma_wait3A_225 = arith.constant 2 : i32
        %dma_wait3A_226 = arith.constant 0 : i32
        %dma_wait3A_227 = arith.constant 2 : i32
        %dma_wait3A_228 = arith.constant 0 : i32
        %dma_wait3A_229 = arith.constant 0 : i32
        %dma_wait3A_230 = tpu.memref_slice %arg10[%dma_wait3A_227, %dma_wait3A_228, %dma_wait3A_229] : memref<3x128x32xf32, #tpu.memory_space<vmem>> -> memref<1x128x32xf32, #tpu.memory_space<vmem>>
        %dma_wait3A_231 = tpu.memref_squeeze %dma_wait3A_230 : memref<1x128x32xf32, #tpu.memory_space<vmem>> -> memref<128x32xf32, #tpu.memory_space<vmem>>
        %dma_wait3A_232 = arith.constant 0 : i32
        %dma_wait3A_233 = tpu.memref_slice %arg8[%dma_wait3A_225, %dma_wait3A_226, %dma_wait3A_232] : memref<3x2x128xi32, #tpu.memory_space<vmem>> -> memref<1x1x128xi32, #tpu.memory_space<vmem>>
        %dma_wait3A_234 = tpu.memref_squeeze %dma_wait3A_233 : memref<1x1x128xi32, #tpu.memory_space<vmem>> -> memref<128xi32, #tpu.memory_space<vmem>>
        %dma_wait3A_235 = arith.constant 0 : i32
        %dma_wait3A_236 = arith.constant 0 : i32
        %dma_wait3A_237 = tpu.memref_slice %arg4[%dma_wait3A_235, %dma_wait3A_236] : memref<50000x32xf32, #tpu.memory_space<hbm>> -> memref<50000x32xf32, #tpu.memory_space<hbm>>
        tpu.wait_indirect_dma semaphore(%arg12 : memref<!tpu.dma_semaphore, #tpu.memory_space<semaphore_mem>>) src(%dma_wait3A_237 : memref<50000x32xf32, #tpu.memory_space<hbm>>) dst(%dma_wait3A_231 : memref<128x32xf32, #tpu.memory_space<vmem>>)
        %dma_start3A_238 = arith.constant 0 : i32
        %dma_start3A_239 = arith.constant 0 : i32
        %dma_start3A_240 = arith.constant 1 : i32
        %dma_start3A_241 = arith.constant 0 : i32
        %dma_start3A_242 = arith.constant 0 : i32
        %dma_start3A_243 = tpu.memref_slice %arg10[%dma_start3A_238, %dma_start3A_241, %dma_start3A_242] : memref<3x128x32xf32, #tpu.memory_space<vmem>> -> memref<1x128x32xf32, #tpu.memory_space<vmem>>
        %dma_start3A_244 = tpu.memref_squeeze %dma_start3A_243 : memref<1x128x32xf32, #tpu.memory_space<vmem>> -> memref<128x32xf32, #tpu.memory_space<vmem>>
        %dma_start3A_245 = arith.constant 0 : i32
        %dma_start3A_246 = tpu.memref_slice %arg8[%dma_start3A_239, %dma_start3A_240, %dma_start3A_245] : memref<3x2x128xi32, #tpu.memory_space<vmem>> -> memref<1x1x128xi32, #tpu.memory_space<vmem>>
        %dma_start3A_247 = tpu.memref_squeeze %dma_start3A_246 : memref<1x1x128xi32, #tpu.memory_space<vmem>> -> memref<128xi32, #tpu.memory_space<vmem>>
        %dma_start3A_248 = arith.constant 0 : i32
        %dma_start3A_249 = arith.constant 0 : i32
        %dma_start3A_250 = tpu.memref_slice %arg16[%dma_start3A_248, %dma_start3A_249] : memref<50176x32xf32, #tpu.memory_space<vmem_shared>> -> memref<50176x32xf32, #tpu.memory_space<vmem_shared>>
        tpu.enqueue_indirect_dma source(%dma_start3A_244 : memref<128x32xf32, #tpu.memory_space<vmem>>) target(%dma_start3A_250 : memref<50176x32xf32, #tpu.memory_space<vmem_shared>>) offsets(%dma_start3A_247 : memref<128xi32, #tpu.memory_space<vmem>>) semaphore(%arg14 : memref<!tpu.dma_semaphore, #tpu.memory_space<semaphore_mem>>) {add = true}
        %dma_start3A_251 = arith.constant 1 : i32
        %dma_start3A_252 = arith.constant 1 : i32
        %dma_start3A_253 = arith.constant 1 : i32
        %dma_start3A_254 = arith.constant 0 : i32
        %dma_start3A_255 = arith.constant 0 : i32
        %dma_start3A_256 = tpu.memref_slice %arg10[%dma_start3A_251, %dma_start3A_254, %dma_start3A_255] : memref<3x128x32xf32, #tpu.memory_space<vmem>> -> memref<1x128x32xf32, #tpu.memory_space<vmem>>
        %dma_start3A_257 = tpu.memref_squeeze %dma_start3A_256 : memref<1x128x32xf32, #tpu.memory_space<vmem>> -> memref<128x32xf32, #tpu.memory_space<vmem>>
        %dma_start3A_258 = arith.constant 0 : i32
        %dma_start3A_259 = tpu.memref_slice %arg8[%dma_start3A_252, %dma_start3A_253, %dma_start3A_258] : memref<3x2x128xi32, #tpu.memory_space<vmem>> -> memref<1x1x128xi32, #tpu.memory_space<vmem>>
        %dma_start3A_260 = tpu.memref_squeeze %dma_start3A_259 : memref<1x1x128xi32, #tpu.memory_space<vmem>> -> memref<128xi32, #tpu.memory_space<vmem>>
        %dma_start3A_261 = arith.constant 0 : i32
        %dma_start3A_262 = arith.constant 0 : i32
        %dma_start3A_263 = tpu.memref_slice %arg16[%dma_start3A_261, %dma_start3A_262] : memref<50176x32xf32, #tpu.memory_space<vmem_shared>> -> memref<50176x32xf32, #tpu.memory_space<vmem_shared>>
        tpu.enqueue_indirect_dma source(%dma_start3A_257 : memref<128x32xf32, #tpu.memory_space<vmem>>) target(%dma_start3A_263 : memref<50176x32xf32, #tpu.memory_space<vmem_shared>>) offsets(%dma_start3A_260 : memref<128xi32, #tpu.memory_space<vmem>>) semaphore(%arg14 : memref<!tpu.dma_semaphore, #tpu.memory_space<semaphore_mem>>) {add = true}
        %dma_start3A_264 = arith.constant 2 : i32
        %dma_start3A_265 = arith.constant 2 : i32
        %dma_start3A_266 = arith.constant 1 : i32
        %dma_start3A_267 = arith.constant 0 : i32
        %dma_start3A_268 = arith.constant 0 : i32
        %dma_start3A_269 = tpu.memref_slice %arg10[%dma_start3A_264, %dma_start3A_267, %dma_start3A_268] : memref<3x128x32xf32, #tpu.memory_space<vmem>> -> memref<1x128x32xf32, #tpu.memory_space<vmem>>
        %dma_start3A_270 = tpu.memref_squeeze %dma_start3A_269 : memref<1x128x32xf32, #tpu.memory_space<vmem>> -> memref<128x32xf32, #tpu.memory_space<vmem>>
        %dma_start3A_271 = arith.constant 0 : i32
        %dma_start3A_272 = tpu.memref_slice %arg8[%dma_start3A_265, %dma_start3A_266, %dma_start3A_271] : memref<3x2x128xi32, #tpu.memory_space<vmem>> -> memref<1x1x128xi32, #tpu.memory_space<vmem>>
        %dma_start3A_273 = tpu.memref_squeeze %dma_start3A_272 : memref<1x1x128xi32, #tpu.memory_space<vmem>> -> memref<128xi32, #tpu.memory_space<vmem>>
        %dma_start3A_274 = arith.constant 0 : i32
        %dma_start3A_275 = arith.constant 0 : i32
        %dma_start3A_276 = tpu.memref_slice %arg16[%dma_start3A_274, %dma_start3A_275] : memref<50176x32xf32, #tpu.memory_space<vmem_shared>> -> memref<50176x32xf32, #tpu.memory_space<vmem_shared>>
        tpu.enqueue_indirect_dma source(%dma_start3A_270 : memref<128x32xf32, #tpu.memory_space<vmem>>) target(%dma_start3A_276 : memref<50176x32xf32, #tpu.memory_space<vmem_shared>>) offsets(%dma_start3A_273 : memref<128xi32, #tpu.memory_space<vmem>>) semaphore(%arg14 : memref<!tpu.dma_semaphore, #tpu.memory_space<semaphore_mem>>) {add = true}
        %add3A_277 = arith.constant 1 : i32
        %add3A_278 = arith.addi %scan3A_148, %add3A_277 : i32
        %lt3A = arith.constant 66 : i32
        %lt3A_279 = arith.cmpi slt, %add3A_278, %lt3A : i32
        %convert_element_type3A_280 = arith.extui %lt3A_279 : i1 to i32
        %cond3A_281 = arith.constant 0 : i32
        %cond3A_282 = arith.cmpi ne, %convert_element_type3A_280, %cond3A_281 : i32
        scf.if %cond3A_282 {
          %dma_wait3A_361 = arith.constant 0 : i32
          %dma_wait3A_362 = arith.constant 0 : i32
          %dma_wait3A_363 = arith.constant 1 : i32
          %dma_wait3A_364 = arith.constant 0 : i32
          %dma_wait3A_365 = arith.constant 0 : i32
          %dma_wait3A_366 = tpu.memref_slice %arg10[%dma_wait3A_361, %dma_wait3A_364, %dma_wait3A_365] : memref<3x128x32xf32, #tpu.memory_space<vmem>> -> memref<1x128x32xf32, #tpu.memory_space<vmem>>
          %dma_wait3A_367 = tpu.memref_squeeze %dma_wait3A_366 : memref<1x128x32xf32, #tpu.memory_space<vmem>> -> memref<128x32xf32, #tpu.memory_space<vmem>>
          %dma_wait3A_368 = arith.constant 0 : i32
          %dma_wait3A_369 = tpu.memref_slice %arg8[%dma_wait3A_362, %dma_wait3A_363, %dma_wait3A_368] : memref<3x2x128xi32, #tpu.memory_space<vmem>> -> memref<1x1x128xi32, #tpu.memory_space<vmem>>
          %dma_wait3A_370 = tpu.memref_squeeze %dma_wait3A_369 : memref<1x1x128xi32, #tpu.memory_space<vmem>> -> memref<128xi32, #tpu.memory_space<vmem>>
          %dma_wait3A_371 = arith.constant 0 : i32
          %dma_wait3A_372 = arith.constant 0 : i32
          %dma_wait3A_373 = tpu.memref_slice %arg16[%dma_wait3A_371, %dma_wait3A_372] : memref<50176x32xf32, #tpu.memory_space<vmem_shared>> -> memref<50176x32xf32, #tpu.memory_space<vmem_shared>>
          tpu.wait_indirect_dma semaphore(%arg14 : memref<!tpu.dma_semaphore, #tpu.memory_space<semaphore_mem>>) src(%dma_wait3A_367 : memref<128x32xf32, #tpu.memory_space<vmem>>) dst(%dma_wait3A_373 : memref<50176x32xf32, #tpu.memory_space<vmem_shared>>)
          %dma_wait3A_374 = arith.constant 1 : i32
          %dma_wait3A_375 = arith.constant 1 : i32
          %dma_wait3A_376 = arith.constant 1 : i32
          %dma_wait3A_377 = arith.constant 0 : i32
          %dma_wait3A_378 = arith.constant 0 : i32
          %dma_wait3A_379 = tpu.memref_slice %arg10[%dma_wait3A_374, %dma_wait3A_377, %dma_wait3A_378] : memref<3x128x32xf32, #tpu.memory_space<vmem>> -> memref<1x128x32xf32, #tpu.memory_space<vmem>>
          %dma_wait3A_380 = tpu.memref_squeeze %dma_wait3A_379 : memref<1x128x32xf32, #tpu.memory_space<vmem>> -> memref<128x32xf32, #tpu.memory_space<vmem>>
          %dma_wait3A_381 = arith.constant 0 : i32
          %dma_wait3A_382 = tpu.memref_slice %arg8[%dma_wait3A_375, %dma_wait3A_376, %dma_wait3A_381] : memref<3x2x128xi32, #tpu.memory_space<vmem>> -> memref<1x1x128xi32, #tpu.memory_space<vmem>>
          %dma_wait3A_383 = tpu.memref_squeeze %dma_wait3A_382 : memref<1x1x128xi32, #tpu.memory_space<vmem>> -> memref<128xi32, #tpu.memory_space<vmem>>
          %dma_wait3A_384 = arith.constant 0 : i32
          %dma_wait3A_385 = arith.constant 0 : i32
          %dma_wait3A_386 = tpu.memref_slice %arg16[%dma_wait3A_384, %dma_wait3A_385] : memref<50176x32xf32, #tpu.memory_space<vmem_shared>> -> memref<50176x32xf32, #tpu.memory_space<vmem_shared>>
          tpu.wait_indirect_dma semaphore(%arg14 : memref<!tpu.dma_semaphore, #tpu.memory_space<semaphore_mem>>) src(%dma_wait3A_380 : memref<128x32xf32, #tpu.memory_space<vmem>>) dst(%dma_wait3A_386 : memref<50176x32xf32, #tpu.memory_space<vmem_shared>>)
          %dma_wait3A_387 = arith.constant 2 : i32
          %dma_wait3A_388 = arith.constant 2 : i32
          %dma_wait3A_389 = arith.constant 1 : i32
          %dma_wait3A_390 = arith.constant 0 : i32
          %dma_wait3A_391 = arith.constant 0 : i32
          %dma_wait3A_392 = tpu.memref_slice %arg10[%dma_wait3A_387, %dma_wait3A_390, %dma_wait3A_391] : memref<3x128x32xf32, #tpu.memory_space<vmem>> -> memref<1x128x32xf32, #tpu.memory_space<vmem>>
          %dma_wait3A_393 = tpu.memref_squeeze %dma_wait3A_392 : memref<1x128x32xf32, #tpu.memory_space<vmem>> -> memref<128x32xf32, #tpu.memory_space<vmem>>
          %dma_wait3A_394 = arith.constant 0 : i32
          %dma_wait3A_395 = tpu.memref_slice %arg8[%dma_wait3A_388, %dma_wait3A_389, %dma_wait3A_394] : memref<3x2x128xi32, #tpu.memory_space<vmem>> -> memref<1x1x128xi32, #tpu.memory_space<vmem>>
          %dma_wait3A_396 = tpu.memref_squeeze %dma_wait3A_395 : memref<1x1x128xi32, #tpu.memory_space<vmem>> -> memref<128xi32, #tpu.memory_space<vmem>>
          %dma_wait3A_397 = arith.constant 0 : i32
          %dma_wait3A_398 = arith.constant 0 : i32
          %dma_wait3A_399 = tpu.memref_slice %arg16[%dma_wait3A_397, %dma_wait3A_398] : memref<50176x32xf32, #tpu.memory_space<vmem_shared>> -> memref<50176x32xf32, #tpu.memory_space<vmem_shared>>
          tpu.wait_indirect_dma semaphore(%arg14 : memref<!tpu.dma_semaphore, #tpu.memory_space<semaphore_mem>>) src(%dma_wait3A_393 : memref<128x32xf32, #tpu.memory_space<vmem>>) dst(%dma_wait3A_399 : memref<50176x32xf32, #tpu.memory_space<vmem_shared>>)
          %add3A_400 = arith.constant 2 : i32
          %add3A_401 = arith.addi %mul3A_150, %add3A_400 : i32
          %mul3A_402 = arith.constant 3 : i32
          %mul3A_403 = arith.muli %add3A_401, %mul3A_402 : i32
          %add3A_404 = arith.addi %mul3A_22, %mul3A_403 : i32
          "tpu.region"() ({
            %run_scoped3A = tpu.sem_alloc : memref<!tpu.dma_semaphore, #tpu.memory_space<semaphore_mem>>
            %dma_start3A_444 = arith.constant 0 : i32
            %dma_start3A_445 = arith.constant 0 : i32
            %dma_start3A_446 = tpu.memref_slice %arg2[%add3A_404, %dma_start3A_444, %dma_start3A_445] : memref<6336x2x128xi32, #tpu.memory_space<hbm>> -> memref<3x2x128xi32, #tpu.memory_space<hbm>>
            %dma_start3A_447 = arith.constant 0 : i32
            %dma_start3A_448 = arith.constant 0 : i32
            %dma_start3A_449 = tpu.memref_slice %arg2[%add3A_404, %dma_start3A_447, %dma_start3A_448] : memref<6336x2x128xi32, #tpu.memory_space<hbm>> -> memref<3x2x128xi32, #tpu.memory_space<hbm>>
            tpu.enqueue_dma source(%dma_start3A_449 : memref<3x2x128xi32, #tpu.memory_space<hbm>>) target(%arg8 : memref<3x2x128xi32, #tpu.memory_space<vmem>>) target_semaphore(%run_scoped3A : memref<!tpu.dma_semaphore, #tpu.memory_space<semaphore_mem>>)
            %dma_wait3A_450 = arith.constant 0 : i32
            %dma_wait3A_451 = arith.constant 0 : i32
            %dma_wait3A_452 = tpu.memref_slice %arg2[%add3A_404, %dma_wait3A_450, %dma_wait3A_451] : memref<6336x2x128xi32, #tpu.memory_space<hbm>> -> memref<3x2x128xi32, #tpu.memory_space<hbm>>
            %dma_wait3A_453 = arith.constant 0 : i32
            %dma_wait3A_454 = arith.constant 0 : i32
            %dma_wait3A_455 = tpu.memref_slice %arg2[%add3A_404, %dma_wait3A_453, %dma_wait3A_454] : memref<6336x2x128xi32, #tpu.memory_space<hbm>> -> memref<3x2x128xi32, #tpu.memory_space<hbm>>
            tpu.wait_dma2 semaphore(%run_scoped3A : memref<!tpu.dma_semaphore, #tpu.memory_space<semaphore_mem>>) src(%dma_wait3A_455 : memref<3x2x128xi32, #tpu.memory_space<hbm>>) dst(%arg8 : memref<3x2x128xi32, #tpu.memory_space<vmem>>)
            tpu.yield
          }) : () -> ()
          %dma_start3A_405 = arith.constant 0 : i32
          %dma_start3A_406 = arith.constant 0 : i32
          %dma_start3A_407 = arith.constant 0 : i32
          %dma_start3A_408 = arith.constant 0 : i32
          %dma_start3A_409 = arith.constant 0 : i32
          %dma_start3A_410 = tpu.memref_slice %arg10[%dma_start3A_407, %dma_start3A_408, %dma_start3A_409] : memref<3x128x32xf32, #tpu.memory_space<vmem>> -> memref<1x128x32xf32, #tpu.memory_space<vmem>>
          %dma_start3A_411 = tpu.memref_squeeze %dma_start3A_410 : memref<1x128x32xf32, #tpu.memory_space<vmem>> -> memref<128x32xf32, #tpu.memory_space<vmem>>
          %dma_start3A_412 = arith.constant 0 : i32
          %dma_start3A_413 = tpu.memref_slice %arg8[%dma_start3A_405, %dma_start3A_406, %dma_start3A_412] : memref<3x2x128xi32, #tpu.memory_space<vmem>> -> memref<1x1x128xi32, #tpu.memory_space<vmem>>
          %dma_start3A_414 = tpu.memref_squeeze %dma_start3A_413 : memref<1x1x128xi32, #tpu.memory_space<vmem>> -> memref<128xi32, #tpu.memory_space<vmem>>
          %dma_start3A_415 = arith.constant 0 : i32
          %dma_start3A_416 = arith.constant 0 : i32
          %dma_start3A_417 = tpu.memref_slice %arg4[%dma_start3A_415, %dma_start3A_416] : memref<50000x32xf32, #tpu.memory_space<hbm>> -> memref<50000x32xf32, #tpu.memory_space<hbm>>
          tpu.enqueue_indirect_dma source(%dma_start3A_417 : memref<50000x32xf32, #tpu.memory_space<hbm>>) target(%dma_start3A_411 : memref<128x32xf32, #tpu.memory_space<vmem>>) offsets(%dma_start3A_414 : memref<128xi32, #tpu.memory_space<vmem>>) semaphore(%arg12 : memref<!tpu.dma_semaphore, #tpu.memory_space<semaphore_mem>>)
          %dma_start3A_418 = arith.constant 1 : i32
          %dma_start3A_419 = arith.constant 0 : i32
          %dma_start3A_420 = arith.constant 1 : i32
          %dma_start3A_421 = arith.constant 0 : i32
          %dma_start3A_422 = arith.constant 0 : i32
          %dma_start3A_423 = tpu.memref_slice %arg10[%dma_start3A_420, %dma_start3A_421, %dma_start3A_422] : memref<3x128x32xf32, #tpu.memory_space<vmem>> -> memref<1x128x32xf32, #tpu.memory_space<vmem>>
          %dma_start3A_424 = tpu.memref_squeeze %dma_start3A_423 : memref<1x128x32xf32, #tpu.memory_space<vmem>> -> memref<128x32xf32, #tpu.memory_space<vmem>>
          %dma_start3A_425 = arith.constant 0 : i32
          %dma_start3A_426 = tpu.memref_slice %arg8[%dma_start3A_418, %dma_start3A_419, %dma_start3A_425] : memref<3x2x128xi32, #tpu.memory_space<vmem>> -> memref<1x1x128xi32, #tpu.memory_space<vmem>>
          %dma_start3A_427 = tpu.memref_squeeze %dma_start3A_426 : memref<1x1x128xi32, #tpu.memory_space<vmem>> -> memref<128xi32, #tpu.memory_space<vmem>>
          %dma_start3A_428 = arith.constant 0 : i32
          %dma_start3A_429 = arith.constant 0 : i32
          %dma_start3A_430 = tpu.memref_slice %arg4[%dma_start3A_428, %dma_start3A_429] : memref<50000x32xf32, #tpu.memory_space<hbm>> -> memref<50000x32xf32, #tpu.memory_space<hbm>>
          tpu.enqueue_indirect_dma source(%dma_start3A_430 : memref<50000x32xf32, #tpu.memory_space<hbm>>) target(%dma_start3A_424 : memref<128x32xf32, #tpu.memory_space<vmem>>) offsets(%dma_start3A_427 : memref<128xi32, #tpu.memory_space<vmem>>) semaphore(%arg12 : memref<!tpu.dma_semaphore, #tpu.memory_space<semaphore_mem>>)
          %dma_start3A_431 = arith.constant 2 : i32
          %dma_start3A_432 = arith.constant 0 : i32
          %dma_start3A_433 = arith.constant 2 : i32
          %dma_start3A_434 = arith.constant 0 : i32
          %dma_start3A_435 = arith.constant 0 : i32
          %dma_start3A_436 = tpu.memref_slice %arg10[%dma_start3A_433, %dma_start3A_434, %dma_start3A_435] : memref<3x128x32xf32, #tpu.memory_space<vmem>> -> memref<1x128x32xf32, #tpu.memory_space<vmem>>
          %dma_start3A_437 = tpu.memref_squeeze %dma_start3A_436 : memref<1x128x32xf32, #tpu.memory_space<vmem>> -> memref<128x32xf32, #tpu.memory_space<vmem>>
          %dma_start3A_438 = arith.constant 0 : i32
          %dma_start3A_439 = tpu.memref_slice %arg8[%dma_start3A_431, %dma_start3A_432, %dma_start3A_438] : memref<3x2x128xi32, #tpu.memory_space<vmem>> -> memref<1x1x128xi32, #tpu.memory_space<vmem>>
          %dma_start3A_440 = tpu.memref_squeeze %dma_start3A_439 : memref<1x1x128xi32, #tpu.memory_space<vmem>> -> memref<128xi32, #tpu.memory_space<vmem>>
          %dma_start3A_441 = arith.constant 0 : i32
          %dma_start3A_442 = arith.constant 0 : i32
          %dma_start3A_443 = tpu.memref_slice %arg4[%dma_start3A_441, %dma_start3A_442] : memref<50000x32xf32, #tpu.memory_space<hbm>> -> memref<50000x32xf32, #tpu.memory_space<hbm>>
          tpu.enqueue_indirect_dma source(%dma_start3A_443 : memref<50000x32xf32, #tpu.memory_space<hbm>>) target(%dma_start3A_437 : memref<128x32xf32, #tpu.memory_space<vmem>>) offsets(%dma_start3A_440 : memref<128xi32, #tpu.memory_space<vmem>>) semaphore(%arg12 : memref<!tpu.dma_semaphore, #tpu.memory_space<semaphore_mem>>)
        } else {
        }
        %dma_wait3A_283 = arith.constant 0 : i32
        %dma_wait3A_284 = arith.constant 0 : i32
        %dma_wait3A_285 = arith.constant 0 : i32
        %dma_wait3A_286 = arith.constant 0 : i32
        %dma_wait3A_287 = arith.constant 0 : i32
        %dma_wait3A_288 = tpu.memref_slice %arg11[%dma_wait3A_285, %dma_wait3A_286, %dma_wait3A_287] : memref<3x128x32xf32, #tpu.memory_space<vmem>> -> memref<1x128x32xf32, #tpu.memory_space<vmem>>
        %dma_wait3A_289 = tpu.memref_squeeze %dma_wait3A_288 : memref<1x128x32xf32, #tpu.memory_space<vmem>> -> memref<128x32xf32, #tpu.memory_space<vmem>>
        %dma_wait3A_290 = arith.constant 0 : i32
        %dma_wait3A_291 = tpu.memref_slice %arg9[%dma_wait3A_283, %dma_wait3A_284, %dma_wait3A_290] : memref<3x2x128xi32, #tpu.memory_space<vmem>> -> memref<1x1x128xi32, #tpu.memory_space<vmem>>
        %dma_wait3A_292 = tpu.memref_squeeze %dma_wait3A_291 : memref<1x1x128xi32, #tpu.memory_space<vmem>> -> memref<128xi32, #tpu.memory_space<vmem>>
        %dma_wait3A_293 = arith.constant 0 : i32
        %dma_wait3A_294 = arith.constant 0 : i32
        %dma_wait3A_295 = tpu.memref_slice %arg4[%dma_wait3A_293, %dma_wait3A_294] : memref<50000x32xf32, #tpu.memory_space<hbm>> -> memref<50000x32xf32, #tpu.memory_space<hbm>>
        tpu.wait_indirect_dma semaphore(%arg13 : memref<!tpu.dma_semaphore, #tpu.memory_space<semaphore_mem>>) src(%dma_wait3A_295 : memref<50000x32xf32, #tpu.memory_space<hbm>>) dst(%dma_wait3A_289 : memref<128x32xf32, #tpu.memory_space<vmem>>)
        %dma_wait3A_296 = arith.constant 1 : i32
        %dma_wait3A_297 = arith.constant 0 : i32
        %dma_wait3A_298 = arith.constant 1 : i32
        %dma_wait3A_299 = arith.constant 0 : i32
        %dma_wait3A_300 = arith.constant 0 : i32
        %dma_wait3A_301 = tpu.memref_slice %arg11[%dma_wait3A_298, %dma_wait3A_299, %dma_wait3A_300] : memref<3x128x32xf32, #tpu.memory_space<vmem>> -> memref<1x128x32xf32, #tpu.memory_space<vmem>>
        %dma_wait3A_302 = tpu.memref_squeeze %dma_wait3A_301 : memref<1x128x32xf32, #tpu.memory_space<vmem>> -> memref<128x32xf32, #tpu.memory_space<vmem>>
        %dma_wait3A_303 = arith.constant 0 : i32
        %dma_wait3A_304 = tpu.memref_slice %arg9[%dma_wait3A_296, %dma_wait3A_297, %dma_wait3A_303] : memref<3x2x128xi32, #tpu.memory_space<vmem>> -> memref<1x1x128xi32, #tpu.memory_space<vmem>>
        %dma_wait3A_305 = tpu.memref_squeeze %dma_wait3A_304 : memref<1x1x128xi32, #tpu.memory_space<vmem>> -> memref<128xi32, #tpu.memory_space<vmem>>
        %dma_wait3A_306 = arith.constant 0 : i32
        %dma_wait3A_307 = arith.constant 0 : i32
        %dma_wait3A_308 = tpu.memref_slice %arg4[%dma_wait3A_306, %dma_wait3A_307] : memref<50000x32xf32, #tpu.memory_space<hbm>> -> memref<50000x32xf32, #tpu.memory_space<hbm>>
        tpu.wait_indirect_dma semaphore(%arg13 : memref<!tpu.dma_semaphore, #tpu.memory_space<semaphore_mem>>) src(%dma_wait3A_308 : memref<50000x32xf32, #tpu.memory_space<hbm>>) dst(%dma_wait3A_302 : memref<128x32xf32, #tpu.memory_space<vmem>>)
        %dma_wait3A_309 = arith.constant 2 : i32
        %dma_wait3A_310 = arith.constant 0 : i32
        %dma_wait3A_311 = arith.constant 2 : i32
        %dma_wait3A_312 = arith.constant 0 : i32
        %dma_wait3A_313 = arith.constant 0 : i32
        %dma_wait3A_314 = tpu.memref_slice %arg11[%dma_wait3A_311, %dma_wait3A_312, %dma_wait3A_313] : memref<3x128x32xf32, #tpu.memory_space<vmem>> -> memref<1x128x32xf32, #tpu.memory_space<vmem>>
        %dma_wait3A_315 = tpu.memref_squeeze %dma_wait3A_314 : memref<1x128x32xf32, #tpu.memory_space<vmem>> -> memref<128x32xf32, #tpu.memory_space<vmem>>
        %dma_wait3A_316 = arith.constant 0 : i32
        %dma_wait3A_317 = tpu.memref_slice %arg9[%dma_wait3A_309, %dma_wait3A_310, %dma_wait3A_316] : memref<3x2x128xi32, #tpu.memory_space<vmem>> -> memref<1x1x128xi32, #tpu.memory_space<vmem>>
        %dma_wait3A_318 = tpu.memref_squeeze %dma_wait3A_317 : memref<1x1x128xi32, #tpu.memory_space<vmem>> -> memref<128xi32, #tpu.memory_space<vmem>>
        %dma_wait3A_319 = arith.constant 0 : i32
        %dma_wait3A_320 = arith.constant 0 : i32
        %dma_wait3A_321 = tpu.memref_slice %arg4[%dma_wait3A_319, %dma_wait3A_320] : memref<50000x32xf32, #tpu.memory_space<hbm>> -> memref<50000x32xf32, #tpu.memory_space<hbm>>
        tpu.wait_indirect_dma semaphore(%arg13 : memref<!tpu.dma_semaphore, #tpu.memory_space<semaphore_mem>>) src(%dma_wait3A_321 : memref<50000x32xf32, #tpu.memory_space<hbm>>) dst(%dma_wait3A_315 : memref<128x32xf32, #tpu.memory_space<vmem>>)
        %dma_start3A_322 = arith.constant 0 : i32
        %dma_start3A_323 = arith.constant 0 : i32
        %dma_start3A_324 = arith.constant 1 : i32
        %dma_start3A_325 = arith.constant 0 : i32
        %dma_start3A_326 = arith.constant 0 : i32
        %dma_start3A_327 = tpu.memref_slice %arg11[%dma_start3A_322, %dma_start3A_325, %dma_start3A_326] : memref<3x128x32xf32, #tpu.memory_space<vmem>> -> memref<1x128x32xf32, #tpu.memory_space<vmem>>
        %dma_start3A_328 = tpu.memref_squeeze %dma_start3A_327 : memref<1x128x32xf32, #tpu.memory_space<vmem>> -> memref<128x32xf32, #tpu.memory_space<vmem>>
        %dma_start3A_329 = arith.constant 0 : i32
        %dma_start3A_330 = tpu.memref_slice %arg9[%dma_start3A_323, %dma_start3A_324, %dma_start3A_329] : memref<3x2x128xi32, #tpu.memory_space<vmem>> -> memref<1x1x128xi32, #tpu.memory_space<vmem>>
        %dma_start3A_331 = tpu.memref_squeeze %dma_start3A_330 : memref<1x1x128xi32, #tpu.memory_space<vmem>> -> memref<128xi32, #tpu.memory_space<vmem>>
        %dma_start3A_332 = arith.constant 0 : i32
        %dma_start3A_333 = arith.constant 0 : i32
        %dma_start3A_334 = tpu.memref_slice %arg16[%dma_start3A_332, %dma_start3A_333] : memref<50176x32xf32, #tpu.memory_space<vmem_shared>> -> memref<50176x32xf32, #tpu.memory_space<vmem_shared>>
        tpu.enqueue_indirect_dma source(%dma_start3A_328 : memref<128x32xf32, #tpu.memory_space<vmem>>) target(%dma_start3A_334 : memref<50176x32xf32, #tpu.memory_space<vmem_shared>>) offsets(%dma_start3A_331 : memref<128xi32, #tpu.memory_space<vmem>>) semaphore(%arg15 : memref<!tpu.dma_semaphore, #tpu.memory_space<semaphore_mem>>) {add = true}
        %dma_start3A_335 = arith.constant 1 : i32
        %dma_start3A_336 = arith.constant 1 : i32
        %dma_start3A_337 = arith.constant 1 : i32
        %dma_start3A_338 = arith.constant 0 : i32
        %dma_start3A_339 = arith.constant 0 : i32
        %dma_start3A_340 = tpu.memref_slice %arg11[%dma_start3A_335, %dma_start3A_338, %dma_start3A_339] : memref<3x128x32xf32, #tpu.memory_space<vmem>> -> memref<1x128x32xf32, #tpu.memory_space<vmem>>
        %dma_start3A_341 = tpu.memref_squeeze %dma_start3A_340 : memref<1x128x32xf32, #tpu.memory_space<vmem>> -> memref<128x32xf32, #tpu.memory_space<vmem>>
        %dma_start3A_342 = arith.constant 0 : i32
        %dma_start3A_343 = tpu.memref_slice %arg9[%dma_start3A_336, %dma_start3A_337, %dma_start3A_342] : memref<3x2x128xi32, #tpu.memory_space<vmem>> -> memref<1x1x128xi32, #tpu.memory_space<vmem>>
        %dma_start3A_344 = tpu.memref_squeeze %dma_start3A_343 : memref<1x1x128xi32, #tpu.memory_space<vmem>> -> memref<128xi32, #tpu.memory_space<vmem>>
        %dma_start3A_345 = arith.constant 0 : i32
        %dma_start3A_346 = arith.constant 0 : i32
        %dma_start3A_347 = tpu.memref_slice %arg16[%dma_start3A_345, %dma_start3A_346] : memref<50176x32xf32, #tpu.memory_space<vmem_shared>> -> memref<50176x32xf32, #tpu.memory_space<vmem_shared>>
        tpu.enqueue_indirect_dma source(%dma_start3A_341 : memref<128x32xf32, #tpu.memory_space<vmem>>) target(%dma_start3A_347 : memref<50176x32xf32, #tpu.memory_space<vmem_shared>>) offsets(%dma_start3A_344 : memref<128xi32, #tpu.memory_space<vmem>>) semaphore(%arg15 : memref<!tpu.dma_semaphore, #tpu.memory_space<semaphore_mem>>) {add = true}
        %dma_start3A_348 = arith.constant 2 : i32
        %dma_start3A_349 = arith.constant 2 : i32
        %dma_start3A_350 = arith.constant 1 : i32
        %dma_start3A_351 = arith.constant 0 : i32
        %dma_start3A_352 = arith.constant 0 : i32
        %dma_start3A_353 = tpu.memref_slice %arg11[%dma_start3A_348, %dma_start3A_351, %dma_start3A_352] : memref<3x128x32xf32, #tpu.memory_space<vmem>> -> memref<1x128x32xf32, #tpu.memory_space<vmem>>
        %dma_start3A_354 = tpu.memref_squeeze %dma_start3A_353 : memref<1x128x32xf32, #tpu.memory_space<vmem>> -> memref<128x32xf32, #tpu.memory_space<vmem>>
        %dma_start3A_355 = arith.constant 0 : i32
        %dma_start3A_356 = tpu.memref_slice %arg9[%dma_start3A_349, %dma_start3A_350, %dma_start3A_355] : memref<3x2x128xi32, #tpu.memory_space<vmem>> -> memref<1x1x128xi32, #tpu.memory_space<vmem>>
        %dma_start3A_357 = tpu.memref_squeeze %dma_start3A_356 : memref<1x1x128xi32, #tpu.memory_space<vmem>> -> memref<128xi32, #tpu.memory_space<vmem>>
        %dma_start3A_358 = arith.constant 0 : i32
        %dma_start3A_359 = arith.constant 0 : i32
        %dma_start3A_360 = tpu.memref_slice %arg16[%dma_start3A_358, %dma_start3A_359] : memref<50176x32xf32, #tpu.memory_space<vmem_shared>> -> memref<50176x32xf32, #tpu.memory_space<vmem_shared>>
        tpu.enqueue_indirect_dma source(%dma_start3A_354 : memref<128x32xf32, #tpu.memory_space<vmem>>) target(%dma_start3A_360 : memref<50176x32xf32, #tpu.memory_space<vmem_shared>>) offsets(%dma_start3A_357 : memref<128xi32, #tpu.memory_space<vmem>>) semaphore(%arg15 : memref<!tpu.dma_semaphore, #tpu.memory_space<semaphore_mem>>) {add = true}
      }
      %scan3A_67 = arith.constant 66 : i32
      %dma_wait3A = arith.constant 0 : i32
      %dma_wait3A_68 = arith.constant 0 : i32
      %dma_wait3A_69 = arith.constant 1 : i32
      %dma_wait3A_70 = arith.constant 0 : i32
      %dma_wait3A_71 = arith.constant 0 : i32
      %dma_wait3A_72 = tpu.memref_slice %arg10[%dma_wait3A, %dma_wait3A_70, %dma_wait3A_71] : memref<3x128x32xf32, #tpu.memory_space<vmem>> -> memref<1x128x32xf32, #tpu.memory_space<vmem>>
      %dma_wait3A_73 = tpu.memref_squeeze %dma_wait3A_72 : memref<1x128x32xf32, #tpu.memory_space<vmem>> -> memref<128x32xf32, #tpu.memory_space<vmem>>
      %dma_wait3A_74 = arith.constant 0 : i32
      %dma_wait3A_75 = tpu.memref_slice %arg8[%dma_wait3A_68, %dma_wait3A_69, %dma_wait3A_74] : memref<3x2x128xi32, #tpu.memory_space<vmem>> -> memref<1x1x128xi32, #tpu.memory_space<vmem>>
      %dma_wait3A_76 = tpu.memref_squeeze %dma_wait3A_75 : memref<1x1x128xi32, #tpu.memory_space<vmem>> -> memref<128xi32, #tpu.memory_space<vmem>>
      %dma_wait3A_77 = arith.constant 0 : i32
      %dma_wait3A_78 = arith.constant 0 : i32
      %dma_wait3A_79 = tpu.memref_slice %arg16[%dma_wait3A_77, %dma_wait3A_78] : memref<50176x32xf32, #tpu.memory_space<vmem_shared>> -> memref<50176x32xf32, #tpu.memory_space<vmem_shared>>
      tpu.wait_indirect_dma semaphore(%arg14 : memref<!tpu.dma_semaphore, #tpu.memory_space<semaphore_mem>>) src(%dma_wait3A_73 : memref<128x32xf32, #tpu.memory_space<vmem>>) dst(%dma_wait3A_79 : memref<50176x32xf32, #tpu.memory_space<vmem_shared>>)
      %dma_wait3A_80 = arith.constant 1 : i32
      %dma_wait3A_81 = arith.constant 1 : i32
      %dma_wait3A_82 = arith.constant 1 : i32
      %dma_wait3A_83 = arith.constant 0 : i32
      %dma_wait3A_84 = arith.constant 0 : i32
      %dma_wait3A_85 = tpu.memref_slice %arg10[%dma_wait3A_80, %dma_wait3A_83, %dma_wait3A_84] : memref<3x128x32xf32, #tpu.memory_space<vmem>> -> memref<1x128x32xf32, #tpu.memory_space<vmem>>
      %dma_wait3A_86 = tpu.memref_squeeze %dma_wait3A_85 : memref<1x128x32xf32, #tpu.memory_space<vmem>> -> memref<128x32xf32, #tpu.memory_space<vmem>>
      %dma_wait3A_87 = arith.constant 0 : i32
      %dma_wait3A_88 = tpu.memref_slice %arg8[%dma_wait3A_81, %dma_wait3A_82, %dma_wait3A_87] : memref<3x2x128xi32, #tpu.memory_space<vmem>> -> memref<1x1x128xi32, #tpu.memory_space<vmem>>
      %dma_wait3A_89 = tpu.memref_squeeze %dma_wait3A_88 : memref<1x1x128xi32, #tpu.memory_space<vmem>> -> memref<128xi32, #tpu.memory_space<vmem>>
      %dma_wait3A_90 = arith.constant 0 : i32
      %dma_wait3A_91 = arith.constant 0 : i32
      %dma_wait3A_92 = tpu.memref_slice %arg16[%dma_wait3A_90, %dma_wait3A_91] : memref<50176x32xf32, #tpu.memory_space<vmem_shared>> -> memref<50176x32xf32, #tpu.memory_space<vmem_shared>>
      tpu.wait_indirect_dma semaphore(%arg14 : memref<!tpu.dma_semaphore, #tpu.memory_space<semaphore_mem>>) src(%dma_wait3A_86 : memref<128x32xf32, #tpu.memory_space<vmem>>) dst(%dma_wait3A_92 : memref<50176x32xf32, #tpu.memory_space<vmem_shared>>)
      %dma_wait3A_93 = arith.constant 2 : i32
      %dma_wait3A_94 = arith.constant 2 : i32
      %dma_wait3A_95 = arith.constant 1 : i32
      %dma_wait3A_96 = arith.constant 0 : i32
      %dma_wait3A_97 = arith.constant 0 : i32
      %dma_wait3A_98 = tpu.memref_slice %arg10[%dma_wait3A_93, %dma_wait3A_96, %dma_wait3A_97] : memref<3x128x32xf32, #tpu.memory_space<vmem>> -> memref<1x128x32xf32, #tpu.memory_space<vmem>>
      %dma_wait3A_99 = tpu.memref_squeeze %dma_wait3A_98 : memref<1x128x32xf32, #tpu.memory_space<vmem>> -> memref<128x32xf32, #tpu.memory_space<vmem>>
      %dma_wait3A_100 = arith.constant 0 : i32
      %dma_wait3A_101 = tpu.memref_slice %arg8[%dma_wait3A_94, %dma_wait3A_95, %dma_wait3A_100] : memref<3x2x128xi32, #tpu.memory_space<vmem>> -> memref<1x1x128xi32, #tpu.memory_space<vmem>>
      %dma_wait3A_102 = tpu.memref_squeeze %dma_wait3A_101 : memref<1x1x128xi32, #tpu.memory_space<vmem>> -> memref<128xi32, #tpu.memory_space<vmem>>
      %dma_wait3A_103 = arith.constant 0 : i32
      %dma_wait3A_104 = arith.constant 0 : i32
      %dma_wait3A_105 = tpu.memref_slice %arg16[%dma_wait3A_103, %dma_wait3A_104] : memref<50176x32xf32, #tpu.memory_space<vmem_shared>> -> memref<50176x32xf32, #tpu.memory_space<vmem_shared>>
      tpu.wait_indirect_dma semaphore(%arg14 : memref<!tpu.dma_semaphore, #tpu.memory_space<semaphore_mem>>) src(%dma_wait3A_99 : memref<128x32xf32, #tpu.memory_space<vmem>>) dst(%dma_wait3A_105 : memref<50176x32xf32, #tpu.memory_space<vmem_shared>>)
      %dma_wait3A_106 = arith.constant 0 : i32
      %dma_wait3A_107 = arith.constant 0 : i32
      %dma_wait3A_108 = arith.constant 1 : i32
      %dma_wait3A_109 = arith.constant 0 : i32
      %dma_wait3A_110 = arith.constant 0 : i32
      %dma_wait3A_111 = tpu.memref_slice %arg11[%dma_wait3A_106, %dma_wait3A_109, %dma_wait3A_110] : memref<3x128x32xf32, #tpu.memory_space<vmem>> -> memref<1x128x32xf32, #tpu.memory_space<vmem>>
      %dma_wait3A_112 = tpu.memref_squeeze %dma_wait3A_111 : memref<1x128x32xf32, #tpu.memory_space<vmem>> -> memref<128x32xf32, #tpu.memory_space<vmem>>
      %dma_wait3A_113 = arith.constant 0 : i32
      %dma_wait3A_114 = tpu.memref_slice %arg9[%dma_wait3A_107, %dma_wait3A_108, %dma_wait3A_113] : memref<3x2x128xi32, #tpu.memory_space<vmem>> -> memref<1x1x128xi32, #tpu.memory_space<vmem>>
      %dma_wait3A_115 = tpu.memref_squeeze %dma_wait3A_114 : memref<1x1x128xi32, #tpu.memory_space<vmem>> -> memref<128xi32, #tpu.memory_space<vmem>>
      %dma_wait3A_116 = arith.constant 0 : i32
      %dma_wait3A_117 = arith.constant 0 : i32
      %dma_wait3A_118 = tpu.memref_slice %arg16[%dma_wait3A_116, %dma_wait3A_117] : memref<50176x32xf32, #tpu.memory_space<vmem_shared>> -> memref<50176x32xf32, #tpu.memory_space<vmem_shared>>
      tpu.wait_indirect_dma semaphore(%arg15 : memref<!tpu.dma_semaphore, #tpu.memory_space<semaphore_mem>>) src(%dma_wait3A_112 : memref<128x32xf32, #tpu.memory_space<vmem>>) dst(%dma_wait3A_118 : memref<50176x32xf32, #tpu.memory_space<vmem_shared>>)
      %dma_wait3A_119 = arith.constant 1 : i32
      %dma_wait3A_120 = arith.constant 1 : i32
      %dma_wait3A_121 = arith.constant 1 : i32
      %dma_wait3A_122 = arith.constant 0 : i32
      %dma_wait3A_123 = arith.constant 0 : i32
      %dma_wait3A_124 = tpu.memref_slice %arg11[%dma_wait3A_119, %dma_wait3A_122, %dma_wait3A_123] : memref<3x128x32xf32, #tpu.memory_space<vmem>> -> memref<1x128x32xf32, #tpu.memory_space<vmem>>
      %dma_wait3A_125 = tpu.memref_squeeze %dma_wait3A_124 : memref<1x128x32xf32, #tpu.memory_space<vmem>> -> memref<128x32xf32, #tpu.memory_space<vmem>>
      %dma_wait3A_126 = arith.constant 0 : i32
      %dma_wait3A_127 = tpu.memref_slice %arg9[%dma_wait3A_120, %dma_wait3A_121, %dma_wait3A_126] : memref<3x2x128xi32, #tpu.memory_space<vmem>> -> memref<1x1x128xi32, #tpu.memory_space<vmem>>
      %dma_wait3A_128 = tpu.memref_squeeze %dma_wait3A_127 : memref<1x1x128xi32, #tpu.memory_space<vmem>> -> memref<128xi32, #tpu.memory_space<vmem>>
      %dma_wait3A_129 = arith.constant 0 : i32
      %dma_wait3A_130 = arith.constant 0 : i32
      %dma_wait3A_131 = tpu.memref_slice %arg16[%dma_wait3A_129, %dma_wait3A_130] : memref<50176x32xf32, #tpu.memory_space<vmem_shared>> -> memref<50176x32xf32, #tpu.memory_space<vmem_shared>>
      tpu.wait_indirect_dma semaphore(%arg15 : memref<!tpu.dma_semaphore, #tpu.memory_space<semaphore_mem>>) src(%dma_wait3A_125 : memref<128x32xf32, #tpu.memory_space<vmem>>) dst(%dma_wait3A_131 : memref<50176x32xf32, #tpu.memory_space<vmem_shared>>)
      %dma_wait3A_132 = arith.constant 2 : i32
      %dma_wait3A_133 = arith.constant 2 : i32
      %dma_wait3A_134 = arith.constant 1 : i32
      %dma_wait3A_135 = arith.constant 0 : i32
      %dma_wait3A_136 = arith.constant 0 : i32
      %dma_wait3A_137 = tpu.memref_slice %arg11[%dma_wait3A_132, %dma_wait3A_135, %dma_wait3A_136] : memref<3x128x32xf32, #tpu.memory_space<vmem>> -> memref<1x128x32xf32, #tpu.memory_space<vmem>>
      %dma_wait3A_138 = tpu.memref_squeeze %dma_wait3A_137 : memref<1x128x32xf32, #tpu.memory_space<vmem>> -> memref<128x32xf32, #tpu.memory_space<vmem>>
      %dma_wait3A_139 = arith.constant 0 : i32
      %dma_wait3A_140 = tpu.memref_slice %arg9[%dma_wait3A_133, %dma_wait3A_134, %dma_wait3A_139] : memref<3x2x128xi32, #tpu.memory_space<vmem>> -> memref<1x1x128xi32, #tpu.memory_space<vmem>>
      %dma_wait3A_141 = tpu.memref_squeeze %dma_wait3A_140 : memref<1x1x128xi32, #tpu.memory_space<vmem>> -> memref<128xi32, #tpu.memory_space<vmem>>
      %dma_wait3A_142 = arith.constant 0 : i32
      %dma_wait3A_143 = arith.constant 0 : i32
      %dma_wait3A_144 = tpu.memref_slice %arg16[%dma_wait3A_142, %dma_wait3A_143] : memref<50176x32xf32, #tpu.memory_space<vmem_shared>> -> memref<50176x32xf32, #tpu.memory_space<vmem_shared>>
      tpu.wait_indirect_dma semaphore(%arg15 : memref<!tpu.dma_semaphore, #tpu.memory_space<semaphore_mem>>) src(%dma_wait3A_138 : memref<128x32xf32, #tpu.memory_space<vmem>>) dst(%dma_wait3A_144 : memref<50176x32xf32, #tpu.memory_space<vmem_shared>>)
      %barrier3A_145 = arith.constant 0 : index
      tpu.barrier barrier_id(%barrier3A_145)
      %mul3A_146 = arith.constant 3136 : i32
      %mul3A_147 = arith.muli %arg1, %mul3A_146 : i32
      "tpu.region"() ({
        %run_scoped3A = tpu.sem_alloc : memref<!tpu.dma_semaphore, #tpu.memory_space<semaphore_mem>>
        %dma_start3A_148 = arith.constant 0 : i32
        %dma_start3A_149 = tpu.memref_slice %arg7[%mul3A_147, %dma_start3A_148] : memref<50176x32xf32, #tpu.memory_space<hbm>> -> memref<3136x32xf32, #tpu.memory_space<hbm>>
        %dma_start3A_150 = arith.constant 0 : i32
        %dma_start3A_151 = tpu.memref_slice %arg16[%mul3A_147, %dma_start3A_150] : memref<50176x32xf32, #tpu.memory_space<vmem_shared>> -> memref<3136x32xf32, #tpu.memory_space<vmem_shared>>
        tpu.enqueue_dma source(%dma_start3A_151 : memref<3136x32xf32, #tpu.memory_space<vmem_shared>>) target(%dma_start3A_149 : memref<3136x32xf32, #tpu.memory_space<hbm>>) target_semaphore(%run_scoped3A : memref<!tpu.dma_semaphore, #tpu.memory_space<semaphore_mem>>)
        %dma_wait3A_152 = arith.constant 0 : i32
        %dma_wait3A_153 = tpu.memref_slice %arg7[%mul3A_147, %dma_wait3A_152] : memref<50176x32xf32, #tpu.memory_space<hbm>> -> memref<3136x32xf32, #tpu.memory_space<hbm>>
        %dma_wait3A_154 = arith.constant 0 : i32
        %dma_wait3A_155 = tpu.memref_slice %arg16[%mul3A_147, %dma_wait3A_154] : memref<50176x32xf32, #tpu.memory_space<vmem_shared>> -> memref<3136x32xf32, #tpu.memory_space<vmem_shared>>
        tpu.wait_dma2 semaphore(%run_scoped3A : memref<!tpu.dma_semaphore, #tpu.memory_space<semaphore_mem>>) src(%dma_wait3A_155 : memref<3136x32xf32, #tpu.memory_space<vmem_shared>>) dst(%dma_wait3A_153 : memref<3136x32xf32, #tpu.memory_space<hbm>>)
        tpu.yield
      }) : () -> ()
    } else {
    }
    return
  }
}

#map = affine_map<(d0, d1) -> (0, 0)>
module attributes {stable_mosaic.version = 14 : i64} {
  func.func @_deg_body(%arg0: i32, %arg1: i32, %arg2: memref<6336x128xi32, #tpu.memory_space<hbm>>, %arg3: memref<6336x128xi32, #tpu.memory_space<hbm>>, %arg4: memref<128x16xf32, #tpu.memory_space<hbm>>, %arg5: memref<784x16xf32, #tpu.memory_space<hbm>>, %arg6: memref<50176x16xf32, #tpu.memory_space<hbm>>, %arg7: memref<50176x16xf32, #tpu.memory_space<hbm>>, %arg8: memref<3x128xi32, #tpu.memory_space<vmem>>, %arg9: memref<3x128xi32, #tpu.memory_space<vmem>>, %arg10: memref<128x16xf32, #tpu.memory_space<vmem>>, %arg11: memref<!tpu.dma_semaphore, #tpu.memory_space<semaphore_mem>>, %arg12: memref<!tpu.dma_semaphore, #tpu.memory_space<semaphore_mem>>, %arg13: memref<50176x16xf32, #tpu.memory_space<vmem_shared>>) attributes {dimension_semantics = [#tpu.dimension_semantics<core_parallel>, #tpu.dimension_semantics<subcore_parallel>], iteration_bounds = array<i64: 2, 16>, scalar_prefetch = 0 : i64, scratch_operands = 6 : i64, tpu.core_type = #tpu.core_type<sc_vector_subcore>, window_params = [{transform_indices = #map}, {transform_indices = #map}, {transform_indices = #map}, {transform_indices = #map}, {transform_indices = #map}, {transform_indices = #map}]} {
    %eq3A = arith.constant 0 : i32
    %eq3A_0 = arith.cmpi eq, %arg0, %eq3A : i32
    %convert_element_type3A = arith.extui %eq3A_0 : i1 to i32
    %cond3A = arith.constant 0 : i32
    %cond3A_1 = arith.cmpi ne, %convert_element_type3A, %cond3A : i32
    scf.if %cond3A_1 {
      %mul3A = arith.constant 3136 : i32
      %mul3A_7 = arith.muli %arg1, %mul3A : i32
      %add3A = arith.constant 0 : i32
      %add3A_8 = arith.addi %mul3A_7, %add3A : i32
      "tpu.region"() ({
        %run_scoped3A = tpu.sem_alloc : memref<!tpu.dma_semaphore, #tpu.memory_space<semaphore_mem>>
        %dma_start3A_94 = arith.constant 0 : i32
        %dma_start3A_95 = tpu.memref_slice %arg13[%add3A_8, %dma_start3A_94] : memref<50176x16xf32, #tpu.memory_space<vmem_shared>> -> memref<784x16xf32, #tpu.memory_space<vmem_shared>>
        tpu.enqueue_dma source(%arg5 : memref<784x16xf32, #tpu.memory_space<hbm>>) target(%dma_start3A_95 : memref<784x16xf32, #tpu.memory_space<vmem_shared>>) target_semaphore(%run_scoped3A : memref<!tpu.dma_semaphore, #tpu.memory_space<semaphore_mem>>)
        %dma_wait3A_96 = arith.constant 0 : i32
        %dma_wait3A_97 = tpu.memref_slice %arg13[%add3A_8, %dma_wait3A_96] : memref<50176x16xf32, #tpu.memory_space<vmem_shared>> -> memref<784x16xf32, #tpu.memory_space<vmem_shared>>
        tpu.wait_dma2 semaphore(%run_scoped3A : memref<!tpu.dma_semaphore, #tpu.memory_space<semaphore_mem>>) src(%arg5 : memref<784x16xf32, #tpu.memory_space<hbm>>) dst(%dma_wait3A_97 : memref<784x16xf32, #tpu.memory_space<vmem_shared>>)
        tpu.yield
      }) : () -> ()
      %mul3A_9 = arith.constant 3136 : i32
      %mul3A_10 = arith.muli %arg1, %mul3A_9 : i32
      %add3A_11 = arith.constant 784 : i32
      %add3A_12 = arith.addi %mul3A_10, %add3A_11 : i32
      "tpu.region"() ({
        %run_scoped3A = tpu.sem_alloc : memref<!tpu.dma_semaphore, #tpu.memory_space<semaphore_mem>>
        %dma_start3A_94 = arith.constant 0 : i32
        %dma_start3A_95 = tpu.memref_slice %arg13[%add3A_12, %dma_start3A_94] : memref<50176x16xf32, #tpu.memory_space<vmem_shared>> -> memref<784x16xf32, #tpu.memory_space<vmem_shared>>
        tpu.enqueue_dma source(%arg5 : memref<784x16xf32, #tpu.memory_space<hbm>>) target(%dma_start3A_95 : memref<784x16xf32, #tpu.memory_space<vmem_shared>>) target_semaphore(%run_scoped3A : memref<!tpu.dma_semaphore, #tpu.memory_space<semaphore_mem>>)
        %dma_wait3A_96 = arith.constant 0 : i32
        %dma_wait3A_97 = tpu.memref_slice %arg13[%add3A_12, %dma_wait3A_96] : memref<50176x16xf32, #tpu.memory_space<vmem_shared>> -> memref<784x16xf32, #tpu.memory_space<vmem_shared>>
        tpu.wait_dma2 semaphore(%run_scoped3A : memref<!tpu.dma_semaphore, #tpu.memory_space<semaphore_mem>>) src(%arg5 : memref<784x16xf32, #tpu.memory_space<hbm>>) dst(%dma_wait3A_97 : memref<784x16xf32, #tpu.memory_space<vmem_shared>>)
        tpu.yield
      }) : () -> ()
      %mul3A_13 = arith.constant 3136 : i32
      %mul3A_14 = arith.muli %arg1, %mul3A_13 : i32
      %add3A_15 = arith.constant 1568 : i32
      %add3A_16 = arith.addi %mul3A_14, %add3A_15 : i32
      "tpu.region"() ({
        %run_scoped3A = tpu.sem_alloc : memref<!tpu.dma_semaphore, #tpu.memory_space<semaphore_mem>>
        %dma_start3A_94 = arith.constant 0 : i32
        %dma_start3A_95 = tpu.memref_slice %arg13[%add3A_16, %dma_start3A_94] : memref<50176x16xf32, #tpu.memory_space<vmem_shared>> -> memref<784x16xf32, #tpu.memory_space<vmem_shared>>
        tpu.enqueue_dma source(%arg5 : memref<784x16xf32, #tpu.memory_space<hbm>>) target(%dma_start3A_95 : memref<784x16xf32, #tpu.memory_space<vmem_shared>>) target_semaphore(%run_scoped3A : memref<!tpu.dma_semaphore, #tpu.memory_space<semaphore_mem>>)
        %dma_wait3A_96 = arith.constant 0 : i32
        %dma_wait3A_97 = tpu.memref_slice %arg13[%add3A_16, %dma_wait3A_96] : memref<50176x16xf32, #tpu.memory_space<vmem_shared>> -> memref<784x16xf32, #tpu.memory_space<vmem_shared>>
        tpu.wait_dma2 semaphore(%run_scoped3A : memref<!tpu.dma_semaphore, #tpu.memory_space<semaphore_mem>>) src(%arg5 : memref<784x16xf32, #tpu.memory_space<hbm>>) dst(%dma_wait3A_97 : memref<784x16xf32, #tpu.memory_space<vmem_shared>>)
        tpu.yield
      }) : () -> ()
      %mul3A_17 = arith.constant 3136 : i32
      %mul3A_18 = arith.muli %arg1, %mul3A_17 : i32
      %add3A_19 = arith.constant 2352 : i32
      %add3A_20 = arith.addi %mul3A_18, %add3A_19 : i32
      "tpu.region"() ({
        %run_scoped3A = tpu.sem_alloc : memref<!tpu.dma_semaphore, #tpu.memory_space<semaphore_mem>>
        %dma_start3A_94 = arith.constant 0 : i32
        %dma_start3A_95 = tpu.memref_slice %arg13[%add3A_20, %dma_start3A_94] : memref<50176x16xf32, #tpu.memory_space<vmem_shared>> -> memref<784x16xf32, #tpu.memory_space<vmem_shared>>
        tpu.enqueue_dma source(%arg5 : memref<784x16xf32, #tpu.memory_space<hbm>>) target(%dma_start3A_95 : memref<784x16xf32, #tpu.memory_space<vmem_shared>>) target_semaphore(%run_scoped3A : memref<!tpu.dma_semaphore, #tpu.memory_space<semaphore_mem>>)
        %dma_wait3A_96 = arith.constant 0 : i32
        %dma_wait3A_97 = tpu.memref_slice %arg13[%add3A_20, %dma_wait3A_96] : memref<50176x16xf32, #tpu.memory_space<vmem_shared>> -> memref<784x16xf32, #tpu.memory_space<vmem_shared>>
        tpu.wait_dma2 semaphore(%run_scoped3A : memref<!tpu.dma_semaphore, #tpu.memory_space<semaphore_mem>>) src(%arg5 : memref<784x16xf32, #tpu.memory_space<hbm>>) dst(%dma_wait3A_97 : memref<784x16xf32, #tpu.memory_space<vmem_shared>>)
        tpu.yield
      }) : () -> ()
      "tpu.region"() ({
        %run_scoped3A = tpu.sem_alloc : memref<!tpu.dma_semaphore, #tpu.memory_space<semaphore_mem>>
        tpu.enqueue_dma source(%arg4 : memref<128x16xf32, #tpu.memory_space<hbm>>) target(%arg10 : memref<128x16xf32, #tpu.memory_space<vmem>>) target_semaphore(%run_scoped3A : memref<!tpu.dma_semaphore, #tpu.memory_space<semaphore_mem>>)
        tpu.wait_dma2 semaphore(%run_scoped3A : memref<!tpu.dma_semaphore, #tpu.memory_space<semaphore_mem>>) src(%arg4 : memref<128x16xf32, #tpu.memory_space<hbm>>) dst(%arg10 : memref<128x16xf32, #tpu.memory_space<vmem>>)
        tpu.yield
      }) : () -> ()
      %barrier3A = arith.constant 0 : index
      tpu.barrier barrier_id(%barrier3A)
      %mul3A_21 = arith.constant 396 : i32
      %mul3A_22 = arith.muli %arg1, %mul3A_21 : i32
      %add3A_23 = arith.constant 0 : i32
      %add3A_24 = arith.addi %mul3A_22, %add3A_23 : i32
      "tpu.region"() ({
        %run_scoped3A = tpu.sem_alloc : memref<!tpu.dma_semaphore, #tpu.memory_space<semaphore_mem>>
        %dma_start3A_94 = arith.constant 0 : i32
        %dma_start3A_95 = tpu.memref_slice %arg2[%add3A_24, %dma_start3A_94] : memref<6336x128xi32, #tpu.memory_space<hbm>> -> memref<3x128xi32, #tpu.memory_space<hbm>>
        %dma_start3A_96 = arith.constant 0 : i32
        %dma_start3A_97 = tpu.memref_slice %arg2[%add3A_24, %dma_start3A_96] : memref<6336x128xi32, #tpu.memory_space<hbm>> -> memref<3x128xi32, #tpu.memory_space<hbm>>
        tpu.enqueue_dma source(%dma_start3A_97 : memref<3x128xi32, #tpu.memory_space<hbm>>) target(%arg8 : memref<3x128xi32, #tpu.memory_space<vmem>>) target_semaphore(%run_scoped3A : memref<!tpu.dma_semaphore, #tpu.memory_space<semaphore_mem>>)
        %dma_wait3A_98 = arith.constant 0 : i32
        %dma_wait3A_99 = tpu.memref_slice %arg2[%add3A_24, %dma_wait3A_98] : memref<6336x128xi32, #tpu.memory_space<hbm>> -> memref<3x128xi32, #tpu.memory_space<hbm>>
        %dma_wait3A_100 = arith.constant 0 : i32
        %dma_wait3A_101 = tpu.memref_slice %arg2[%add3A_24, %dma_wait3A_100] : memref<6336x128xi32, #tpu.memory_space<hbm>> -> memref<3x128xi32, #tpu.memory_space<hbm>>
        tpu.wait_dma2 semaphore(%run_scoped3A : memref<!tpu.dma_semaphore, #tpu.memory_space<semaphore_mem>>) src(%dma_wait3A_101 : memref<3x128xi32, #tpu.memory_space<hbm>>) dst(%arg8 : memref<3x128xi32, #tpu.memory_space<vmem>>)
        tpu.yield
      }) : () -> ()
      %dma_start3A = arith.constant 0 : i32
      %dma_start3A_25 = arith.constant 0 : i32
      %dma_start3A_26 = tpu.memref_slice %arg8[%dma_start3A, %dma_start3A_25] : memref<3x128xi32, #tpu.memory_space<vmem>> -> memref<1x128xi32, #tpu.memory_space<vmem>>
      %dma_start3A_27 = tpu.memref_squeeze %dma_start3A_26 : memref<1x128xi32, #tpu.memory_space<vmem>> -> memref<128xi32, #tpu.memory_space<vmem>>
      %dma_start3A_28 = arith.constant 0 : i32
      %dma_start3A_29 = arith.constant 0 : i32
      %dma_start3A_30 = tpu.memref_slice %arg13[%dma_start3A_28, %dma_start3A_29] : memref<50176x16xf32, #tpu.memory_space<vmem_shared>> -> memref<50176x16xf32, #tpu.memory_space<vmem_shared>>
      tpu.enqueue_indirect_dma source(%arg10 : memref<128x16xf32, #tpu.memory_space<vmem>>) target(%dma_start3A_30 : memref<50176x16xf32, #tpu.memory_space<vmem_shared>>) offsets(%dma_start3A_27 : memref<128xi32, #tpu.memory_space<vmem>>) semaphore(%arg11 : memref<!tpu.dma_semaphore, #tpu.memory_space<semaphore_mem>>) {add = true}
      %dma_start3A_31 = arith.constant 1 : i32
      %dma_start3A_32 = arith.constant 0 : i32
      %dma_start3A_33 = tpu.memref_slice %arg8[%dma_start3A_31, %dma_start3A_32] : memref<3x128xi32, #tpu.memory_space<vmem>> -> memref<1x128xi32, #tpu.memory_space<vmem>>
      %dma_start3A_34 = tpu.memref_squeeze %dma_start3A_33 : memref<1x128xi32, #tpu.memory_space<vmem>> -> memref<128xi32, #tpu.memory_space<vmem>>
      %dma_start3A_35 = arith.constant 0 : i32
      %dma_start3A_36 = arith.constant 0 : i32
      %dma_start3A_37 = tpu.memref_slice %arg13[%dma_start3A_35, %dma_start3A_36] : memref<50176x16xf32, #tpu.memory_space<vmem_shared>> -> memref<50176x16xf32, #tpu.memory_space<vmem_shared>>
      tpu.enqueue_indirect_dma source(%arg10 : memref<128x16xf32, #tpu.memory_space<vmem>>) target(%dma_start3A_37 : memref<50176x16xf32, #tpu.memory_space<vmem_shared>>) offsets(%dma_start3A_34 : memref<128xi32, #tpu.memory_space<vmem>>) semaphore(%arg11 : memref<!tpu.dma_semaphore, #tpu.memory_space<semaphore_mem>>) {add = true}
      %dma_start3A_38 = arith.constant 2 : i32
      %dma_start3A_39 = arith.constant 0 : i32
      %dma_start3A_40 = tpu.memref_slice %arg8[%dma_start3A_38, %dma_start3A_39] : memref<3x128xi32, #tpu.memory_space<vmem>> -> memref<1x128xi32, #tpu.memory_space<vmem>>
      %dma_start3A_41 = tpu.memref_squeeze %dma_start3A_40 : memref<1x128xi32, #tpu.memory_space<vmem>> -> memref<128xi32, #tpu.memory_space<vmem>>
      %dma_start3A_42 = arith.constant 0 : i32
      %dma_start3A_43 = arith.constant 0 : i32
      %dma_start3A_44 = tpu.memref_slice %arg13[%dma_start3A_42, %dma_start3A_43] : memref<50176x16xf32, #tpu.memory_space<vmem_shared>> -> memref<50176x16xf32, #tpu.memory_space<vmem_shared>>
      tpu.enqueue_indirect_dma source(%arg10 : memref<128x16xf32, #tpu.memory_space<vmem>>) target(%dma_start3A_44 : memref<50176x16xf32, #tpu.memory_space<vmem_shared>>) offsets(%dma_start3A_41 : memref<128xi32, #tpu.memory_space<vmem>>) semaphore(%arg11 : memref<!tpu.dma_semaphore, #tpu.memory_space<semaphore_mem>>) {add = true}
      %scan3A = arith.constant 0 : i32
      %scan3A_45 = arith.constant 0 : i32
      %scan3A_46 = arith.constant 66 : i32
      %scan3A_47 = arith.addi %scan3A_45, %scan3A_46 : i32
      %scan3A_48 = arith.constant 1 : i32
      scf.for %scan3A_94 = %scan3A_45 to %scan3A_47 step %scan3A_48  : i32 {
        %mul3A_95 = arith.constant 2 : i32
        %mul3A_96 = arith.muli %mul3A_95, %scan3A_94 : i32
        %gt3A = arith.constant 0 : i32
        %gt3A_97 = arith.cmpi sgt, %scan3A_94, %gt3A : i32
        %convert_element_type3A_98 = arith.extui %gt3A_97 : i1 to i32
        %cond3A_99 = arith.constant 0 : i32
        %cond3A_100 = arith.cmpi ne, %convert_element_type3A_98, %cond3A_99 : i32
        scf.if %cond3A_100 {
          %dma_wait3A_133 = arith.constant 0 : i32
          %dma_wait3A_134 = arith.constant 0 : i32
          %dma_wait3A_135 = tpu.memref_slice %arg9[%dma_wait3A_133, %dma_wait3A_134] : memref<3x128xi32, #tpu.memory_space<vmem>> -> memref<1x128xi32, #tpu.memory_space<vmem>>
          %dma_wait3A_136 = tpu.memref_squeeze %dma_wait3A_135 : memref<1x128xi32, #tpu.memory_space<vmem>> -> memref<128xi32, #tpu.memory_space<vmem>>
          %dma_wait3A_137 = arith.constant 0 : i32
          %dma_wait3A_138 = arith.constant 0 : i32
          %dma_wait3A_139 = tpu.memref_slice %arg13[%dma_wait3A_137, %dma_wait3A_138] : memref<50176x16xf32, #tpu.memory_space<vmem_shared>> -> memref<50176x16xf32, #tpu.memory_space<vmem_shared>>
          tpu.wait_indirect_dma semaphore(%arg12 : memref<!tpu.dma_semaphore, #tpu.memory_space<semaphore_mem>>) src(%arg10 : memref<128x16xf32, #tpu.memory_space<vmem>>) dst(%dma_wait3A_139 : memref<50176x16xf32, #tpu.memory_space<vmem_shared>>)
          %dma_wait3A_140 = arith.constant 1 : i32
          %dma_wait3A_141 = arith.constant 0 : i32
          %dma_wait3A_142 = tpu.memref_slice %arg9[%dma_wait3A_140, %dma_wait3A_141] : memref<3x128xi32, #tpu.memory_space<vmem>> -> memref<1x128xi32, #tpu.memory_space<vmem>>
          %dma_wait3A_143 = tpu.memref_squeeze %dma_wait3A_142 : memref<1x128xi32, #tpu.memory_space<vmem>> -> memref<128xi32, #tpu.memory_space<vmem>>
          %dma_wait3A_144 = arith.constant 0 : i32
          %dma_wait3A_145 = arith.constant 0 : i32
          %dma_wait3A_146 = tpu.memref_slice %arg13[%dma_wait3A_144, %dma_wait3A_145] : memref<50176x16xf32, #tpu.memory_space<vmem_shared>> -> memref<50176x16xf32, #tpu.memory_space<vmem_shared>>
          tpu.wait_indirect_dma semaphore(%arg12 : memref<!tpu.dma_semaphore, #tpu.memory_space<semaphore_mem>>) src(%arg10 : memref<128x16xf32, #tpu.memory_space<vmem>>) dst(%dma_wait3A_146 : memref<50176x16xf32, #tpu.memory_space<vmem_shared>>)
          %dma_wait3A_147 = arith.constant 2 : i32
          %dma_wait3A_148 = arith.constant 0 : i32
          %dma_wait3A_149 = tpu.memref_slice %arg9[%dma_wait3A_147, %dma_wait3A_148] : memref<3x128xi32, #tpu.memory_space<vmem>> -> memref<1x128xi32, #tpu.memory_space<vmem>>
          %dma_wait3A_150 = tpu.memref_squeeze %dma_wait3A_149 : memref<1x128xi32, #tpu.memory_space<vmem>> -> memref<128xi32, #tpu.memory_space<vmem>>
          %dma_wait3A_151 = arith.constant 0 : i32
          %dma_wait3A_152 = arith.constant 0 : i32
          %dma_wait3A_153 = tpu.memref_slice %arg13[%dma_wait3A_151, %dma_wait3A_152] : memref<50176x16xf32, #tpu.memory_space<vmem_shared>> -> memref<50176x16xf32, #tpu.memory_space<vmem_shared>>
          tpu.wait_indirect_dma semaphore(%arg12 : memref<!tpu.dma_semaphore, #tpu.memory_space<semaphore_mem>>) src(%arg10 : memref<128x16xf32, #tpu.memory_space<vmem>>) dst(%dma_wait3A_153 : memref<50176x16xf32, #tpu.memory_space<vmem_shared>>)
        } else {
        }
        %add3A_101 = arith.constant 1 : i32
        %add3A_102 = arith.addi %mul3A_96, %add3A_101 : i32
        %mul3A_103 = arith.constant 3 : i32
        %mul3A_104 = arith.muli %add3A_102, %mul3A_103 : i32
        %add3A_105 = arith.addi %mul3A_22, %mul3A_104 : i32
        "tpu.region"() ({
          %run_scoped3A = tpu.sem_alloc : memref<!tpu.dma_semaphore, #tpu.memory_space<semaphore_mem>>
          %dma_start3A_133 = arith.constant 0 : i32
          %dma_start3A_134 = tpu.memref_slice %arg2[%add3A_105, %dma_start3A_133] : memref<6336x128xi32, #tpu.memory_space<hbm>> -> memref<3x128xi32, #tpu.memory_space<hbm>>
          %dma_start3A_135 = arith.constant 0 : i32
          %dma_start3A_136 = tpu.memref_slice %arg2[%add3A_105, %dma_start3A_135] : memref<6336x128xi32, #tpu.memory_space<hbm>> -> memref<3x128xi32, #tpu.memory_space<hbm>>
          tpu.enqueue_dma source(%dma_start3A_136 : memref<3x128xi32, #tpu.memory_space<hbm>>) target(%arg9 : memref<3x128xi32, #tpu.memory_space<vmem>>) target_semaphore(%run_scoped3A : memref<!tpu.dma_semaphore, #tpu.memory_space<semaphore_mem>>)
          %dma_wait3A_137 = arith.constant 0 : i32
          %dma_wait3A_138 = tpu.memref_slice %arg2[%add3A_105, %dma_wait3A_137] : memref<6336x128xi32, #tpu.memory_space<hbm>> -> memref<3x128xi32, #tpu.memory_space<hbm>>
          %dma_wait3A_139 = arith.constant 0 : i32
          %dma_wait3A_140 = tpu.memref_slice %arg2[%add3A_105, %dma_wait3A_139] : memref<6336x128xi32, #tpu.memory_space<hbm>> -> memref<3x128xi32, #tpu.memory_space<hbm>>
          tpu.wait_dma2 semaphore(%run_scoped3A : memref<!tpu.dma_semaphore, #tpu.memory_space<semaphore_mem>>) src(%dma_wait3A_140 : memref<3x128xi32, #tpu.memory_space<hbm>>) dst(%arg9 : memref<3x128xi32, #tpu.memory_space<vmem>>)
          tpu.yield
        }) : () -> ()
        %dma_start3A_106 = arith.constant 0 : i32
        %dma_start3A_107 = arith.constant 0 : i32
        %dma_start3A_108 = tpu.memref_slice %arg9[%dma_start3A_106, %dma_start3A_107] : memref<3x128xi32, #tpu.memory_space<vmem>> -> memref<1x128xi32, #tpu.memory_space<vmem>>
        %dma_start3A_109 = tpu.memref_squeeze %dma_start3A_108 : memref<1x128xi32, #tpu.memory_space<vmem>> -> memref<128xi32, #tpu.memory_space<vmem>>
        %dma_start3A_110 = arith.constant 0 : i32
        %dma_start3A_111 = arith.constant 0 : i32
        %dma_start3A_112 = tpu.memref_slice %arg13[%dma_start3A_110, %dma_start3A_111] : memref<50176x16xf32, #tpu.memory_space<vmem_shared>> -> memref<50176x16xf32, #tpu.memory_space<vmem_shared>>
        tpu.enqueue_indirect_dma source(%arg10 : memref<128x16xf32, #tpu.memory_space<vmem>>) target(%dma_start3A_112 : memref<50176x16xf32, #tpu.memory_space<vmem_shared>>) offsets(%dma_start3A_109 : memref<128xi32, #tpu.memory_space<vmem>>) semaphore(%arg12 : memref<!tpu.dma_semaphore, #tpu.memory_space<semaphore_mem>>) {add = true}
        %dma_start3A_113 = arith.constant 1 : i32
        %dma_start3A_114 = arith.constant 0 : i32
        %dma_start3A_115 = tpu.memref_slice %arg9[%dma_start3A_113, %dma_start3A_114] : memref<3x128xi32, #tpu.memory_space<vmem>> -> memref<1x128xi32, #tpu.memory_space<vmem>>
        %dma_start3A_116 = tpu.memref_squeeze %dma_start3A_115 : memref<1x128xi32, #tpu.memory_space<vmem>> -> memref<128xi32, #tpu.memory_space<vmem>>
        %dma_start3A_117 = arith.constant 0 : i32
        %dma_start3A_118 = arith.constant 0 : i32
        %dma_start3A_119 = tpu.memref_slice %arg13[%dma_start3A_117, %dma_start3A_118] : memref<50176x16xf32, #tpu.memory_space<vmem_shared>> -> memref<50176x16xf32, #tpu.memory_space<vmem_shared>>
        tpu.enqueue_indirect_dma source(%arg10 : memref<128x16xf32, #tpu.memory_space<vmem>>) target(%dma_start3A_119 : memref<50176x16xf32, #tpu.memory_space<vmem_shared>>) offsets(%dma_start3A_116 : memref<128xi32, #tpu.memory_space<vmem>>) semaphore(%arg12 : memref<!tpu.dma_semaphore, #tpu.memory_space<semaphore_mem>>) {add = true}
        %dma_start3A_120 = arith.constant 2 : i32
        %dma_start3A_121 = arith.constant 0 : i32
        %dma_start3A_122 = tpu.memref_slice %arg9[%dma_start3A_120, %dma_start3A_121] : memref<3x128xi32, #tpu.memory_space<vmem>> -> memref<1x128xi32, #tpu.memory_space<vmem>>
        %dma_start3A_123 = tpu.memref_squeeze %dma_start3A_122 : memref<1x128xi32, #tpu.memory_space<vmem>> -> memref<128xi32, #tpu.memory_space<vmem>>
        %dma_start3A_124 = arith.constant 0 : i32
        %dma_start3A_125 = arith.constant 0 : i32
        %dma_start3A_126 = tpu.memref_slice %arg13[%dma_start3A_124, %dma_start3A_125] : memref<50176x16xf32, #tpu.memory_space<vmem_shared>> -> memref<50176x16xf32, #tpu.memory_space<vmem_shared>>
        tpu.enqueue_indirect_dma source(%arg10 : memref<128x16xf32, #tpu.memory_space<vmem>>) target(%dma_start3A_126 : memref<50176x16xf32, #tpu.memory_space<vmem_shared>>) offsets(%dma_start3A_123 : memref<128xi32, #tpu.memory_space<vmem>>) semaphore(%arg12 : memref<!tpu.dma_semaphore, #tpu.memory_space<semaphore_mem>>) {add = true}
        %add3A_127 = arith.constant 1 : i32
        %add3A_128 = arith.addi %scan3A_94, %add3A_127 : i32
        %lt3A = arith.constant 66 : i32
        %lt3A_129 = arith.cmpi slt, %add3A_128, %lt3A : i32
        %convert_element_type3A_130 = arith.extui %lt3A_129 : i1 to i32
        %cond3A_131 = arith.constant 0 : i32
        %cond3A_132 = arith.cmpi ne, %convert_element_type3A_130, %cond3A_131 : i32
        scf.if %cond3A_132 {
          %dma_wait3A_133 = arith.constant 0 : i32
          %dma_wait3A_134 = arith.constant 0 : i32
          %dma_wait3A_135 = tpu.memref_slice %arg8[%dma_wait3A_133, %dma_wait3A_134] : memref<3x128xi32, #tpu.memory_space<vmem>> -> memref<1x128xi32, #tpu.memory_space<vmem>>
          %dma_wait3A_136 = tpu.memref_squeeze %dma_wait3A_135 : memref<1x128xi32, #tpu.memory_space<vmem>> -> memref<128xi32, #tpu.memory_space<vmem>>
          %dma_wait3A_137 = arith.constant 0 : i32
          %dma_wait3A_138 = arith.constant 0 : i32
          %dma_wait3A_139 = tpu.memref_slice %arg13[%dma_wait3A_137, %dma_wait3A_138] : memref<50176x16xf32, #tpu.memory_space<vmem_shared>> -> memref<50176x16xf32, #tpu.memory_space<vmem_shared>>
          tpu.wait_indirect_dma semaphore(%arg11 : memref<!tpu.dma_semaphore, #tpu.memory_space<semaphore_mem>>) src(%arg10 : memref<128x16xf32, #tpu.memory_space<vmem>>) dst(%dma_wait3A_139 : memref<50176x16xf32, #tpu.memory_space<vmem_shared>>)
          %dma_wait3A_140 = arith.constant 1 : i32
          %dma_wait3A_141 = arith.constant 0 : i32
          %dma_wait3A_142 = tpu.memref_slice %arg8[%dma_wait3A_140, %dma_wait3A_141] : memref<3x128xi32, #tpu.memory_space<vmem>> -> memref<1x128xi32, #tpu.memory_space<vmem>>
          %dma_wait3A_143 = tpu.memref_squeeze %dma_wait3A_142 : memref<1x128xi32, #tpu.memory_space<vmem>> -> memref<128xi32, #tpu.memory_space<vmem>>
          %dma_wait3A_144 = arith.constant 0 : i32
          %dma_wait3A_145 = arith.constant 0 : i32
          %dma_wait3A_146 = tpu.memref_slice %arg13[%dma_wait3A_144, %dma_wait3A_145] : memref<50176x16xf32, #tpu.memory_space<vmem_shared>> -> memref<50176x16xf32, #tpu.memory_space<vmem_shared>>
          tpu.wait_indirect_dma semaphore(%arg11 : memref<!tpu.dma_semaphore, #tpu.memory_space<semaphore_mem>>) src(%arg10 : memref<128x16xf32, #tpu.memory_space<vmem>>) dst(%dma_wait3A_146 : memref<50176x16xf32, #tpu.memory_space<vmem_shared>>)
          %dma_wait3A_147 = arith.constant 2 : i32
          %dma_wait3A_148 = arith.constant 0 : i32
          %dma_wait3A_149 = tpu.memref_slice %arg8[%dma_wait3A_147, %dma_wait3A_148] : memref<3x128xi32, #tpu.memory_space<vmem>> -> memref<1x128xi32, #tpu.memory_space<vmem>>
          %dma_wait3A_150 = tpu.memref_squeeze %dma_wait3A_149 : memref<1x128xi32, #tpu.memory_space<vmem>> -> memref<128xi32, #tpu.memory_space<vmem>>
          %dma_wait3A_151 = arith.constant 0 : i32
          %dma_wait3A_152 = arith.constant 0 : i32
          %dma_wait3A_153 = tpu.memref_slice %arg13[%dma_wait3A_151, %dma_wait3A_152] : memref<50176x16xf32, #tpu.memory_space<vmem_shared>> -> memref<50176x16xf32, #tpu.memory_space<vmem_shared>>
          tpu.wait_indirect_dma semaphore(%arg11 : memref<!tpu.dma_semaphore, #tpu.memory_space<semaphore_mem>>) src(%arg10 : memref<128x16xf32, #tpu.memory_space<vmem>>) dst(%dma_wait3A_153 : memref<50176x16xf32, #tpu.memory_space<vmem_shared>>)
          %add3A_154 = arith.constant 2 : i32
          %add3A_155 = arith.addi %mul3A_96, %add3A_154 : i32
          %mul3A_156 = arith.constant 3 : i32
          %mul3A_157 = arith.muli %add3A_155, %mul3A_156 : i32
          %add3A_158 = arith.addi %mul3A_22, %mul3A_157 : i32
          "tpu.region"() ({
            %run_scoped3A = tpu.sem_alloc : memref<!tpu.dma_semaphore, #tpu.memory_space<semaphore_mem>>
            %dma_start3A_180 = arith.constant 0 : i32
            %dma_start3A_181 = tpu.memref_slice %arg2[%add3A_158, %dma_start3A_180] : memref<6336x128xi32, #tpu.memory_space<hbm>> -> memref<3x128xi32, #tpu.memory_space<hbm>>
            %dma_start3A_182 = arith.constant 0 : i32
            %dma_start3A_183 = tpu.memref_slice %arg2[%add3A_158, %dma_start3A_182] : memref<6336x128xi32, #tpu.memory_space<hbm>> -> memref<3x128xi32, #tpu.memory_space<hbm>>
            tpu.enqueue_dma source(%dma_start3A_183 : memref<3x128xi32, #tpu.memory_space<hbm>>) target(%arg8 : memref<3x128xi32, #tpu.memory_space<vmem>>) target_semaphore(%run_scoped3A : memref<!tpu.dma_semaphore, #tpu.memory_space<semaphore_mem>>)
            %dma_wait3A_184 = arith.constant 0 : i32
            %dma_wait3A_185 = tpu.memref_slice %arg2[%add3A_158, %dma_wait3A_184] : memref<6336x128xi32, #tpu.memory_space<hbm>> -> memref<3x128xi32, #tpu.memory_space<hbm>>
            %dma_wait3A_186 = arith.constant 0 : i32
            %dma_wait3A_187 = tpu.memref_slice %arg2[%add3A_158, %dma_wait3A_186] : memref<6336x128xi32, #tpu.memory_space<hbm>> -> memref<3x128xi32, #tpu.memory_space<hbm>>
            tpu.wait_dma2 semaphore(%run_scoped3A : memref<!tpu.dma_semaphore, #tpu.memory_space<semaphore_mem>>) src(%dma_wait3A_187 : memref<3x128xi32, #tpu.memory_space<hbm>>) dst(%arg8 : memref<3x128xi32, #tpu.memory_space<vmem>>)
            tpu.yield
          }) : () -> ()
          %dma_start3A_159 = arith.constant 0 : i32
          %dma_start3A_160 = arith.constant 0 : i32
          %dma_start3A_161 = tpu.memref_slice %arg8[%dma_start3A_159, %dma_start3A_160] : memref<3x128xi32, #tpu.memory_space<vmem>> -> memref<1x128xi32, #tpu.memory_space<vmem>>
          %dma_start3A_162 = tpu.memref_squeeze %dma_start3A_161 : memref<1x128xi32, #tpu.memory_space<vmem>> -> memref<128xi32, #tpu.memory_space<vmem>>
          %dma_start3A_163 = arith.constant 0 : i32
          %dma_start3A_164 = arith.constant 0 : i32
          %dma_start3A_165 = tpu.memref_slice %arg13[%dma_start3A_163, %dma_start3A_164] : memref<50176x16xf32, #tpu.memory_space<vmem_shared>> -> memref<50176x16xf32, #tpu.memory_space<vmem_shared>>
          tpu.enqueue_indirect_dma source(%arg10 : memref<128x16xf32, #tpu.memory_space<vmem>>) target(%dma_start3A_165 : memref<50176x16xf32, #tpu.memory_space<vmem_shared>>) offsets(%dma_start3A_162 : memref<128xi32, #tpu.memory_space<vmem>>) semaphore(%arg11 : memref<!tpu.dma_semaphore, #tpu.memory_space<semaphore_mem>>) {add = true}
          %dma_start3A_166 = arith.constant 1 : i32
          %dma_start3A_167 = arith.constant 0 : i32
          %dma_start3A_168 = tpu.memref_slice %arg8[%dma_start3A_166, %dma_start3A_167] : memref<3x128xi32, #tpu.memory_space<vmem>> -> memref<1x128xi32, #tpu.memory_space<vmem>>
          %dma_start3A_169 = tpu.memref_squeeze %dma_start3A_168 : memref<1x128xi32, #tpu.memory_space<vmem>> -> memref<128xi32, #tpu.memory_space<vmem>>
          %dma_start3A_170 = arith.constant 0 : i32
          %dma_start3A_171 = arith.constant 0 : i32
          %dma_start3A_172 = tpu.memref_slice %arg13[%dma_start3A_170, %dma_start3A_171] : memref<50176x16xf32, #tpu.memory_space<vmem_shared>> -> memref<50176x16xf32, #tpu.memory_space<vmem_shared>>
          tpu.enqueue_indirect_dma source(%arg10 : memref<128x16xf32, #tpu.memory_space<vmem>>) target(%dma_start3A_172 : memref<50176x16xf32, #tpu.memory_space<vmem_shared>>) offsets(%dma_start3A_169 : memref<128xi32, #tpu.memory_space<vmem>>) semaphore(%arg11 : memref<!tpu.dma_semaphore, #tpu.memory_space<semaphore_mem>>) {add = true}
          %dma_start3A_173 = arith.constant 2 : i32
          %dma_start3A_174 = arith.constant 0 : i32
          %dma_start3A_175 = tpu.memref_slice %arg8[%dma_start3A_173, %dma_start3A_174] : memref<3x128xi32, #tpu.memory_space<vmem>> -> memref<1x128xi32, #tpu.memory_space<vmem>>
          %dma_start3A_176 = tpu.memref_squeeze %dma_start3A_175 : memref<1x128xi32, #tpu.memory_space<vmem>> -> memref<128xi32, #tpu.memory_space<vmem>>
          %dma_start3A_177 = arith.constant 0 : i32
          %dma_start3A_178 = arith.constant 0 : i32
          %dma_start3A_179 = tpu.memref_slice %arg13[%dma_start3A_177, %dma_start3A_178] : memref<50176x16xf32, #tpu.memory_space<vmem_shared>> -> memref<50176x16xf32, #tpu.memory_space<vmem_shared>>
          tpu.enqueue_indirect_dma source(%arg10 : memref<128x16xf32, #tpu.memory_space<vmem>>) target(%dma_start3A_179 : memref<50176x16xf32, #tpu.memory_space<vmem_shared>>) offsets(%dma_start3A_176 : memref<128xi32, #tpu.memory_space<vmem>>) semaphore(%arg11 : memref<!tpu.dma_semaphore, #tpu.memory_space<semaphore_mem>>) {add = true}
        } else {
        }
      }
      %scan3A_49 = arith.constant 66 : i32
      %dma_wait3A = arith.constant 0 : i32
      %dma_wait3A_50 = arith.constant 0 : i32
      %dma_wait3A_51 = tpu.memref_slice %arg8[%dma_wait3A, %dma_wait3A_50] : memref<3x128xi32, #tpu.memory_space<vmem>> -> memref<1x128xi32, #tpu.memory_space<vmem>>
      %dma_wait3A_52 = tpu.memref_squeeze %dma_wait3A_51 : memref<1x128xi32, #tpu.memory_space<vmem>> -> memref<128xi32, #tpu.memory_space<vmem>>
      %dma_wait3A_53 = arith.constant 0 : i32
      %dma_wait3A_54 = arith.constant 0 : i32
      %dma_wait3A_55 = tpu.memref_slice %arg13[%dma_wait3A_53, %dma_wait3A_54] : memref<50176x16xf32, #tpu.memory_space<vmem_shared>> -> memref<50176x16xf32, #tpu.memory_space<vmem_shared>>
      tpu.wait_indirect_dma semaphore(%arg11 : memref<!tpu.dma_semaphore, #tpu.memory_space<semaphore_mem>>) src(%arg10 : memref<128x16xf32, #tpu.memory_space<vmem>>) dst(%dma_wait3A_55 : memref<50176x16xf32, #tpu.memory_space<vmem_shared>>)
      %dma_wait3A_56 = arith.constant 1 : i32
      %dma_wait3A_57 = arith.constant 0 : i32
      %dma_wait3A_58 = tpu.memref_slice %arg8[%dma_wait3A_56, %dma_wait3A_57] : memref<3x128xi32, #tpu.memory_space<vmem>> -> memref<1x128xi32, #tpu.memory_space<vmem>>
      %dma_wait3A_59 = tpu.memref_squeeze %dma_wait3A_58 : memref<1x128xi32, #tpu.memory_space<vmem>> -> memref<128xi32, #tpu.memory_space<vmem>>
      %dma_wait3A_60 = arith.constant 0 : i32
      %dma_wait3A_61 = arith.constant 0 : i32
      %dma_wait3A_62 = tpu.memref_slice %arg13[%dma_wait3A_60, %dma_wait3A_61] : memref<50176x16xf32, #tpu.memory_space<vmem_shared>> -> memref<50176x16xf32, #tpu.memory_space<vmem_shared>>
      tpu.wait_indirect_dma semaphore(%arg11 : memref<!tpu.dma_semaphore, #tpu.memory_space<semaphore_mem>>) src(%arg10 : memref<128x16xf32, #tpu.memory_space<vmem>>) dst(%dma_wait3A_62 : memref<50176x16xf32, #tpu.memory_space<vmem_shared>>)
      %dma_wait3A_63 = arith.constant 2 : i32
      %dma_wait3A_64 = arith.constant 0 : i32
      %dma_wait3A_65 = tpu.memref_slice %arg8[%dma_wait3A_63, %dma_wait3A_64] : memref<3x128xi32, #tpu.memory_space<vmem>> -> memref<1x128xi32, #tpu.memory_space<vmem>>
      %dma_wait3A_66 = tpu.memref_squeeze %dma_wait3A_65 : memref<1x128xi32, #tpu.memory_space<vmem>> -> memref<128xi32, #tpu.memory_space<vmem>>
      %dma_wait3A_67 = arith.constant 0 : i32
      %dma_wait3A_68 = arith.constant 0 : i32
      %dma_wait3A_69 = tpu.memref_slice %arg13[%dma_wait3A_67, %dma_wait3A_68] : memref<50176x16xf32, #tpu.memory_space<vmem_shared>> -> memref<50176x16xf32, #tpu.memory_space<vmem_shared>>
      tpu.wait_indirect_dma semaphore(%arg11 : memref<!tpu.dma_semaphore, #tpu.memory_space<semaphore_mem>>) src(%arg10 : memref<128x16xf32, #tpu.memory_space<vmem>>) dst(%dma_wait3A_69 : memref<50176x16xf32, #tpu.memory_space<vmem_shared>>)
      %dma_wait3A_70 = arith.constant 0 : i32
      %dma_wait3A_71 = arith.constant 0 : i32
      %dma_wait3A_72 = tpu.memref_slice %arg9[%dma_wait3A_70, %dma_wait3A_71] : memref<3x128xi32, #tpu.memory_space<vmem>> -> memref<1x128xi32, #tpu.memory_space<vmem>>
      %dma_wait3A_73 = tpu.memref_squeeze %dma_wait3A_72 : memref<1x128xi32, #tpu.memory_space<vmem>> -> memref<128xi32, #tpu.memory_space<vmem>>
      %dma_wait3A_74 = arith.constant 0 : i32
      %dma_wait3A_75 = arith.constant 0 : i32
      %dma_wait3A_76 = tpu.memref_slice %arg13[%dma_wait3A_74, %dma_wait3A_75] : memref<50176x16xf32, #tpu.memory_space<vmem_shared>> -> memref<50176x16xf32, #tpu.memory_space<vmem_shared>>
      tpu.wait_indirect_dma semaphore(%arg12 : memref<!tpu.dma_semaphore, #tpu.memory_space<semaphore_mem>>) src(%arg10 : memref<128x16xf32, #tpu.memory_space<vmem>>) dst(%dma_wait3A_76 : memref<50176x16xf32, #tpu.memory_space<vmem_shared>>)
      %dma_wait3A_77 = arith.constant 1 : i32
      %dma_wait3A_78 = arith.constant 0 : i32
      %dma_wait3A_79 = tpu.memref_slice %arg9[%dma_wait3A_77, %dma_wait3A_78] : memref<3x128xi32, #tpu.memory_space<vmem>> -> memref<1x128xi32, #tpu.memory_space<vmem>>
      %dma_wait3A_80 = tpu.memref_squeeze %dma_wait3A_79 : memref<1x128xi32, #tpu.memory_space<vmem>> -> memref<128xi32, #tpu.memory_space<vmem>>
      %dma_wait3A_81 = arith.constant 0 : i32
      %dma_wait3A_82 = arith.constant 0 : i32
      %dma_wait3A_83 = tpu.memref_slice %arg13[%dma_wait3A_81, %dma_wait3A_82] : memref<50176x16xf32, #tpu.memory_space<vmem_shared>> -> memref<50176x16xf32, #tpu.memory_space<vmem_shared>>
      tpu.wait_indirect_dma semaphore(%arg12 : memref<!tpu.dma_semaphore, #tpu.memory_space<semaphore_mem>>) src(%arg10 : memref<128x16xf32, #tpu.memory_space<vmem>>) dst(%dma_wait3A_83 : memref<50176x16xf32, #tpu.memory_space<vmem_shared>>)
      %dma_wait3A_84 = arith.constant 2 : i32
      %dma_wait3A_85 = arith.constant 0 : i32
      %dma_wait3A_86 = tpu.memref_slice %arg9[%dma_wait3A_84, %dma_wait3A_85] : memref<3x128xi32, #tpu.memory_space<vmem>> -> memref<1x128xi32, #tpu.memory_space<vmem>>
      %dma_wait3A_87 = tpu.memref_squeeze %dma_wait3A_86 : memref<1x128xi32, #tpu.memory_space<vmem>> -> memref<128xi32, #tpu.memory_space<vmem>>
      %dma_wait3A_88 = arith.constant 0 : i32
      %dma_wait3A_89 = arith.constant 0 : i32
      %dma_wait3A_90 = tpu.memref_slice %arg13[%dma_wait3A_88, %dma_wait3A_89] : memref<50176x16xf32, #tpu.memory_space<vmem_shared>> -> memref<50176x16xf32, #tpu.memory_space<vmem_shared>>
      tpu.wait_indirect_dma semaphore(%arg12 : memref<!tpu.dma_semaphore, #tpu.memory_space<semaphore_mem>>) src(%arg10 : memref<128x16xf32, #tpu.memory_space<vmem>>) dst(%dma_wait3A_90 : memref<50176x16xf32, #tpu.memory_space<vmem_shared>>)
      %barrier3A_91 = arith.constant 0 : index
      tpu.barrier barrier_id(%barrier3A_91)
      %mul3A_92 = arith.constant 3136 : i32
      %mul3A_93 = arith.muli %arg1, %mul3A_92 : i32
      "tpu.region"() ({
        %run_scoped3A = tpu.sem_alloc : memref<!tpu.dma_semaphore, #tpu.memory_space<semaphore_mem>>
        %dma_start3A_94 = arith.constant 0 : i32
        %dma_start3A_95 = tpu.memref_slice %arg6[%mul3A_93, %dma_start3A_94] : memref<50176x16xf32, #tpu.memory_space<hbm>> -> memref<3136x16xf32, #tpu.memory_space<hbm>>
        %dma_start3A_96 = arith.constant 0 : i32
        %dma_start3A_97 = tpu.memref_slice %arg13[%mul3A_93, %dma_start3A_96] : memref<50176x16xf32, #tpu.memory_space<vmem_shared>> -> memref<3136x16xf32, #tpu.memory_space<vmem_shared>>
        tpu.enqueue_dma source(%dma_start3A_97 : memref<3136x16xf32, #tpu.memory_space<vmem_shared>>) target(%dma_start3A_95 : memref<3136x16xf32, #tpu.memory_space<hbm>>) target_semaphore(%run_scoped3A : memref<!tpu.dma_semaphore, #tpu.memory_space<semaphore_mem>>)
        %dma_wait3A_98 = arith.constant 0 : i32
        %dma_wait3A_99 = tpu.memref_slice %arg6[%mul3A_93, %dma_wait3A_98] : memref<50176x16xf32, #tpu.memory_space<hbm>> -> memref<3136x16xf32, #tpu.memory_space<hbm>>
        %dma_wait3A_100 = arith.constant 0 : i32
        %dma_wait3A_101 = tpu.memref_slice %arg13[%mul3A_93, %dma_wait3A_100] : memref<50176x16xf32, #tpu.memory_space<vmem_shared>> -> memref<3136x16xf32, #tpu.memory_space<vmem_shared>>
        tpu.wait_dma2 semaphore(%run_scoped3A : memref<!tpu.dma_semaphore, #tpu.memory_space<semaphore_mem>>) src(%dma_wait3A_101 : memref<3136x16xf32, #tpu.memory_space<vmem_shared>>) dst(%dma_wait3A_99 : memref<3136x16xf32, #tpu.memory_space<hbm>>)
        tpu.yield
      }) : () -> ()
    } else {
    }
    %eq3A_2 = arith.constant 1 : i32
    %eq3A_3 = arith.cmpi eq, %arg0, %eq3A_2 : i32
    %convert_element_type3A_4 = arith.extui %eq3A_3 : i1 to i32
    %cond3A_5 = arith.constant 0 : i32
    %cond3A_6 = arith.cmpi ne, %convert_element_type3A_4, %cond3A_5 : i32
    scf.if %cond3A_6 {
      %mul3A = arith.constant 3136 : i32
      %mul3A_7 = arith.muli %arg1, %mul3A : i32
      %add3A = arith.constant 0 : i32
      %add3A_8 = arith.addi %mul3A_7, %add3A : i32
      "tpu.region"() ({
        %run_scoped3A = tpu.sem_alloc : memref<!tpu.dma_semaphore, #tpu.memory_space<semaphore_mem>>
        %dma_start3A_94 = arith.constant 0 : i32
        %dma_start3A_95 = tpu.memref_slice %arg13[%add3A_8, %dma_start3A_94] : memref<50176x16xf32, #tpu.memory_space<vmem_shared>> -> memref<784x16xf32, #tpu.memory_space<vmem_shared>>
        tpu.enqueue_dma source(%arg5 : memref<784x16xf32, #tpu.memory_space<hbm>>) target(%dma_start3A_95 : memref<784x16xf32, #tpu.memory_space<vmem_shared>>) target_semaphore(%run_scoped3A : memref<!tpu.dma_semaphore, #tpu.memory_space<semaphore_mem>>)
        %dma_wait3A_96 = arith.constant 0 : i32
        %dma_wait3A_97 = tpu.memref_slice %arg13[%add3A_8, %dma_wait3A_96] : memref<50176x16xf32, #tpu.memory_space<vmem_shared>> -> memref<784x16xf32, #tpu.memory_space<vmem_shared>>
        tpu.wait_dma2 semaphore(%run_scoped3A : memref<!tpu.dma_semaphore, #tpu.memory_space<semaphore_mem>>) src(%arg5 : memref<784x16xf32, #tpu.memory_space<hbm>>) dst(%dma_wait3A_97 : memref<784x16xf32, #tpu.memory_space<vmem_shared>>)
        tpu.yield
      }) : () -> ()
      %mul3A_9 = arith.constant 3136 : i32
      %mul3A_10 = arith.muli %arg1, %mul3A_9 : i32
      %add3A_11 = arith.constant 784 : i32
      %add3A_12 = arith.addi %mul3A_10, %add3A_11 : i32
      "tpu.region"() ({
        %run_scoped3A = tpu.sem_alloc : memref<!tpu.dma_semaphore, #tpu.memory_space<semaphore_mem>>
        %dma_start3A_94 = arith.constant 0 : i32
        %dma_start3A_95 = tpu.memref_slice %arg13[%add3A_12, %dma_start3A_94] : memref<50176x16xf32, #tpu.memory_space<vmem_shared>> -> memref<784x16xf32, #tpu.memory_space<vmem_shared>>
        tpu.enqueue_dma source(%arg5 : memref<784x16xf32, #tpu.memory_space<hbm>>) target(%dma_start3A_95 : memref<784x16xf32, #tpu.memory_space<vmem_shared>>) target_semaphore(%run_scoped3A : memref<!tpu.dma_semaphore, #tpu.memory_space<semaphore_mem>>)
        %dma_wait3A_96 = arith.constant 0 : i32
        %dma_wait3A_97 = tpu.memref_slice %arg13[%add3A_12, %dma_wait3A_96] : memref<50176x16xf32, #tpu.memory_space<vmem_shared>> -> memref<784x16xf32, #tpu.memory_space<vmem_shared>>
        tpu.wait_dma2 semaphore(%run_scoped3A : memref<!tpu.dma_semaphore, #tpu.memory_space<semaphore_mem>>) src(%arg5 : memref<784x16xf32, #tpu.memory_space<hbm>>) dst(%dma_wait3A_97 : memref<784x16xf32, #tpu.memory_space<vmem_shared>>)
        tpu.yield
      }) : () -> ()
      %mul3A_13 = arith.constant 3136 : i32
      %mul3A_14 = arith.muli %arg1, %mul3A_13 : i32
      %add3A_15 = arith.constant 1568 : i32
      %add3A_16 = arith.addi %mul3A_14, %add3A_15 : i32
      "tpu.region"() ({
        %run_scoped3A = tpu.sem_alloc : memref<!tpu.dma_semaphore, #tpu.memory_space<semaphore_mem>>
        %dma_start3A_94 = arith.constant 0 : i32
        %dma_start3A_95 = tpu.memref_slice %arg13[%add3A_16, %dma_start3A_94] : memref<50176x16xf32, #tpu.memory_space<vmem_shared>> -> memref<784x16xf32, #tpu.memory_space<vmem_shared>>
        tpu.enqueue_dma source(%arg5 : memref<784x16xf32, #tpu.memory_space<hbm>>) target(%dma_start3A_95 : memref<784x16xf32, #tpu.memory_space<vmem_shared>>) target_semaphore(%run_scoped3A : memref<!tpu.dma_semaphore, #tpu.memory_space<semaphore_mem>>)
        %dma_wait3A_96 = arith.constant 0 : i32
        %dma_wait3A_97 = tpu.memref_slice %arg13[%add3A_16, %dma_wait3A_96] : memref<50176x16xf32, #tpu.memory_space<vmem_shared>> -> memref<784x16xf32, #tpu.memory_space<vmem_shared>>
        tpu.wait_dma2 semaphore(%run_scoped3A : memref<!tpu.dma_semaphore, #tpu.memory_space<semaphore_mem>>) src(%arg5 : memref<784x16xf32, #tpu.memory_space<hbm>>) dst(%dma_wait3A_97 : memref<784x16xf32, #tpu.memory_space<vmem_shared>>)
        tpu.yield
      }) : () -> ()
      %mul3A_17 = arith.constant 3136 : i32
      %mul3A_18 = arith.muli %arg1, %mul3A_17 : i32
      %add3A_19 = arith.constant 2352 : i32
      %add3A_20 = arith.addi %mul3A_18, %add3A_19 : i32
      "tpu.region"() ({
        %run_scoped3A = tpu.sem_alloc : memref<!tpu.dma_semaphore, #tpu.memory_space<semaphore_mem>>
        %dma_start3A_94 = arith.constant 0 : i32
        %dma_start3A_95 = tpu.memref_slice %arg13[%add3A_20, %dma_start3A_94] : memref<50176x16xf32, #tpu.memory_space<vmem_shared>> -> memref<784x16xf32, #tpu.memory_space<vmem_shared>>
        tpu.enqueue_dma source(%arg5 : memref<784x16xf32, #tpu.memory_space<hbm>>) target(%dma_start3A_95 : memref<784x16xf32, #tpu.memory_space<vmem_shared>>) target_semaphore(%run_scoped3A : memref<!tpu.dma_semaphore, #tpu.memory_space<semaphore_mem>>)
        %dma_wait3A_96 = arith.constant 0 : i32
        %dma_wait3A_97 = tpu.memref_slice %arg13[%add3A_20, %dma_wait3A_96] : memref<50176x16xf32, #tpu.memory_space<vmem_shared>> -> memref<784x16xf32, #tpu.memory_space<vmem_shared>>
        tpu.wait_dma2 semaphore(%run_scoped3A : memref<!tpu.dma_semaphore, #tpu.memory_space<semaphore_mem>>) src(%arg5 : memref<784x16xf32, #tpu.memory_space<hbm>>) dst(%dma_wait3A_97 : memref<784x16xf32, #tpu.memory_space<vmem_shared>>)
        tpu.yield
      }) : () -> ()
      "tpu.region"() ({
        %run_scoped3A = tpu.sem_alloc : memref<!tpu.dma_semaphore, #tpu.memory_space<semaphore_mem>>
        tpu.enqueue_dma source(%arg4 : memref<128x16xf32, #tpu.memory_space<hbm>>) target(%arg10 : memref<128x16xf32, #tpu.memory_space<vmem>>) target_semaphore(%run_scoped3A : memref<!tpu.dma_semaphore, #tpu.memory_space<semaphore_mem>>)
        tpu.wait_dma2 semaphore(%run_scoped3A : memref<!tpu.dma_semaphore, #tpu.memory_space<semaphore_mem>>) src(%arg4 : memref<128x16xf32, #tpu.memory_space<hbm>>) dst(%arg10 : memref<128x16xf32, #tpu.memory_space<vmem>>)
        tpu.yield
      }) : () -> ()
      %barrier3A = arith.constant 0 : index
      tpu.barrier barrier_id(%barrier3A)
      %mul3A_21 = arith.constant 396 : i32
      %mul3A_22 = arith.muli %arg1, %mul3A_21 : i32
      %add3A_23 = arith.constant 0 : i32
      %add3A_24 = arith.addi %mul3A_22, %add3A_23 : i32
      "tpu.region"() ({
        %run_scoped3A = tpu.sem_alloc : memref<!tpu.dma_semaphore, #tpu.memory_space<semaphore_mem>>
        %dma_start3A_94 = arith.constant 0 : i32
        %dma_start3A_95 = tpu.memref_slice %arg3[%add3A_24, %dma_start3A_94] : memref<6336x128xi32, #tpu.memory_space<hbm>> -> memref<3x128xi32, #tpu.memory_space<hbm>>
        %dma_start3A_96 = arith.constant 0 : i32
        %dma_start3A_97 = tpu.memref_slice %arg3[%add3A_24, %dma_start3A_96] : memref<6336x128xi32, #tpu.memory_space<hbm>> -> memref<3x128xi32, #tpu.memory_space<hbm>>
        tpu.enqueue_dma source(%dma_start3A_97 : memref<3x128xi32, #tpu.memory_space<hbm>>) target(%arg8 : memref<3x128xi32, #tpu.memory_space<vmem>>) target_semaphore(%run_scoped3A : memref<!tpu.dma_semaphore, #tpu.memory_space<semaphore_mem>>)
        %dma_wait3A_98 = arith.constant 0 : i32
        %dma_wait3A_99 = tpu.memref_slice %arg3[%add3A_24, %dma_wait3A_98] : memref<6336x128xi32, #tpu.memory_space<hbm>> -> memref<3x128xi32, #tpu.memory_space<hbm>>
        %dma_wait3A_100 = arith.constant 0 : i32
        %dma_wait3A_101 = tpu.memref_slice %arg3[%add3A_24, %dma_wait3A_100] : memref<6336x128xi32, #tpu.memory_space<hbm>> -> memref<3x128xi32, #tpu.memory_space<hbm>>
        tpu.wait_dma2 semaphore(%run_scoped3A : memref<!tpu.dma_semaphore, #tpu.memory_space<semaphore_mem>>) src(%dma_wait3A_101 : memref<3x128xi32, #tpu.memory_space<hbm>>) dst(%arg8 : memref<3x128xi32, #tpu.memory_space<vmem>>)
        tpu.yield
      }) : () -> ()
      %dma_start3A = arith.constant 0 : i32
      %dma_start3A_25 = arith.constant 0 : i32
      %dma_start3A_26 = tpu.memref_slice %arg8[%dma_start3A, %dma_start3A_25] : memref<3x128xi32, #tpu.memory_space<vmem>> -> memref<1x128xi32, #tpu.memory_space<vmem>>
      %dma_start3A_27 = tpu.memref_squeeze %dma_start3A_26 : memref<1x128xi32, #tpu.memory_space<vmem>> -> memref<128xi32, #tpu.memory_space<vmem>>
      %dma_start3A_28 = arith.constant 0 : i32
      %dma_start3A_29 = arith.constant 0 : i32
      %dma_start3A_30 = tpu.memref_slice %arg13[%dma_start3A_28, %dma_start3A_29] : memref<50176x16xf32, #tpu.memory_space<vmem_shared>> -> memref<50176x16xf32, #tpu.memory_space<vmem_shared>>
      tpu.enqueue_indirect_dma source(%arg10 : memref<128x16xf32, #tpu.memory_space<vmem>>) target(%dma_start3A_30 : memref<50176x16xf32, #tpu.memory_space<vmem_shared>>) offsets(%dma_start3A_27 : memref<128xi32, #tpu.memory_space<vmem>>) semaphore(%arg11 : memref<!tpu.dma_semaphore, #tpu.memory_space<semaphore_mem>>) {add = true}
      %dma_start3A_31 = arith.constant 1 : i32
      %dma_start3A_32 = arith.constant 0 : i32
      %dma_start3A_33 = tpu.memref_slice %arg8[%dma_start3A_31, %dma_start3A_32] : memref<3x128xi32, #tpu.memory_space<vmem>> -> memref<1x128xi32, #tpu.memory_space<vmem>>
      %dma_start3A_34 = tpu.memref_squeeze %dma_start3A_33 : memref<1x128xi32, #tpu.memory_space<vmem>> -> memref<128xi32, #tpu.memory_space<vmem>>
      %dma_start3A_35 = arith.constant 0 : i32
      %dma_start3A_36 = arith.constant 0 : i32
      %dma_start3A_37 = tpu.memref_slice %arg13[%dma_start3A_35, %dma_start3A_36] : memref<50176x16xf32, #tpu.memory_space<vmem_shared>> -> memref<50176x16xf32, #tpu.memory_space<vmem_shared>>
      tpu.enqueue_indirect_dma source(%arg10 : memref<128x16xf32, #tpu.memory_space<vmem>>) target(%dma_start3A_37 : memref<50176x16xf32, #tpu.memory_space<vmem_shared>>) offsets(%dma_start3A_34 : memref<128xi32, #tpu.memory_space<vmem>>) semaphore(%arg11 : memref<!tpu.dma_semaphore, #tpu.memory_space<semaphore_mem>>) {add = true}
      %dma_start3A_38 = arith.constant 2 : i32
      %dma_start3A_39 = arith.constant 0 : i32
      %dma_start3A_40 = tpu.memref_slice %arg8[%dma_start3A_38, %dma_start3A_39] : memref<3x128xi32, #tpu.memory_space<vmem>> -> memref<1x128xi32, #tpu.memory_space<vmem>>
      %dma_start3A_41 = tpu.memref_squeeze %dma_start3A_40 : memref<1x128xi32, #tpu.memory_space<vmem>> -> memref<128xi32, #tpu.memory_space<vmem>>
      %dma_start3A_42 = arith.constant 0 : i32
      %dma_start3A_43 = arith.constant 0 : i32
      %dma_start3A_44 = tpu.memref_slice %arg13[%dma_start3A_42, %dma_start3A_43] : memref<50176x16xf32, #tpu.memory_space<vmem_shared>> -> memref<50176x16xf32, #tpu.memory_space<vmem_shared>>
      tpu.enqueue_indirect_dma source(%arg10 : memref<128x16xf32, #tpu.memory_space<vmem>>) target(%dma_start3A_44 : memref<50176x16xf32, #tpu.memory_space<vmem_shared>>) offsets(%dma_start3A_41 : memref<128xi32, #tpu.memory_space<vmem>>) semaphore(%arg11 : memref<!tpu.dma_semaphore, #tpu.memory_space<semaphore_mem>>) {add = true}
      %scan3A = arith.constant 0 : i32
      %scan3A_45 = arith.constant 0 : i32
      %scan3A_46 = arith.constant 66 : i32
      %scan3A_47 = arith.addi %scan3A_45, %scan3A_46 : i32
      %scan3A_48 = arith.constant 1 : i32
      scf.for %scan3A_94 = %scan3A_45 to %scan3A_47 step %scan3A_48  : i32 {
        %mul3A_95 = arith.constant 2 : i32
        %mul3A_96 = arith.muli %mul3A_95, %scan3A_94 : i32
        %gt3A = arith.constant 0 : i32
        %gt3A_97 = arith.cmpi sgt, %scan3A_94, %gt3A : i32
        %convert_element_type3A_98 = arith.extui %gt3A_97 : i1 to i32
        %cond3A_99 = arith.constant 0 : i32
        %cond3A_100 = arith.cmpi ne, %convert_element_type3A_98, %cond3A_99 : i32
        scf.if %cond3A_100 {
          %dma_wait3A_133 = arith.constant 0 : i32
          %dma_wait3A_134 = arith.constant 0 : i32
          %dma_wait3A_135 = tpu.memref_slice %arg9[%dma_wait3A_133, %dma_wait3A_134] : memref<3x128xi32, #tpu.memory_space<vmem>> -> memref<1x128xi32, #tpu.memory_space<vmem>>
          %dma_wait3A_136 = tpu.memref_squeeze %dma_wait3A_135 : memref<1x128xi32, #tpu.memory_space<vmem>> -> memref<128xi32, #tpu.memory_space<vmem>>
          %dma_wait3A_137 = arith.constant 0 : i32
          %dma_wait3A_138 = arith.constant 0 : i32
          %dma_wait3A_139 = tpu.memref_slice %arg13[%dma_wait3A_137, %dma_wait3A_138] : memref<50176x16xf32, #tpu.memory_space<vmem_shared>> -> memref<50176x16xf32, #tpu.memory_space<vmem_shared>>
          tpu.wait_indirect_dma semaphore(%arg12 : memref<!tpu.dma_semaphore, #tpu.memory_space<semaphore_mem>>) src(%arg10 : memref<128x16xf32, #tpu.memory_space<vmem>>) dst(%dma_wait3A_139 : memref<50176x16xf32, #tpu.memory_space<vmem_shared>>)
          %dma_wait3A_140 = arith.constant 1 : i32
          %dma_wait3A_141 = arith.constant 0 : i32
          %dma_wait3A_142 = tpu.memref_slice %arg9[%dma_wait3A_140, %dma_wait3A_141] : memref<3x128xi32, #tpu.memory_space<vmem>> -> memref<1x128xi32, #tpu.memory_space<vmem>>
          %dma_wait3A_143 = tpu.memref_squeeze %dma_wait3A_142 : memref<1x128xi32, #tpu.memory_space<vmem>> -> memref<128xi32, #tpu.memory_space<vmem>>
          %dma_wait3A_144 = arith.constant 0 : i32
          %dma_wait3A_145 = arith.constant 0 : i32
          %dma_wait3A_146 = tpu.memref_slice %arg13[%dma_wait3A_144, %dma_wait3A_145] : memref<50176x16xf32, #tpu.memory_space<vmem_shared>> -> memref<50176x16xf32, #tpu.memory_space<vmem_shared>>
          tpu.wait_indirect_dma semaphore(%arg12 : memref<!tpu.dma_semaphore, #tpu.memory_space<semaphore_mem>>) src(%arg10 : memref<128x16xf32, #tpu.memory_space<vmem>>) dst(%dma_wait3A_146 : memref<50176x16xf32, #tpu.memory_space<vmem_shared>>)
          %dma_wait3A_147 = arith.constant 2 : i32
          %dma_wait3A_148 = arith.constant 0 : i32
          %dma_wait3A_149 = tpu.memref_slice %arg9[%dma_wait3A_147, %dma_wait3A_148] : memref<3x128xi32, #tpu.memory_space<vmem>> -> memref<1x128xi32, #tpu.memory_space<vmem>>
          %dma_wait3A_150 = tpu.memref_squeeze %dma_wait3A_149 : memref<1x128xi32, #tpu.memory_space<vmem>> -> memref<128xi32, #tpu.memory_space<vmem>>
          %dma_wait3A_151 = arith.constant 0 : i32
          %dma_wait3A_152 = arith.constant 0 : i32
          %dma_wait3A_153 = tpu.memref_slice %arg13[%dma_wait3A_151, %dma_wait3A_152] : memref<50176x16xf32, #tpu.memory_space<vmem_shared>> -> memref<50176x16xf32, #tpu.memory_space<vmem_shared>>
          tpu.wait_indirect_dma semaphore(%arg12 : memref<!tpu.dma_semaphore, #tpu.memory_space<semaphore_mem>>) src(%arg10 : memref<128x16xf32, #tpu.memory_space<vmem>>) dst(%dma_wait3A_153 : memref<50176x16xf32, #tpu.memory_space<vmem_shared>>)
        } else {
        }
        %add3A_101 = arith.constant 1 : i32
        %add3A_102 = arith.addi %mul3A_96, %add3A_101 : i32
        %mul3A_103 = arith.constant 3 : i32
        %mul3A_104 = arith.muli %add3A_102, %mul3A_103 : i32
        %add3A_105 = arith.addi %mul3A_22, %mul3A_104 : i32
        "tpu.region"() ({
          %run_scoped3A = tpu.sem_alloc : memref<!tpu.dma_semaphore, #tpu.memory_space<semaphore_mem>>
          %dma_start3A_133 = arith.constant 0 : i32
          %dma_start3A_134 = tpu.memref_slice %arg3[%add3A_105, %dma_start3A_133] : memref<6336x128xi32, #tpu.memory_space<hbm>> -> memref<3x128xi32, #tpu.memory_space<hbm>>
          %dma_start3A_135 = arith.constant 0 : i32
          %dma_start3A_136 = tpu.memref_slice %arg3[%add3A_105, %dma_start3A_135] : memref<6336x128xi32, #tpu.memory_space<hbm>> -> memref<3x128xi32, #tpu.memory_space<hbm>>
          tpu.enqueue_dma source(%dma_start3A_136 : memref<3x128xi32, #tpu.memory_space<hbm>>) target(%arg9 : memref<3x128xi32, #tpu.memory_space<vmem>>) target_semaphore(%run_scoped3A : memref<!tpu.dma_semaphore, #tpu.memory_space<semaphore_mem>>)
          %dma_wait3A_137 = arith.constant 0 : i32
          %dma_wait3A_138 = tpu.memref_slice %arg3[%add3A_105, %dma_wait3A_137] : memref<6336x128xi32, #tpu.memory_space<hbm>> -> memref<3x128xi32, #tpu.memory_space<hbm>>
          %dma_wait3A_139 = arith.constant 0 : i32
          %dma_wait3A_140 = tpu.memref_slice %arg3[%add3A_105, %dma_wait3A_139] : memref<6336x128xi32, #tpu.memory_space<hbm>> -> memref<3x128xi32, #tpu.memory_space<hbm>>
          tpu.wait_dma2 semaphore(%run_scoped3A : memref<!tpu.dma_semaphore, #tpu.memory_space<semaphore_mem>>) src(%dma_wait3A_140 : memref<3x128xi32, #tpu.memory_space<hbm>>) dst(%arg9 : memref<3x128xi32, #tpu.memory_space<vmem>>)
          tpu.yield
        }) : () -> ()
        %dma_start3A_106 = arith.constant 0 : i32
        %dma_start3A_107 = arith.constant 0 : i32
        %dma_start3A_108 = tpu.memref_slice %arg9[%dma_start3A_106, %dma_start3A_107] : memref<3x128xi32, #tpu.memory_space<vmem>> -> memref<1x128xi32, #tpu.memory_space<vmem>>
        %dma_start3A_109 = tpu.memref_squeeze %dma_start3A_108 : memref<1x128xi32, #tpu.memory_space<vmem>> -> memref<128xi32, #tpu.memory_space<vmem>>
        %dma_start3A_110 = arith.constant 0 : i32
        %dma_start3A_111 = arith.constant 0 : i32
        %dma_start3A_112 = tpu.memref_slice %arg13[%dma_start3A_110, %dma_start3A_111] : memref<50176x16xf32, #tpu.memory_space<vmem_shared>> -> memref<50176x16xf32, #tpu.memory_space<vmem_shared>>
        tpu.enqueue_indirect_dma source(%arg10 : memref<128x16xf32, #tpu.memory_space<vmem>>) target(%dma_start3A_112 : memref<50176x16xf32, #tpu.memory_space<vmem_shared>>) offsets(%dma_start3A_109 : memref<128xi32, #tpu.memory_space<vmem>>) semaphore(%arg12 : memref<!tpu.dma_semaphore, #tpu.memory_space<semaphore_mem>>) {add = true}
        %dma_start3A_113 = arith.constant 1 : i32
        %dma_start3A_114 = arith.constant 0 : i32
        %dma_start3A_115 = tpu.memref_slice %arg9[%dma_start3A_113, %dma_start3A_114] : memref<3x128xi32, #tpu.memory_space<vmem>> -> memref<1x128xi32, #tpu.memory_space<vmem>>
        %dma_start3A_116 = tpu.memref_squeeze %dma_start3A_115 : memref<1x128xi32, #tpu.memory_space<vmem>> -> memref<128xi32, #tpu.memory_space<vmem>>
        %dma_start3A_117 = arith.constant 0 : i32
        %dma_start3A_118 = arith.constant 0 : i32
        %dma_start3A_119 = tpu.memref_slice %arg13[%dma_start3A_117, %dma_start3A_118] : memref<50176x16xf32, #tpu.memory_space<vmem_shared>> -> memref<50176x16xf32, #tpu.memory_space<vmem_shared>>
        tpu.enqueue_indirect_dma source(%arg10 : memref<128x16xf32, #tpu.memory_space<vmem>>) target(%dma_start3A_119 : memref<50176x16xf32, #tpu.memory_space<vmem_shared>>) offsets(%dma_start3A_116 : memref<128xi32, #tpu.memory_space<vmem>>) semaphore(%arg12 : memref<!tpu.dma_semaphore, #tpu.memory_space<semaphore_mem>>) {add = true}
        %dma_start3A_120 = arith.constant 2 : i32
        %dma_start3A_121 = arith.constant 0 : i32
        %dma_start3A_122 = tpu.memref_slice %arg9[%dma_start3A_120, %dma_start3A_121] : memref<3x128xi32, #tpu.memory_space<vmem>> -> memref<1x128xi32, #tpu.memory_space<vmem>>
        %dma_start3A_123 = tpu.memref_squeeze %dma_start3A_122 : memref<1x128xi32, #tpu.memory_space<vmem>> -> memref<128xi32, #tpu.memory_space<vmem>>
        %dma_start3A_124 = arith.constant 0 : i32
        %dma_start3A_125 = arith.constant 0 : i32
        %dma_start3A_126 = tpu.memref_slice %arg13[%dma_start3A_124, %dma_start3A_125] : memref<50176x16xf32, #tpu.memory_space<vmem_shared>> -> memref<50176x16xf32, #tpu.memory_space<vmem_shared>>
        tpu.enqueue_indirect_dma source(%arg10 : memref<128x16xf32, #tpu.memory_space<vmem>>) target(%dma_start3A_126 : memref<50176x16xf32, #tpu.memory_space<vmem_shared>>) offsets(%dma_start3A_123 : memref<128xi32, #tpu.memory_space<vmem>>) semaphore(%arg12 : memref<!tpu.dma_semaphore, #tpu.memory_space<semaphore_mem>>) {add = true}
        %add3A_127 = arith.constant 1 : i32
        %add3A_128 = arith.addi %scan3A_94, %add3A_127 : i32
        %lt3A = arith.constant 66 : i32
        %lt3A_129 = arith.cmpi slt, %add3A_128, %lt3A : i32
        %convert_element_type3A_130 = arith.extui %lt3A_129 : i1 to i32
        %cond3A_131 = arith.constant 0 : i32
        %cond3A_132 = arith.cmpi ne, %convert_element_type3A_130, %cond3A_131 : i32
        scf.if %cond3A_132 {
          %dma_wait3A_133 = arith.constant 0 : i32
          %dma_wait3A_134 = arith.constant 0 : i32
          %dma_wait3A_135 = tpu.memref_slice %arg8[%dma_wait3A_133, %dma_wait3A_134] : memref<3x128xi32, #tpu.memory_space<vmem>> -> memref<1x128xi32, #tpu.memory_space<vmem>>
          %dma_wait3A_136 = tpu.memref_squeeze %dma_wait3A_135 : memref<1x128xi32, #tpu.memory_space<vmem>> -> memref<128xi32, #tpu.memory_space<vmem>>
          %dma_wait3A_137 = arith.constant 0 : i32
          %dma_wait3A_138 = arith.constant 0 : i32
          %dma_wait3A_139 = tpu.memref_slice %arg13[%dma_wait3A_137, %dma_wait3A_138] : memref<50176x16xf32, #tpu.memory_space<vmem_shared>> -> memref<50176x16xf32, #tpu.memory_space<vmem_shared>>
          tpu.wait_indirect_dma semaphore(%arg11 : memref<!tpu.dma_semaphore, #tpu.memory_space<semaphore_mem>>) src(%arg10 : memref<128x16xf32, #tpu.memory_space<vmem>>) dst(%dma_wait3A_139 : memref<50176x16xf32, #tpu.memory_space<vmem_shared>>)
          %dma_wait3A_140 = arith.constant 1 : i32
          %dma_wait3A_141 = arith.constant 0 : i32
          %dma_wait3A_142 = tpu.memref_slice %arg8[%dma_wait3A_140, %dma_wait3A_141] : memref<3x128xi32, #tpu.memory_space<vmem>> -> memref<1x128xi32, #tpu.memory_space<vmem>>
          %dma_wait3A_143 = tpu.memref_squeeze %dma_wait3A_142 : memref<1x128xi32, #tpu.memory_space<vmem>> -> memref<128xi32, #tpu.memory_space<vmem>>
          %dma_wait3A_144 = arith.constant 0 : i32
          %dma_wait3A_145 = arith.constant 0 : i32
          %dma_wait3A_146 = tpu.memref_slice %arg13[%dma_wait3A_144, %dma_wait3A_145] : memref<50176x16xf32, #tpu.memory_space<vmem_shared>> -> memref<50176x16xf32, #tpu.memory_space<vmem_shared>>
          tpu.wait_indirect_dma semaphore(%arg11 : memref<!tpu.dma_semaphore, #tpu.memory_space<semaphore_mem>>) src(%arg10 : memref<128x16xf32, #tpu.memory_space<vmem>>) dst(%dma_wait3A_146 : memref<50176x16xf32, #tpu.memory_space<vmem_shared>>)
          %dma_wait3A_147 = arith.constant 2 : i32
          %dma_wait3A_148 = arith.constant 0 : i32
          %dma_wait3A_149 = tpu.memref_slice %arg8[%dma_wait3A_147, %dma_wait3A_148] : memref<3x128xi32, #tpu.memory_space<vmem>> -> memref<1x128xi32, #tpu.memory_space<vmem>>
          %dma_wait3A_150 = tpu.memref_squeeze %dma_wait3A_149 : memref<1x128xi32, #tpu.memory_space<vmem>> -> memref<128xi32, #tpu.memory_space<vmem>>
          %dma_wait3A_151 = arith.constant 0 : i32
          %dma_wait3A_152 = arith.constant 0 : i32
          %dma_wait3A_153 = tpu.memref_slice %arg13[%dma_wait3A_151, %dma_wait3A_152] : memref<50176x16xf32, #tpu.memory_space<vmem_shared>> -> memref<50176x16xf32, #tpu.memory_space<vmem_shared>>
          tpu.wait_indirect_dma semaphore(%arg11 : memref<!tpu.dma_semaphore, #tpu.memory_space<semaphore_mem>>) src(%arg10 : memref<128x16xf32, #tpu.memory_space<vmem>>) dst(%dma_wait3A_153 : memref<50176x16xf32, #tpu.memory_space<vmem_shared>>)
          %add3A_154 = arith.constant 2 : i32
          %add3A_155 = arith.addi %mul3A_96, %add3A_154 : i32
          %mul3A_156 = arith.constant 3 : i32
          %mul3A_157 = arith.muli %add3A_155, %mul3A_156 : i32
          %add3A_158 = arith.addi %mul3A_22, %mul3A_157 : i32
          "tpu.region"() ({
            %run_scoped3A = tpu.sem_alloc : memref<!tpu.dma_semaphore, #tpu.memory_space<semaphore_mem>>
            %dma_start3A_180 = arith.constant 0 : i32
            %dma_start3A_181 = tpu.memref_slice %arg3[%add3A_158, %dma_start3A_180] : memref<6336x128xi32, #tpu.memory_space<hbm>> -> memref<3x128xi32, #tpu.memory_space<hbm>>
            %dma_start3A_182 = arith.constant 0 : i32
            %dma_start3A_183 = tpu.memref_slice %arg3[%add3A_158, %dma_start3A_182] : memref<6336x128xi32, #tpu.memory_space<hbm>> -> memref<3x128xi32, #tpu.memory_space<hbm>>
            tpu.enqueue_dma source(%dma_start3A_183 : memref<3x128xi32, #tpu.memory_space<hbm>>) target(%arg8 : memref<3x128xi32, #tpu.memory_space<vmem>>) target_semaphore(%run_scoped3A : memref<!tpu.dma_semaphore, #tpu.memory_space<semaphore_mem>>)
            %dma_wait3A_184 = arith.constant 0 : i32
            %dma_wait3A_185 = tpu.memref_slice %arg3[%add3A_158, %dma_wait3A_184] : memref<6336x128xi32, #tpu.memory_space<hbm>> -> memref<3x128xi32, #tpu.memory_space<hbm>>
            %dma_wait3A_186 = arith.constant 0 : i32
            %dma_wait3A_187 = tpu.memref_slice %arg3[%add3A_158, %dma_wait3A_186] : memref<6336x128xi32, #tpu.memory_space<hbm>> -> memref<3x128xi32, #tpu.memory_space<hbm>>
            tpu.wait_dma2 semaphore(%run_scoped3A : memref<!tpu.dma_semaphore, #tpu.memory_space<semaphore_mem>>) src(%dma_wait3A_187 : memref<3x128xi32, #tpu.memory_space<hbm>>) dst(%arg8 : memref<3x128xi32, #tpu.memory_space<vmem>>)
            tpu.yield
          }) : () -> ()
          %dma_start3A_159 = arith.constant 0 : i32
          %dma_start3A_160 = arith.constant 0 : i32
          %dma_start3A_161 = tpu.memref_slice %arg8[%dma_start3A_159, %dma_start3A_160] : memref<3x128xi32, #tpu.memory_space<vmem>> -> memref<1x128xi32, #tpu.memory_space<vmem>>
          %dma_start3A_162 = tpu.memref_squeeze %dma_start3A_161 : memref<1x128xi32, #tpu.memory_space<vmem>> -> memref<128xi32, #tpu.memory_space<vmem>>
          %dma_start3A_163 = arith.constant 0 : i32
          %dma_start3A_164 = arith.constant 0 : i32
          %dma_start3A_165 = tpu.memref_slice %arg13[%dma_start3A_163, %dma_start3A_164] : memref<50176x16xf32, #tpu.memory_space<vmem_shared>> -> memref<50176x16xf32, #tpu.memory_space<vmem_shared>>
          tpu.enqueue_indirect_dma source(%arg10 : memref<128x16xf32, #tpu.memory_space<vmem>>) target(%dma_start3A_165 : memref<50176x16xf32, #tpu.memory_space<vmem_shared>>) offsets(%dma_start3A_162 : memref<128xi32, #tpu.memory_space<vmem>>) semaphore(%arg11 : memref<!tpu.dma_semaphore, #tpu.memory_space<semaphore_mem>>) {add = true}
          %dma_start3A_166 = arith.constant 1 : i32
          %dma_start3A_167 = arith.constant 0 : i32
          %dma_start3A_168 = tpu.memref_slice %arg8[%dma_start3A_166, %dma_start3A_167] : memref<3x128xi32, #tpu.memory_space<vmem>> -> memref<1x128xi32, #tpu.memory_space<vmem>>
          %dma_start3A_169 = tpu.memref_squeeze %dma_start3A_168 : memref<1x128xi32, #tpu.memory_space<vmem>> -> memref<128xi32, #tpu.memory_space<vmem>>
          %dma_start3A_170 = arith.constant 0 : i32
          %dma_start3A_171 = arith.constant 0 : i32
          %dma_start3A_172 = tpu.memref_slice %arg13[%dma_start3A_170, %dma_start3A_171] : memref<50176x16xf32, #tpu.memory_space<vmem_shared>> -> memref<50176x16xf32, #tpu.memory_space<vmem_shared>>
          tpu.enqueue_indirect_dma source(%arg10 : memref<128x16xf32, #tpu.memory_space<vmem>>) target(%dma_start3A_172 : memref<50176x16xf32, #tpu.memory_space<vmem_shared>>) offsets(%dma_start3A_169 : memref<128xi32, #tpu.memory_space<vmem>>) semaphore(%arg11 : memref<!tpu.dma_semaphore, #tpu.memory_space<semaphore_mem>>) {add = true}
          %dma_start3A_173 = arith.constant 2 : i32
          %dma_start3A_174 = arith.constant 0 : i32
          %dma_start3A_175 = tpu.memref_slice %arg8[%dma_start3A_173, %dma_start3A_174] : memref<3x128xi32, #tpu.memory_space<vmem>> -> memref<1x128xi32, #tpu.memory_space<vmem>>
          %dma_start3A_176 = tpu.memref_squeeze %dma_start3A_175 : memref<1x128xi32, #tpu.memory_space<vmem>> -> memref<128xi32, #tpu.memory_space<vmem>>
          %dma_start3A_177 = arith.constant 0 : i32
          %dma_start3A_178 = arith.constant 0 : i32
          %dma_start3A_179 = tpu.memref_slice %arg13[%dma_start3A_177, %dma_start3A_178] : memref<50176x16xf32, #tpu.memory_space<vmem_shared>> -> memref<50176x16xf32, #tpu.memory_space<vmem_shared>>
          tpu.enqueue_indirect_dma source(%arg10 : memref<128x16xf32, #tpu.memory_space<vmem>>) target(%dma_start3A_179 : memref<50176x16xf32, #tpu.memory_space<vmem_shared>>) offsets(%dma_start3A_176 : memref<128xi32, #tpu.memory_space<vmem>>) semaphore(%arg11 : memref<!tpu.dma_semaphore, #tpu.memory_space<semaphore_mem>>) {add = true}
        } else {
        }
      }
      %scan3A_49 = arith.constant 66 : i32
      %dma_wait3A = arith.constant 0 : i32
      %dma_wait3A_50 = arith.constant 0 : i32
      %dma_wait3A_51 = tpu.memref_slice %arg8[%dma_wait3A, %dma_wait3A_50] : memref<3x128xi32, #tpu.memory_space<vmem>> -> memref<1x128xi32, #tpu.memory_space<vmem>>
      %dma_wait3A_52 = tpu.memref_squeeze %dma_wait3A_51 : memref<1x128xi32, #tpu.memory_space<vmem>> -> memref<128xi32, #tpu.memory_space<vmem>>
      %dma_wait3A_53 = arith.constant 0 : i32
      %dma_wait3A_54 = arith.constant 0 : i32
      %dma_wait3A_55 = tpu.memref_slice %arg13[%dma_wait3A_53, %dma_wait3A_54] : memref<50176x16xf32, #tpu.memory_space<vmem_shared>> -> memref<50176x16xf32, #tpu.memory_space<vmem_shared>>
      tpu.wait_indirect_dma semaphore(%arg11 : memref<!tpu.dma_semaphore, #tpu.memory_space<semaphore_mem>>) src(%arg10 : memref<128x16xf32, #tpu.memory_space<vmem>>) dst(%dma_wait3A_55 : memref<50176x16xf32, #tpu.memory_space<vmem_shared>>)
      %dma_wait3A_56 = arith.constant 1 : i32
      %dma_wait3A_57 = arith.constant 0 : i32
      %dma_wait3A_58 = tpu.memref_slice %arg8[%dma_wait3A_56, %dma_wait3A_57] : memref<3x128xi32, #tpu.memory_space<vmem>> -> memref<1x128xi32, #tpu.memory_space<vmem>>
      %dma_wait3A_59 = tpu.memref_squeeze %dma_wait3A_58 : memref<1x128xi32, #tpu.memory_space<vmem>> -> memref<128xi32, #tpu.memory_space<vmem>>
      %dma_wait3A_60 = arith.constant 0 : i32
      %dma_wait3A_61 = arith.constant 0 : i32
      %dma_wait3A_62 = tpu.memref_slice %arg13[%dma_wait3A_60, %dma_wait3A_61] : memref<50176x16xf32, #tpu.memory_space<vmem_shared>> -> memref<50176x16xf32, #tpu.memory_space<vmem_shared>>
      tpu.wait_indirect_dma semaphore(%arg11 : memref<!tpu.dma_semaphore, #tpu.memory_space<semaphore_mem>>) src(%arg10 : memref<128x16xf32, #tpu.memory_space<vmem>>) dst(%dma_wait3A_62 : memref<50176x16xf32, #tpu.memory_space<vmem_shared>>)
      %dma_wait3A_63 = arith.constant 2 : i32
      %dma_wait3A_64 = arith.constant 0 : i32
      %dma_wait3A_65 = tpu.memref_slice %arg8[%dma_wait3A_63, %dma_wait3A_64] : memref<3x128xi32, #tpu.memory_space<vmem>> -> memref<1x128xi32, #tpu.memory_space<vmem>>
      %dma_wait3A_66 = tpu.memref_squeeze %dma_wait3A_65 : memref<1x128xi32, #tpu.memory_space<vmem>> -> memref<128xi32, #tpu.memory_space<vmem>>
      %dma_wait3A_67 = arith.constant 0 : i32
      %dma_wait3A_68 = arith.constant 0 : i32
      %dma_wait3A_69 = tpu.memref_slice %arg13[%dma_wait3A_67, %dma_wait3A_68] : memref<50176x16xf32, #tpu.memory_space<vmem_shared>> -> memref<50176x16xf32, #tpu.memory_space<vmem_shared>>
      tpu.wait_indirect_dma semaphore(%arg11 : memref<!tpu.dma_semaphore, #tpu.memory_space<semaphore_mem>>) src(%arg10 : memref<128x16xf32, #tpu.memory_space<vmem>>) dst(%dma_wait3A_69 : memref<50176x16xf32, #tpu.memory_space<vmem_shared>>)
      %dma_wait3A_70 = arith.constant 0 : i32
      %dma_wait3A_71 = arith.constant 0 : i32
      %dma_wait3A_72 = tpu.memref_slice %arg9[%dma_wait3A_70, %dma_wait3A_71] : memref<3x128xi32, #tpu.memory_space<vmem>> -> memref<1x128xi32, #tpu.memory_space<vmem>>
      %dma_wait3A_73 = tpu.memref_squeeze %dma_wait3A_72 : memref<1x128xi32, #tpu.memory_space<vmem>> -> memref<128xi32, #tpu.memory_space<vmem>>
      %dma_wait3A_74 = arith.constant 0 : i32
      %dma_wait3A_75 = arith.constant 0 : i32
      %dma_wait3A_76 = tpu.memref_slice %arg13[%dma_wait3A_74, %dma_wait3A_75] : memref<50176x16xf32, #tpu.memory_space<vmem_shared>> -> memref<50176x16xf32, #tpu.memory_space<vmem_shared>>
      tpu.wait_indirect_dma semaphore(%arg12 : memref<!tpu.dma_semaphore, #tpu.memory_space<semaphore_mem>>) src(%arg10 : memref<128x16xf32, #tpu.memory_space<vmem>>) dst(%dma_wait3A_76 : memref<50176x16xf32, #tpu.memory_space<vmem_shared>>)
      %dma_wait3A_77 = arith.constant 1 : i32
      %dma_wait3A_78 = arith.constant 0 : i32
      %dma_wait3A_79 = tpu.memref_slice %arg9[%dma_wait3A_77, %dma_wait3A_78] : memref<3x128xi32, #tpu.memory_space<vmem>> -> memref<1x128xi32, #tpu.memory_space<vmem>>
      %dma_wait3A_80 = tpu.memref_squeeze %dma_wait3A_79 : memref<1x128xi32, #tpu.memory_space<vmem>> -> memref<128xi32, #tpu.memory_space<vmem>>
      %dma_wait3A_81 = arith.constant 0 : i32
      %dma_wait3A_82 = arith.constant 0 : i32
      %dma_wait3A_83 = tpu.memref_slice %arg13[%dma_wait3A_81, %dma_wait3A_82] : memref<50176x16xf32, #tpu.memory_space<vmem_shared>> -> memref<50176x16xf32, #tpu.memory_space<vmem_shared>>
      tpu.wait_indirect_dma semaphore(%arg12 : memref<!tpu.dma_semaphore, #tpu.memory_space<semaphore_mem>>) src(%arg10 : memref<128x16xf32, #tpu.memory_space<vmem>>) dst(%dma_wait3A_83 : memref<50176x16xf32, #tpu.memory_space<vmem_shared>>)
      %dma_wait3A_84 = arith.constant 2 : i32
      %dma_wait3A_85 = arith.constant 0 : i32
      %dma_wait3A_86 = tpu.memref_slice %arg9[%dma_wait3A_84, %dma_wait3A_85] : memref<3x128xi32, #tpu.memory_space<vmem>> -> memref<1x128xi32, #tpu.memory_space<vmem>>
      %dma_wait3A_87 = tpu.memref_squeeze %dma_wait3A_86 : memref<1x128xi32, #tpu.memory_space<vmem>> -> memref<128xi32, #tpu.memory_space<vmem>>
      %dma_wait3A_88 = arith.constant 0 : i32
      %dma_wait3A_89 = arith.constant 0 : i32
      %dma_wait3A_90 = tpu.memref_slice %arg13[%dma_wait3A_88, %dma_wait3A_89] : memref<50176x16xf32, #tpu.memory_space<vmem_shared>> -> memref<50176x16xf32, #tpu.memory_space<vmem_shared>>
      tpu.wait_indirect_dma semaphore(%arg12 : memref<!tpu.dma_semaphore, #tpu.memory_space<semaphore_mem>>) src(%arg10 : memref<128x16xf32, #tpu.memory_space<vmem>>) dst(%dma_wait3A_90 : memref<50176x16xf32, #tpu.memory_space<vmem_shared>>)
      %barrier3A_91 = arith.constant 0 : index
      tpu.barrier barrier_id(%barrier3A_91)
      %mul3A_92 = arith.constant 3136 : i32
      %mul3A_93 = arith.muli %arg1, %mul3A_92 : i32
      "tpu.region"() ({
        %run_scoped3A = tpu.sem_alloc : memref<!tpu.dma_semaphore, #tpu.memory_space<semaphore_mem>>
        %dma_start3A_94 = arith.constant 0 : i32
        %dma_start3A_95 = tpu.memref_slice %arg7[%mul3A_93, %dma_start3A_94] : memref<50176x16xf32, #tpu.memory_space<hbm>> -> memref<3136x16xf32, #tpu.memory_space<hbm>>
        %dma_start3A_96 = arith.constant 0 : i32
        %dma_start3A_97 = tpu.memref_slice %arg13[%mul3A_93, %dma_start3A_96] : memref<50176x16xf32, #tpu.memory_space<vmem_shared>> -> memref<3136x16xf32, #tpu.memory_space<vmem_shared>>
        tpu.enqueue_dma source(%dma_start3A_97 : memref<3136x16xf32, #tpu.memory_space<vmem_shared>>) target(%dma_start3A_95 : memref<3136x16xf32, #tpu.memory_space<hbm>>) target_semaphore(%run_scoped3A : memref<!tpu.dma_semaphore, #tpu.memory_space<semaphore_mem>>)
        %dma_wait3A_98 = arith.constant 0 : i32
        %dma_wait3A_99 = tpu.memref_slice %arg7[%mul3A_93, %dma_wait3A_98] : memref<50176x16xf32, #tpu.memory_space<hbm>> -> memref<3136x16xf32, #tpu.memory_space<hbm>>
        %dma_wait3A_100 = arith.constant 0 : i32
        %dma_wait3A_101 = tpu.memref_slice %arg13[%mul3A_93, %dma_wait3A_100] : memref<50176x16xf32, #tpu.memory_space<vmem_shared>> -> memref<3136x16xf32, #tpu.memory_space<vmem_shared>>
        tpu.wait_dma2 semaphore(%run_scoped3A : memref<!tpu.dma_semaphore, #tpu.memory_space<semaphore_mem>>) src(%dma_wait3A_101 : memref<3136x16xf32, #tpu.memory_space<vmem_shared>>) dst(%dma_wait3A_99 : memref<3136x16xf32, #tpu.memory_space<hbm>>)
        tpu.yield
      }) : () -> ()
    } else {
    }
    return
  }
}

module attributes {stable_mosaic.version = 14 : i64} {
  func.func @_down_body(%arg0: i32, %arg1: memref<2000x128xf32, #tpu.memory_space<vmem>>, %arg2: memref<128x64xf32, #tpu.memory_space<vmem>>, %arg3: memref<1x64xf32, #tpu.memory_space<vmem>>, %arg4: memref<2000x16xf32, #tpu.memory_space<vmem>>, %arg5: memref<2000x32xf32, #tpu.memory_space<vmem>>, %arg6: memref<2000x32xf32, #tpu.memory_space<vmem>>) attributes {dimension_semantics = [#tpu.dimension_semantics<arbitrary>], iteration_bounds = array<i64: 25>, scalar_prefetch = 0 : i64, scratch_operands = 0 : i64, tpu.core_type = #tpu.core_type<tc>, window_params = [{transform_indices = @transform_0, window_bounds = array<i64: 2000, 128>}, {pipeline_mode = #tpu.pipeline_mode<synchronous>, transform_indices = @transform_1, window_bounds = array<i64: 128, 64>}, {pipeline_mode = #tpu.pipeline_mode<synchronous>, transform_indices = @transform_2, window_bounds = array<i64: 1, 64>}, {transform_indices = @transform_3, window_bounds = array<i64: 2000, 16>}, {transform_indices = @transform_4, window_bounds = array<i64: 2000, 32>}, {transform_indices = @transform_5, window_bounds = array<i64: 2000, 32>}]} {
    %get3A = arith.constant 0 : index
    %get3A_0 = arith.constant 0 : index
    %get3A_1 = vector.load %arg1[%get3A, %get3A_0] : memref<2000x128xf32, #tpu.memory_space<vmem>>, vector<2000x128xf32>
    %get3A_2 = arith.constant 0 : index
    %get3A_3 = arith.constant 0 : index
    %get3A_4 = vector.load %arg2[%get3A_2, %get3A_3] : memref<128x64xf32, #tpu.memory_space<vmem>>, vector<128x64xf32>
    %dot_general3A = arith.constant dense<0.000000e+00> : vector<2000x64xf32>
    %dot_general3A_5 = tpu.matmul %get3A_1, %get3A_4, %dot_general3A {dimension_numbers = #tpu.dot_dimension_numbers<[1], [0], [0], [1], [0, 0, 1, 1], [], []>, transpose_lhs_hint = false} : vector<2000x128xf32>, vector<128x64xf32>, vector<2000x64xf32> -> vector<2000x64xf32>
    %get3A_6 = arith.constant 0 : index
    %get3A_7 = arith.constant 0 : index
    %get3A_8 = vector.load %arg3[%get3A_6, %get3A_7] : memref<1x64xf32, #tpu.memory_space<vmem>>, vector<1x64xf32>
    %add3A = vector.broadcast %get3A_8 : vector<1x64xf32> to vector<2000x64xf32>
    %add3A_9 = arith.addf %dot_general3A_5, %add3A : vector<2000x64xf32>
    %get3A_10 = arith.constant 0 : index
    %get3A_11 = arith.constant 0 : index
    %get3A_12 = vector.load %arg4[%get3A_10, %get3A_11] : memref<2000x16xf32, #tpu.memory_space<vmem>>, vector<2000x1xf32>
    %max3A = arith.constant 1.000000e+00 : f32
    %max3A_13 = vector.broadcast %max3A : f32 to vector<2000x1xf32>
    %max3A_14 = arith.maximumf %get3A_12, %max3A_13 : vector<2000x1xf32>
    %rsqrt3A = math.rsqrt %max3A_14 : vector<2000x1xf32>
    %mul3A = vector.broadcast %rsqrt3A : vector<2000x1xf32> to vector<2000x64xf32>
    %mul3A_15 = arith.mulf %add3A_9, %mul3A : vector<2000x64xf32>
    %slice3A = vector.extract_strided_slice %mul3A_15 {offsets = [0, 0], sizes = [2000, 32], strides = [1, 1]} : vector<2000x64xf32> to vector<2000x32xf32>
    %swap3A = arith.constant 0 : index
    %swap3A_16 = arith.constant 0 : index
    %swap3A_17 = vector.load %arg5[%swap3A, %swap3A_16] : memref<2000x32xf32, #tpu.memory_space<vmem>>, vector<2000x32xf32>
    tpu.vector_store %arg5[%swap3A, %swap3A_16], %slice3A {strides = array<i32>} : memref<2000x32xf32, #tpu.memory_space<vmem>>, vector<2000x32xf32>,
    %slice3A_18 = vector.extract_strided_slice %mul3A_15 {offsets = [0, 32], sizes = [2000, 32], strides = [1, 1]} : vector<2000x64xf32> to vector<2000x32xf32>
    %swap3A_19 = arith.constant 0 : index
    %swap3A_20 = arith.constant 0 : index
    %swap3A_21 = vector.load %arg6[%swap3A_19, %swap3A_20] : memref<2000x32xf32, #tpu.memory_space<vmem>>, vector<2000x32xf32>
    tpu.vector_store %arg6[%swap3A_19, %swap3A_20], %slice3A_18 {strides = array<i32>} : memref<2000x32xf32, #tpu.memory_space<vmem>>, vector<2000x32xf32>,
    return
  }
  func.func @transform_0(%arg0: i32) -> (i32, i32) {
    %c0_i32 = arith.constant 0 : i32
    %c0_i32_0 = arith.constant 0 : i32
    return %arg0, %c0_i32 : i32, i32
  }
  func.func @transform_1(%arg0: i32) -> (i32, i32) {
    %c0_i32 = arith.constant 0 : i32
    %c0_i32_0 = arith.constant 0 : i32
    %c0_i32_1 = arith.constant 0 : i32
    return %c0_i32, %c0_i32_0 : i32, i32
  }
  func.func @transform_2(%arg0: i32) -> (i32, i32) {
    %c0_i32 = arith.constant 0 : i32
    %c0_i32_0 = arith.constant 0 : i32
    %c0_i32_1 = arith.constant 0 : i32
    return %c0_i32, %c0_i32_0 : i32, i32
  }
  func.func @transform_3(%arg0: i32) -> (i32, i32) {
    %c0_i32 = arith.constant 0 : i32
    %c0_i32_0 = arith.constant 0 : i32
    return %arg0, %c0_i32 : i32, i32
  }
  func.func @transform_4(%arg0: i32) -> (i32, i32) {
    %c0_i32 = arith.constant 0 : i32
    %c0_i32_0 = arith.constant 0 : i32
    return %arg0, %c0_i32 : i32, i32
  }
  func.func @transform_5(%arg0: i32) -> (i32, i32) {
    %c0_i32 = arith.constant 0 : i32
    %c0_i32_0 = arith.constant 0 : i32
    return %arg0, %c0_i32 : i32, i32
  }
}

module attributes {stable_mosaic.version = 14 : i64} {
  func.func @_fuse_body(%arg0: memref<64x64xf32, #tpu.memory_space<vmem>>, %arg1: memref<1x64xf32, #tpu.memory_space<vmem>>, %arg2: memref<64x768xf32, #tpu.memory_space<vmem>>, %arg3: memref<1x768xf32, #tpu.memory_space<vmem>>, %arg4: memref<64x768xf32, #tpu.memory_space<vmem>>, %arg5: memref<1x768xf32, #tpu.memory_space<vmem>>) attributes {dimension_semantics = [], scalar_prefetch = 0 : i64, scratch_operands = 0 : i64, tpu.core_type = #tpu.core_type<tc>} {
    %get3A = arith.constant 0 : index
    %get3A_0 = arith.constant 0 : index
    %get3A_1 = vector.load %arg0[%get3A, %get3A_0] : memref<64x64xf32, #tpu.memory_space<vmem>>, vector<64x64xf32>
    %get3A_2 = arith.constant 0 : index
    %get3A_3 = arith.constant 0 : index
    %get3A_4 = vector.load %arg2[%get3A_2, %get3A_3] : memref<64x768xf32, #tpu.memory_space<vmem>>, vector<64x768xf32>
    %dot_general3A = arith.constant dense<0.000000e+00> : vector<64x768xf32>
    %dot_general3A_5 = tpu.matmul %get3A_1, %get3A_4, %dot_general3A {dimension_numbers = #tpu.dot_dimension_numbers<[1], [0], [0], [1], [0, 0, 1, 1], [], []>, precision = #tpu.contract_precision<fp32>, transpose_lhs_hint = false} : vector<64x64xf32>, vector<64x768xf32>, vector<64x768xf32> -> vector<64x768xf32>
    %swap3A = arith.constant 0 : index
    %swap3A_6 = arith.constant 0 : index
    %swap3A_7 = vector.load %arg4[%swap3A, %swap3A_6] : memref<64x768xf32, #tpu.memory_space<vmem>>, vector<64x768xf32>
    tpu.vector_store %arg4[%swap3A, %swap3A_6], %dot_general3A_5 {strides = array<i32>} : memref<64x768xf32, #tpu.memory_space<vmem>>, vector<64x768xf32>,
    %get3A_8 = arith.constant 0 : index
    %get3A_9 = arith.constant 0 : index
    %get3A_10 = vector.load %arg1[%get3A_8, %get3A_9] : memref<1x64xf32, #tpu.memory_space<vmem>>, vector<1x64xf32>
    %get3A_11 = arith.constant 0 : index
    %get3A_12 = arith.constant 0 : index
    %get3A_13 = vector.load %arg2[%get3A_11, %get3A_12] : memref<64x768xf32, #tpu.memory_space<vmem>>, vector<64x768xf32>
    %dot_general3A_14 = arith.constant dense<0.000000e+00> : vector<1x768xf32>
    %dot_general3A_15 = tpu.matmul %get3A_10, %get3A_13, %dot_general3A_14 {dimension_numbers = #tpu.dot_dimension_numbers<[1], [0], [0], [1], [0, 0, 1, 1], [], []>, precision = #tpu.contract_precision<fp32>, transpose_lhs_hint = false} : vector<1x64xf32>, vector<64x768xf32>, vector<1x768xf32> -> vector<1x768xf32>
    %get3A_16 = arith.constant 0 : index
    %get3A_17 = arith.constant 0 : index
    %get3A_18 = vector.load %arg3[%get3A_16, %get3A_17] : memref<1x768xf32, #tpu.memory_space<vmem>>, vector<1x768xf32>
    %add3A = arith.addf %dot_general3A_15, %get3A_18 : vector<1x768xf32>
    %swap3A_19 = arith.constant 0 : index
    %swap3A_20 = arith.constant 0 : index
    %swap3A_21 = vector.load %arg5[%swap3A_19, %swap3A_20] : memref<1x768xf32, #tpu.memory_space<vmem>>, vector<1x768xf32>
    tpu.vector_store %arg5[%swap3A_19, %swap3A_20], %add3A {strides = array<i32>} : memref<1x768xf32, #tpu.memory_space<vmem>>, vector<1x768xf32>,
    return
  }
}

module attributes {stable_mosaic.version = 14 : i64} {
  func.func @_up_body(%arg0: i32, %arg1: memref<2000x32xf32, #tpu.memory_space<vmem>>, %arg2: memref<2000x32xf32, #tpu.memory_space<vmem>>, %arg3: memref<2000x16xf32, #tpu.memory_space<vmem>>, %arg4: memref<64x768xf32, #tpu.memory_space<vmem>>, %arg5: memref<1x768xf32, #tpu.memory_space<vmem>>, %arg6: memref<2000x768xf32, #tpu.memory_space<vmem>>) attributes {dimension_semantics = [#tpu.dimension_semantics<arbitrary>], iteration_bounds = array<i64: 25>, scalar_prefetch = 0 : i64, scratch_operands = 0 : i64, tpu.core_type = #tpu.core_type<tc>, window_params = [{transform_indices = @transform_0, window_bounds = array<i64: 2000, 32>}, {transform_indices = @transform_1, window_bounds = array<i64: 2000, 32>}, {transform_indices = @transform_2, window_bounds = array<i64: 2000, 16>}, {pipeline_mode = #tpu.pipeline_mode<synchronous>, transform_indices = @transform_3, window_bounds = array<i64: 64, 768>}, {pipeline_mode = #tpu.pipeline_mode<synchronous>, transform_indices = @transform_4, window_bounds = array<i64: 1, 768>}, {transform_indices = @transform_5, window_bounds = array<i64: 2000, 768>}]} {
    %get3A = arith.constant 0 : index
    %get3A_0 = arith.constant 0 : index
    %get3A_1 = vector.load %arg1[%get3A, %get3A_0] : memref<2000x32xf32, #tpu.memory_space<vmem>>, vector<2000x32xf32>
    %get3A_2 = arith.constant 0 : index
    %get3A_3 = arith.constant 0 : index
    %get3A_4 = vector.load %arg2[%get3A_2, %get3A_3] : memref<2000x32xf32, #tpu.memory_space<vmem>>, vector<2000x32xf32>
    %concatenate3A = tpu.concatenate %get3A_1, %get3A_4 in 1 : vector<2000x32xf32>, vector<2000x32xf32> -> vector<2000x64xf32>
    %get3A_5 = arith.constant 0 : index
    %get3A_6 = arith.constant 0 : index
    %get3A_7 = vector.load %arg3[%get3A_5, %get3A_6] : memref<2000x16xf32, #tpu.memory_space<vmem>>, vector<2000x1xf32>
    %max3A = arith.constant 1.000000e+00 : f32
    %max3A_8 = vector.broadcast %max3A : f32 to vector<2000x1xf32>
    %max3A_9 = arith.maximumf %get3A_7, %max3A_8 : vector<2000x1xf32>
    %rsqrt3A = math.rsqrt %max3A_9 : vector<2000x1xf32>
    %mul3A = vector.broadcast %rsqrt3A : vector<2000x1xf32> to vector<2000x64xf32>
    %mul3A_10 = arith.mulf %concatenate3A, %mul3A : vector<2000x64xf32>
    %get3A_11 = arith.constant 0 : index
    %get3A_12 = arith.constant 0 : index
    %get3A_13 = vector.load %arg4[%get3A_11, %get3A_12] : memref<64x768xf32, #tpu.memory_space<vmem>>, vector<64x768xf32>
    %dot_general3A = arith.constant dense<0.000000e+00> : vector<2000x768xf32>
    %dot_general3A_14 = tpu.matmul %mul3A_10, %get3A_13, %dot_general3A {dimension_numbers = #tpu.dot_dimension_numbers<[1], [0], [0], [1], [0, 0, 1, 1], [], []>, transpose_lhs_hint = false} : vector<2000x64xf32>, vector<64x768xf32>, vector<2000x768xf32> -> vector<2000x768xf32>
    %get3A_15 = arith.constant 0 : index
    %get3A_16 = arith.constant 0 : index
    %get3A_17 = vector.load %arg5[%get3A_15, %get3A_16] : memref<1x768xf32, #tpu.memory_space<vmem>>, vector<1x768xf32>
    %add3A = vector.broadcast %get3A_17 : vector<1x768xf32> to vector<2000x768xf32>
    %add3A_18 = arith.addf %dot_general3A_14, %add3A : vector<2000x768xf32>
    %swap3A = arith.constant 0 : index
    %swap3A_19 = arith.constant 0 : index
    %swap3A_20 = vector.load %arg6[%swap3A, %swap3A_19] : memref<2000x768xf32, #tpu.memory_space<vmem>>, vector<2000x768xf32>
    tpu.vector_store %arg6[%swap3A, %swap3A_19], %add3A_18 {strides = array<i32>} : memref<2000x768xf32, #tpu.memory_space<vmem>>, vector<2000x768xf32>,
    return
  }
  func.func @transform_0(%arg0: i32) -> (i32, i32) {
    %c0_i32 = arith.constant 0 : i32
    %c0_i32_0 = arith.constant 0 : i32
    return %arg0, %c0_i32 : i32, i32
  }
  func.func @transform_1(%arg0: i32) -> (i32, i32) {
    %c0_i32 = arith.constant 0 : i32
    %c0_i32_0 = arith.constant 0 : i32
    return %arg0, %c0_i32 : i32, i32
  }
  func.func @transform_2(%arg0: i32) -> (i32, i32) {
    %c0_i32 = arith.constant 0 : i32
    %c0_i32_0 = arith.constant 0 : i32
    return %arg0, %c0_i32 : i32, i32
  }
  func.func @transform_3(%arg0: i32) -> (i32, i32) {
    %c0_i32 = arith.constant 0 : i32
    %c0_i32_0 = arith.constant 0 : i32
    %c0_i32_1 = arith.constant 0 : i32
    return %c0_i32, %c0_i32_0 : i32, i32
  }
  func.func @transform_4(%arg0: i32) -> (i32, i32) {
    %c0_i32 = arith.constant 0 : i32
    %c0_i32_0 = arith.constant 0 : i32
    %c0_i32_1 = arith.constant 0 : i32
    return %c0_i32, %c0_i32_0 : i32, i32
  }
  func.func @transform_5(%arg0: i32) -> (i32, i32) {
    %c0_i32 = arith.constant 0 : i32
    %c0_i32_0 = arith.constant 0 : i32
    return %arg0, %c0_i32 : i32, i32
  }
}

</mosaic_0001>

<sc_bundles>
// kernel: kernel.10.cloned.1.call-start
scs
__scs_entry_jumppad:
0x0: {  	(pc) =	sbr.rel $0x88, $3  }
0x1: {  	(tag) =	ssettag $0x0;
	lr =	simm.s32 $0x1  }
0x2: {  	[smem:$0x3F99] =	sst lr;
	_ =	strace $0xD0000000  }
0x3: {  	_ = 	snop  }
0x4: {  	_ = 	snop  }
0x5: {  	_ = 	snop  }
0x6: {  	_ = 	snop  }
0x7: {  	_ = 	snop  }
__scs_overlays_trampoline_lowered:
0x8: {  	[smem:$0x3FA8] =	sst s0  }
0x9: {  	[smem:$0x3FA9] =	sst s1  }
0xa: {  	[smem:$0x3FAA] =	sst s2  }
0xb: {  	[smem:$0x3FAB] =	sst s3  }
0xc: {  	[smem:$0x3FAC] =	sst s4  }
0xd: {  	[smem:$0x3FAD] =	sst s5  }
0xe: {  	[smem:$0x3FAE] =	sst s6  }
0xf: {  	[smem:$0x3FAF] =	sst s7  }
0x10: {  	[smem:$0x3FB0] =	sst s8  }
0x11: {  	[smem:$0x3FB1] =	sst s9;
	s0 =	simm.s32 @!p0 $0x0  }
0x12: {  	s1 =	sld [smem:$0x3F97];
	s0 =	simm.s32 @p0 $0x1  }
0x13: {  	[smem:$0x3FB2] =	sst s0;
	s0 =	simm.s32 @!p1 $0x0  }
0x14: {  	s2 =	sld [smem:$0x3F96];
	s0 =	simm.s32 @p1 $0x1  }
0x15: {  	[smem:$0x3FB3] =	sst s0;
	s0 =	simm.s32 @!p2 $0x0  }
0x16: {  	s3 =	sld [smem:$0x3FDB];
	s0 =	simm.s32 @p2 $0x1  }
0x17: {  	s4 =	simm.s32 $0x1BF5;
	[smem:$0x3FB5] =	sst s0  }
0x18: {  	s0 =	sld [smem:$0x3F98];
	_ =	swait.ge [sflag:s4], $0x0  }
0x19: {  	s7 =	sld [smem:$0x3F99]  }
0x1a: {  	s8 =	sadd.s32 $0xFFFFE003, lr  }
0x1b: {  	s9 =	sadd.s32 $0xFFFFFEF7, lr;
	s5 =	simm.s32 $0xFFFFFFFF;
	p2 =	slt.u32 s8, $0xFFFFF086  }
0x1c: {  	p1 =	slt.u32 s9, $0xF7A;
	s5 =	simm.s32 @!p2 $0x0  }
0x1d: {  	s5 =	simm.s32 @p1 $0x1;
	p0 =	seq.s32 s7, s2  }
0x1e: {  	s7 =	smul.u32 @!p0 $0xF7A, s2;
	p2 =	seq.s32 @!p0 s5, $0x0  }
0x1f: {  	s9 =	smul.u32 $0xF7A, s1;
	s8 =	simm.s32 @!p0 $0x1BF5;
	p2 =	por !p2, p0  }
0x20: {  	[sflag:s8] =	ssyncset.s32 @!p0 $0xFFFFF086;
	s6 =	sadd.s32 @!p0 s3, s7;
	s7 =	simm.s32 @!p0 $0x108  }
0x21: {  	s3 =	sadd.s32 s3, s9;
	s6 =	sadd.s32 @!p0 $0x88, s6;
	s7 =	simm.s32 @p2 $0x1082  }
0x22: {  	[simem:s7], [sflag:s8] =	dma.local @!p0 [hbm:s6], $0xF7A  }
0x23: {  	s9 =	sor.u32 $0xD0000000, s2;
	s6 =	simm.s32 $0x108;
	_ =	swait.ge @!p0 [sflag:s8], $0x0  }
0x24: {  	s3 =	sadd.s32 $0x88, s3;
	s6 =	simm.s32 @!p1 $0x1082;
	[sflag:s4] =	ssyncset.s32 $0xFFFFF086  }
0x25: {  	[simem:s6], [sflag:s4] =	dma.local [hbm:s3], $0xF7A  }
0x26: {  	[smem:$0x3F99] =	sst s1;
	(tag) =	ssettag s2;
	_ =	strace s9  }
0x27: {  	s1 =	sld [smem:$0x3FA9]  }
0x28: {  	s2 =	sld [smem:$0x3FAA]  }
0x29: {  	s4 =	sld [smem:$0x3FAC]  }
0x2a: {  	p0 =	seq.s32 s5, $0x0;
	s5 =	sld [smem:$0x3FAD]  }
0x2b: {  	s6 =	sld [smem:$0x3FAE]  }
0x2c: {  	s7 =	sld [smem:$0x3FAF]  }
0x2d: {  	s3 =	simm.s32 $0x108;
	s8 =	sld [smem:$0x3FB0]  }
0x2e: {  	s3 =	simm.s32 @!p0 $0x1082;
	s9 =	sld [smem:$0x3FB1]  }
0x2f: {  	lr =	sadd.s32 s0, s3;
	s0 =	sld [smem:$0x3FA8]  }
0x30: {  	s3 =	sld [smem:$0x3FAB]  }
0x31: {  	[smem:$0x3FB4] =	sst s10  }
0x32: {  	s10 =	sld [smem:$0x3FB2];
	_ =	sdelay $0x3  }
0x33: {  	p0 =	seq.s32 s10, $0x1;
	s10 =	sld [smem:$0x3FB4];
	_ =	sdelay $0x3  }
0x34: {  	[smem:$0x3FB4] =	sst s10  }
0x35: {  	s10 =	sld [smem:$0x3FB3];
	_ =	sdelay $0x3  }
0x36: {  	p1 =	seq.s32 s10, $0x1;
	s10 =	sld [smem:$0x3FB4];
	_ =	sdelay $0x3  }
0x37: {  	[smem:$0x3FB4] =	sst s10  }
0x38: {  	s10 =	sld [smem:$0x3FB5]  }
0x39: {  	_ = 	snop;
	(pc) =	sbr.ind lr, $3  }
0x3a: {  	_ = 	snop  }
0x3b: {  	_ = 	snop  }
0x3c: {  	p2 =	seq.s32 s10, $0x1;
	s10 =	sld [smem:$0x3FB4]  }
0x3d: {  	_ =	shalt  }
0x3e: {  	_ =	shalt  }
0x3f: {  	_ =	shalt  }
0x40: {  	_ =	shalt  }
0x41: {  	_ =	shalt  }
0x42: {  	_ =	shalt  }
0x43: {  	_ =	shalt  }
0x44: {  	_ =	shalt  }
0x45: {  	_ =	shalt  }
0x46: {  	_ =	shalt  }
0x47: {  	_ =	shalt  }
0x48: {  	_ =	shalt  }
0x49: {  	_ =	shalt  }
0x4a: {  	_ =	shalt  }
0x4b: {  	_ =	shalt  }
0x4c: {  	_ =	shalt  }
0x4d: {  	_ =	shalt  }
0x4e: {  	_ =	shalt  }
0x4f: {  	_ =	shalt  }
0x50: {  	_ =	shalt  }
0x51: {  	_ =	shalt  }
0x52: {  	_ =	shalt  }
0x53: {  	_ =	shalt  }
0x54: {  	_ =	shalt  }
0x55: {  	_ =	shalt  }
0x56: {  	_ =	shalt  }
0x57: {  	_ =	shalt  }
0x58: {  	_ =	shalt  }
0x59: {  	_ =	shalt  }
0x5a: {  	_ =	shalt  }
0x5b: {  	_ =	shalt  }
0x5c: {  	_ =	shalt  }
0x5d: {  	_ =	shalt  }
0x5e: {  	_ =	shalt  }
0x5f: {  	_ =	shalt  }
0x60: {  	_ =	shalt  }
0x61: {  	_ =	shalt  }
0x62: {  	_ =	shalt  }
0x63: {  	_ =	shalt  }
0x64: {  	_ =	shalt  }
0x65: {  	_ =	shalt  }
0x66: {  	_ =	shalt  }
0x67: {  	_ =	shalt  }
0x68: {  	_ =	shalt  }
0x69: {  	_ =	shalt  }
0x6a: {  	_ =	shalt  }
0x6b: {  	_ =	shalt  }
0x6c: {  	_ =	shalt  }
0x6d: {  	_ =	shalt  }
0x6e: {  	_ =	shalt  }
0x6f: {  	_ =	shalt  }
0x70: {  	_ =	shalt  }
0x71: {  	_ =	shalt  }
0x72: {  	_ =	shalt  }
0x73: {  	_ =	shalt  }
0x74: {  	_ =	shalt  }
0x75: {  	_ =	shalt  }
0x76: {  	_ =	shalt  }
0x77: {  	_ =	shalt  }
0x78: {  	_ =	shalt  }
0x79: {  	_ =	shalt  }
0x7a: {  	_ =	shalt  }
0x7b: {  	_ =	shalt  }
0x7c: {  	_ =	shalt  }
0x7d: {  	_ =	shalt  }
0x7e: {  	_ =	shalt  }
0x7f: {  	_ =	shalt  }
0x80: {  	_ =	shalt  }
0x81: {  	_ =	shalt  }
0x82: {  	_ =	shalt  }
0x83: {  	_ =	shalt  }
0x84: {  	_ =	shalt  }
0x85: {  	_ =	shalt  }
0x86: {  	_ =	shalt  }
0x87: {  	_ =	shalt  }
.Lfunc_end0:
.L_simem_size_0:
called_computation.1_lowered:
.L_overlay_start_0:
0x88: {  	s2 =	sld [smem:$0x3FD9]  }
0x89: {  	s3 =	sld [smem:$0x3FFE];
	_ =	sdelay $0x1  }
0x8a: {  	s1 =	srdreg.scid  }
0x8b: {  	s0 =	sand.u32 $0x1, s1  }
0x8c: {  	s17 =	sshll.u32 s0, $0xA;
	s2 =	sadd.s32 s3, s2  }
0x8d: {  	s2 =	sadd.s32 s2, s17  }
0x8e: {  	[smem:$0x3FC0] =	sst s2  }
0x8f: {  	_ = 	snop  }
0x90: {  	s2 =	sld [smem:$0x3FD0];
	(tm) =	ssettm $0x1  }
0x91: {  	s18 =	sld [smem:$0x3FFB];
	_ =	sdelay $0x3  }
0x92: {  	_ =	strace s18  }
0x93: {  	s3 =	sld [smem:$0x3FFC];
	_ =	sdelay $0x3  }
0x94: {  	_ =	strace s3  }
0x95: {  	s3 =	sld [smem:$0x3FFD];
	_ =	sdelay $0x3  }
0x96: {  	_ =	strace s3  }
0x97: {  	_ =	strace $0x8FFFFFFF  }
0x98: {  	s19 =	sld [smem:$0x3FDB];
	_ =	sdelay $0x1  }
0x99: {  	s4 =	simm.s32 $_scs_section_size  }
0x9a: {  	s5 =	simm.s32 $_size__tile_overlayer_lowered;
	s6 =	simm.s32 $_tile_overlayer_lowered  }
0x9b: {  	s22 =	simm.s32 $0x1BFF;
	s21 =	sshll.u32 s6, $0x1;
	s3 =	sadd.s32 s4, s19  }
0x9c: {  	s7 =	simm.s32 $0x0;
	s20 =	sshll.u32 s5, $0x1;
	s5 =	sadd.s32 s21, s3  }
0x9d: {  	[timem:s7], [sflag:s22] =	dma.local [hbm:s5], s20  }
0x9e: {  	_ =	swait.ge [sflag:s22], s20  }
0x9f: {  	s4 =	ssub.s32 $0x0, s20;
	[sflag:s22] =	ssyncset.done $0x0  }
0xa0: {  	[sflag:s22] =	ssyncadd.s32 s4;
	_ =	sdelay $0x1  }
0xa1: {  	s23 =	simm.s32 $0x1B8B  }
0xa2: {  	_ =	swait.ge [sflag:s23], $0x1  }
0xa3: {  	[sflag:s23] =	ssyncset.done $0x0  }
0xa4: {  	s25 =	simm.s32 $0x1B8E;
	s24 =	sld [smem:$0x3FFE];
	[sflag:s23] =	ssyncadd.s32 $0xFFFFFFFF  }
0xa5: {  	s26 =	simm.s32 $execute0_lowered;
	[smem:$0x3FD2] =	sst s25  }
0xa6: {  	s5 =	sshll.u32 s26, $0x1;
	_ =	strace $0x80000049;
	[dreg:$0x1] =	wrdreg $0xFFFFFFFF  }
0xa7: {  	s28 =	simm.s32 $_size_execute0_lowered;
	s3 =	sadd.s32 s3, s5;
	[dreg:$0x0] =	wrdreg $0x0  }
0xa8: {  	s5 =	sshll.u32 s28, $0x1;
	[dreg:$0x2] =	wrdreg s3  }
0xa9: {  	[dreg:$0x3] =	wrdreg s5  }
0xaa: {  	[dreg:$0x4] =	wrdreg $0xC0  }
0xab: {  	_ =	task [dreg:s7], $0x5FFFF  }
0xac: {  	[dreg:$0x1] =	wrdreg $0xFFFFFFFF  }
0xad: {  	[dreg:$0x0] =	wrdreg $0x60  }
0xae: {  	[dreg:$0x2] =	wrdreg s24  }
0xaf: {  	[dreg:$0x3] =	wrdreg s2  }
0xb0: {  	[dreg:$0x4] =	wrdreg $0x66000  }
0xb1: {  	[dreg:$0x5] =	wrdreg $0x9  }
0xb2: {  	_ =	task.clear_ibuf [dreg:s7], $0x6FFFF;
	_ =	strace $0x90000049  }
0xb3: {  	s29 =	simm.s32 $0x9;
	_ =	strace $0x8000004B  }
0xb4: {  	_ =	swait.ge [sflag:s29], $0x1  }
0xb5: {  	[sflag:s29] =	ssyncadd.s32 $0xFFFFFFFF  }
0xb6: {  	_ =	strace $0x9000004B  }
0xb7: {  	_ =	sfence  }
0xb8: {  	s30 =	sld [smem:$0x0];
	_ =	sdelay $0x2  }
0xb9: {  	s31 =	sshll.u32 s1, $0xD;
	s1 =	sshrl.u32 s1, $0x2  }
0xba: {  	s3 =	sand.u32 $0x4000, s31;
	s1 =	sadd.s32 s1, s30  }
0xbb: {  	s0 =	sor.u32 s3, s0;
	s1 =	sshll.u32 s1, $0x11  }
0xbc: {  	s0 =	sor.u32 s1, s0  }
0xbd: {  	s0 =	sadd.s32 $0x8F2B, s0  }
0xbe: {  	[sflag:s0] =	ssyncadd.remote.s32 $0x1  }
0xbf: {  	_ =	sfence.sel $0xFFFF  }
0xc0: {  	[dreg:$0x0] =	wrdreg $0xFFFFFFFF;
	(pc) =	sbr.abs _section_cstart, $3  }
0xc1: {  	[dreg:$0x1] =	wrdreg $0xFFFFFFFF  }
0xc2: {  	_ =	task.clear_ibuf [dreg:s7], $0x2FFFF;
	_ =	strace $0x9FFFFFFF  }
0xc3: {  	(tm) =	ssettm $0x7FFFFFFF  }
tec
execute0_lowered:
.L_overlay_start_1:
0x0: {  	(tag) =	ssettag $0x1  }
0x1: {  	s0 =	rddreg [dreg:$0x0]  }
0x2: {  	s3 =	rddreg [dreg:$0x2];
	s4 =	simm.s32 $0x0;
	s7 =	stileid.u32  }
0x3: {  	s2 =	srdreg.scid;
	s14 =	simm.s32 $0x5;
	s28 =	simm.s32 $0x4600  }
0x4: {  	s29 =	simm.s32 $0x500;
	s30 =	simm.s32 $0x5600;
	s31 =	simm.s32 $0x1  }
0x5: {  	s15 =	simm.s32 $0x0;
	[smem:$0x7FF] =	sst s4;
	s1 =	smul.u32 $0x3180, s7  }
0x6: {  	s5 =	sadd.s32 $0x2400, s0;
	s6 =	sadd.s32 $0x7E200, s0;
	s8 =	smul.u32 $0x62000, s7  }
0x7: {  	s2 =	sand.u32 $0x1, s2;
	s9 =	sadd.s32 $0x33200, s0;
	s10 =	smul.u32 $0x18800, s7  }
0x8: {  	s22 =	sshll.u32 s7, $0x6;
	_ =	strace $0x8000004A;
	[dreg:$0x4] =	wrdreg s9  }
0x9: {  	s18 =	ssub.s32 $0x2, s2;
	p0 =	seq.s32 s2, $0x1;
	s1 =	sadd.s32 s1, s0  }
0xa: {  	s0 =	sadd.s32 $0xAF000, s0;
	s19 =	sshrl.u32 s18, $0x1;
	s8 =	sshrl.u32 s8, $0x2  }
0xb: {  	s21 =	sadd.s32 s10, s3;
	s23 =	sshrl.u32 s10, $0x3;
	s10 =	sor.u32 $0x1C05, s22  }
0xc: {  	s22 =	simm.s32 $0x480;
	[dreg:$0x5] =	wrdreg s0;
	s0 =	ssub.s32 s18, s19  }
0xd: {  	s20 =	sadd.s32 s8, s3;
	s9 =	sadd.s32 $0x4CA00, s1;
	[dreg:$0x6] =	wrdreg s23  }
0xe: {  	s12 =	sshrl.u32 s21, $0x3;
	s18 =	simm.s32 $0x80;
	s19 =	simm.s32 $0x600  }
0xf: {  	s21 =	simm.s32 $0x1600;
	s23 =	simm.s32 $0x2600;
	s1 =	simm.s32 $0x280  }
0x10: {  	s8 =	simm.s32 $0x580;
	[dreg:$0x8] =	wrdreg s10;
	s11 =	sadd.s32 $0x6200, s20  }
0x11: {  	s13 =	sadd.s32 $0xC400, s20;
	s0 =	smax.u32 s0, $0x1;
	[dreg:$0x9] =	wrdreg s12  }
.Ltmp0:
0x12: {  	[dreg:$0x7] =	wrdreg s0;
	s24 =	sshrl.u32 s11, $0x3;
	(pc) =	sbr.rel .LBB2_1-.Ltmp0, $4  }
0x13: {  	s2 =	sadd.s32 $0x12600, s20;
	s25 =	sshrl.u32 s13, $0x3;
	[dreg:$0xa] =	wrdreg s24  }
0x14: {  	s20 =	simm.s32 $0x380;
	s26 =	sshrl.u32 s2, $0x3;
	[dreg:$0xb] =	wrdreg s25  }
0x15: {  	s0 =	simm.s32 $0x180;
	s2 =	simm.s32 $0x2;
	[dreg:$0xc] =	wrdreg s26  }
0x16: {  	s24 =	simm.s32 $0x300;
	s25 =	simm.s32 $0x3600;
	s26 =	simm.s32 $0x400  }
.LBB2_7:
0x17: {  	s7 =	simm.s32 @!p1 $0x4  }
0x18: {  	[spmem:s3] =	stream.indirect.scatter.add.f32 [tilespmem:s30], [sflag:$0x4], $0x20, s8, s18, $0xb8;
	[tilespmem:$0x1EE00] =	vst v63  }
0x19: {  	_ =	swait.ge @!p1 [sflag:s7], $0x1000  }
0x1a: {  	[sflag:s7] =	ssyncset.done @!p1 $0x0  }
0x1b: {  	[sflag:s7] =	ssyncadd.s32 @!p1 $0xFFFFF000  }
0x1c: {  	_ =	swait.ge @!p1 [sflag:s7], $0x1000  }
0x1d: {  	[sflag:s7] =	ssyncset.done @!p1 $0x0  }
0x1e: {  	[sflag:s7] =	ssyncadd.s32 @!p1 $0xFFFFF000  }
0x1f: {  	_ =	swait.ge @!p1 [sflag:s7], $0x1000  }
0x20: {  	s10 =	sadd.s32 s16, s9;
	[sflag:s7] =	ssyncset.done @!p1 $0x0  }
0x21: {  	s17 =	sadd.s32 $0x60, s10;
	[sflag:s7] =	ssyncadd.s32 @!p1 $0xFFFFF000  }
0x22: {  	[tilespmem:s24], [sflag:$0x5] =	stream.linear.gather [hbm4b:s17+s4], $0x300, $0x38;
	[tilespmem:$0x1EE00] =	vst v63  }
0x23: {  	_ =	swait.ge [sflag:s14], $0x300  }
0x24: {  	[sflag:s14] =	ssyncset.done $0x0  }
0x25: {  	[sflag:s14] =	ssyncadd.s32 $0xFFFFFD00  }
0x26: {  	[tilespmem:s25], [sflag:$0x2] =	stream.indirect.gather [hbm4b:s6+s18], $0x20, s24, s18, $0xb8;
	[tilespmem:$0x1EE00] =	vst v63  }
0x27: {  	_ = 	snop  }
0x28: {  	[tilespmem:s28], [sflag:$0x2] =	stream.indirect.gather [hbm4b:s6+s18], $0x20, s26, s18, $0xb8;
	[tilespmem:$0x1EE00] =	vst v63  }
0x29: {  	_ = 	snop  }
0x2a: {  	[tilespmem:s30], [sflag:$0x2] =	stream.indirect.gather [hbm4b:s6+s18], $0x20, s29, s18, $0xb8;
	[tilespmem:$0x1EE00] =	vst v63  }
0x2b: {  	_ =	swait.ge [sflag:s31], $0x1000  }
0x2c: {  	[sflag:s31] =	ssyncset.done $0x0  }
0x2d: {  	[sflag:s31] =	ssyncadd.s32 $0xFFFFF000  }
0x2e: {  	_ =	swait.ge [sflag:s31], $0x1000  }
0x2f: {  	[sflag:s31] =	ssyncset.done $0x0  }
0x30: {  	[sflag:s31] =	ssyncadd.s32 $0xFFFFF000  }
0x31: {  	_ =	swait.ge [sflag:s31], $0x1000  }
0x32: {  	[sflag:s31] =	ssyncset.done $0x0  }
0x33: {  	[sflag:s31] =	ssyncadd.s32 $0xFFFFF000  }
0x34: {  	[spmem:s3] =	stream.indirect.scatter.add.f32 [tilespmem:s19], [sflag:$0x3], $0x20, s18, s18, $0xb8;
	[tilespmem:$0x1EE00] =	vst v63  }
0x35: {  	p1 =	seq.s32 s16, $0x30C0  }
0x36: {  	[spmem:s3] =	stream.indirect.scatter.add.f32 [tilespmem:s21], [sflag:$0x3], $0x20, s0, s18, $0xb8;
	[tilespmem:$0x1EE00] =	vst v63  }
0x37: {  	s7 =	simm.s32 @!p1 $0x3  }
0x38: {  	[spmem:s3] =	stream.indirect.scatter.add.f32 [tilespmem:s23], [sflag:$0x3], $0x20, s1, s18, $0xb8;
	[tilespmem:$0x1EE00] =	vst v63  }
0x39: {  	_ =	swait.ge @!p1 [sflag:s7], $0x1000  }
0x3a: {  	[sflag:s7] =	ssyncset.done @!p1 $0x0  }
0x3b: {  	[sflag:s7] =	ssyncadd.s32 @!p1 $0xFFFFF000  }
0x3c: {  	_ =	swait.ge @!p1 [sflag:s7], $0x1000  }
0x3d: {  	[sflag:s7] =	ssyncset.done @!p1 $0x0  }
0x3e: {  	[sflag:s7] =	ssyncadd.s32 @!p1 $0xFFFFF000  }
0x3f: {  	_ =	swait.ge @!p1 [sflag:s7], $0x1000  }
0x40: {  	s10 =	sadd.s32 @!p1 s16, s9;
	s11 =	simm.s32 @!p1 $0x0;
	[sflag:s7] =	ssyncset.done @!p1 $0x0  }
0x41: {  	s10 =	sadd.s32 @!p1 $0xC0, s10;
	[sflag:s7] =	ssyncadd.s32 @!p1 $0xFFFFF000;
	s7 =	simm.s32 @!p1 $0x5  }
0x42: {  	[tilespmem:s11], [sflag:$0x5] =	stream.linear.gather @!p1 [hbm4b:s10+s11], $0x300, $0x38;
	[tilespmem:$0x1EE00] =	vst v63  }
0x43: {  	_ =	swait.ge @!p1 [sflag:s7], $0x300  }
0x44: {  	[sflag:s7] =	ssyncset.done @!p1 $0x0  }
0x45: {  	s10 =	simm.s32 @!p1 $0x80;
	[sflag:s7] =	ssyncadd.s32 @!p1 $0xFFFFFD00;
	s7 =	simm.s32 @!p1 $0x600  }
0x46: {  	[tilespmem:s7], [sflag:$0x1] =	stream.indirect.gather @!p1 [hbm4b:s6+s10], $0x20, s11, s10, $0xb8;
	[tilespmem:$0x1EE00] =	vst v63  }
0x47: {  	s7 =	simm.s32 @!p1 $0x100;
	s11 =	simm.s32 @!p1 $0x1600  }
0x48: {  	[tilespmem:s11], [sflag:$0x1] =	stream.indirect.gather @!p1 [hbm4b:s6+s10], $0x20, s7, s10, $0xb8;
	[tilespmem:$0x1EE00] =	vst v63  }
0x49: {  	s7 =	simm.s32 @!p1 $0x200;
	s11 =	simm.s32 @!p1 $0x2600  }
0x4a: {  	[tilespmem:s11], [sflag:$0x1] =	stream.indirect.gather @!p1 [hbm4b:s6+s10], $0x20, s7, s10, $0xb8;
	[tilespmem:$0x1EE00] =	vst v63  }
0x4b: {  	_ =	swait.ge [sflag:s2], $0x1000  }
0x4c: {  	[sflag:s2] =	ssyncset.done $0x0  }
0x4d: {  	[sflag:s2] =	ssyncadd.s32 $0xFFFFF000  }
0x4e: {  	_ =	swait.ge [sflag:s2], $0x1000  }
0x4f: {  	[sflag:s2] =	ssyncset.done $0x0  }
0x50: {  	[sflag:s2] =	ssyncadd.s32 $0xFFFFF000  }
0x51: {  	_ =	swait.ge [sflag:s2], $0x1000  }
0x52: {  	[sflag:s2] =	ssyncset.done $0x0  }
0x53: {  	[sflag:s2] =	ssyncadd.s32 $0xFFFFF000  }
0x54: {  	[spmem:s3] =	stream.indirect.scatter.add.f32 [tilespmem:s25], [sflag:$0x4], $0x20, s20, s18, $0xb8;
	[tilespmem:$0x1EE00] =	vst v63  }
0x55: {  	_ = 	snop  }
0x56: {  	[spmem:s3] =	stream.indirect.scatter.add.f32 [tilespmem:s28], [sflag:$0x4], $0x20, s22, s18, $0xb8;
	[tilespmem:$0x1EE00] =	vst v63  }
0x57: {  	s13 =	rddreg [dreg:$0x5]  }
0x58: {  	[spmem:s3] =	stream.indirect.scatter.add.f32 [tilespmem:s30], [sflag:$0x4], $0x20, s8, s18, $0xb8;
	[tilespmem:$0x1EE00] =	vst v63  }
.LBB2_8:
0x59: {  	s7 =	simm.s32 $0x3  }
0x5a: {  	_ =	swait.ge [sflag:s7], $0x1000  }
0x5b: {  	[sflag:s7] =	ssyncset.done $0x0  }
0x5c: {  	[sflag:s7] =	ssyncadd.s32 $0xFFFFF000  }
0x5d: {  	_ =	swait.ge [sflag:s7], $0x1000  }
0x5e: {  	[sflag:s7] =	ssyncset.done $0x0  }
0x5f: {  	[sflag:s7] =	ssyncadd.s32 $0xFFFFF000  }
0x60: {  	_ =	swait.ge [sflag:s7], $0x1000  }
0x61: {  	[sflag:s7] =	ssyncset.done $0x0  }
0x62: {  	s12 =	simm.s32 $0x4;
	[sflag:s7] =	ssyncadd.s32 $0xFFFFF000  }
0x63: {  	_ =	swait.ge [sflag:s12], $0x1000  }
0x64: {  	[sflag:s12] =	ssyncset.done $0x0  }
0x65: {  	[sflag:s12] =	ssyncadd.s32 $0xFFFFF000  }
0x66: {  	_ =	swait.ge [sflag:s12], $0x1000  }
0x67: {  	[sflag:s12] =	ssyncset.done $0x0  }
0x68: {  	[sflag:s12] =	ssyncadd.s32 $0xFFFFF000  }
0x69: {  	_ =	swait.ge [sflag:s12], $0x1000  }
0x6a: {  	[sflag:s12] =	ssyncset.done $0x0  }
0x6b: {  	[sflag:s12] =	ssyncadd.s32 $0xFFFFF000  }
0x6c: {  	s16 =	rddreg [dreg:$0x6];
	[bflag:$0x0] =	sbarrier.arrive $0xFFFF  }
0x6d: {  	s10 =	rddreg [dreg:$0x8]  }
0x6e: {  	s7 =	sadd.s32 s13, s16;
	s12 =	rddreg [dreg:$0x9]  }
0x6f: {  	[hbm:s7], [sflag:s10] =	dma.local [spmem:s12], $0x3100  }
0x70: {  	_ =	swait.ge [sflag:s14], $0x3100  }
0x71: {  	s15 =	sadd.s32 $0x1, s15;
	s17 =	rddreg [dreg:$0x7]  }
0x72: {  	p1 =	sne.s32 s15, s17  }
.Ltmp1:
0x73: {  	_ = 	snop;
	(pc) =	sbr.rel @!p1 .LBB2_9-.Ltmp1, $3  }
0x74: {  	_ =	sdelay $0x1  }
0x75: {  	[sflag:s14] =	ssyncset.done $0x0  }
0x76: {  	[sflag:s14] =	ssyncadd.s32 $0xFFFFCF00  }
.LBB2_1:
0x77: {  	s7 =	rddreg [dreg:$0x4]  }
0x78: {  	[spmem:s12], [sflag:s10] =	dma.local [hbm:s7], $0xC40  }
0x79: {  	_ =	swait.ge [sflag:s14], $0xC40  }
0x7a: {  	[sflag:s14] =	ssyncset.done $0x0  }
0x7b: {  	s11 =	rddreg [dreg:$0xa];
	[sflag:s14] =	ssyncadd.s32 $0xFFFFF3C0  }
0x7c: {  	[spmem:s11], [sflag:s10] =	dma.local [hbm:s7], $0xC40  }
0x7d: {  	_ =	swait.ge [sflag:s14], $0xC40  }
0x7e: {  	[sflag:s14] =	ssyncset.done $0x0  }
0x7f: {  	s16 =	rddreg [dreg:$0xb];
	[sflag:s14] =	ssyncadd.s32 $0xFFFFF3C0  }
0x80: {  	[spmem:s16], [sflag:s10] =	dma.local [hbm:s7], $0xC40  }
0x81: {  	_ =	swait.ge [sflag:s14], $0xC40  }
0x82: {  	[sflag:s14] =	ssyncset.done $0x0  }
0x83: {  	s17 =	rddreg [dreg:$0xc];
	[sflag:s14] =	ssyncadd.s32 $0xFFFFF3C0  }
0x84: {  	[spmem:s17], [sflag:s10] =	dma.local [hbm:s7], $0xC40  }
0x85: {  	_ =	swait.ge [sflag:s14], $0xC40  }
0x86: {  	[sflag:s14] =	ssyncset.done $0x0  }
0x87: {  	[sflag:s14] =	ssyncadd.s32 $0xFFFFF3C0  }
.Ltmp2:
0x88: {  	[bflag:$0x0] =	sbarrier.arrive $0xFFFF;
	(pc) =	sbr.rel @!p0 .LBB2_2-.Ltmp2, $4  }
0x89: {  	[tilespmem:s4], [sflag:$0x5] =	stream.linear.gather [hbm4b:s9+s4], $0x300, $0x38;
	[tilespmem:$0x1EE00] =	vst v63  }
0x8a: {  	_ =	swait.ge [sflag:s14], $0x300  }
0x8b: {  	[sflag:s14] =	ssyncset.done $0x0  }
0x8c: {  	[sflag:s14] =	ssyncadd.s32 $0xFFFFFD00  }
0x8d: {  	s7 =	simm.s32 $0x0;
	p1 =	por $0x1, $0x1  }
0x8e: {  	[tilespmem:s19], [sflag:$0x1] =	stream.indirect.gather [hbm4b:s6+s18], $0x20, s7, s18, $0xb8;
	[tilespmem:$0x1EE00] =	vst v63  }
0x8f: {  	s13 =	simm.s32 $0x100;
	p1 =	por p1, p1  }
0x90: {  	[tilespmem:s21], [sflag:$0x1] =	stream.indirect.gather [hbm4b:s6+s18], $0x20, s13, s18, $0xb8;
	[tilespmem:$0x1EE00] =	vst v63  }
0x91: {  	s16 =	simm.s32 $0x200;
	s7 =	simm.s32 @!p1 $0x4  }
0x92: {  	[tilespmem:s23], [sflag:$0x1] =	stream.indirect.gather [hbm4b:s6+s18], $0x20, s16, s18, $0xb8;
	[tilespmem:$0x1EE00] =	vst v63  }
0x93: {  	_ =	swait.ge @!p1 [sflag:s7], $0x1000  }
0x94: {  	[sflag:s7] =	ssyncset.done @!p1 $0x0  }
0x95: {  	[sflag:s7] =	ssyncadd.s32 @!p1 $0xFFFFF000  }
0x96: {  	_ =	swait.ge @!p1 [sflag:s7], $0x1000  }
0x97: {  	[sflag:s7] =	ssyncset.done @!p1 $0x0  }
0x98: {  	[sflag:s7] =	ssyncadd.s32 @!p1 $0xFFFFF000  }
0x99: {  	_ =	swait.ge @!p1 [sflag:s7], $0x1000  }
0x9a: {  	s10 =	sadd.s32 $0x0, s9;
	[sflag:s7] =	ssyncset.done @!p1 $0x0  }
0x9b: {  	s17 =	sadd.s32 $0x60, s10;
	[sflag:s7] =	ssyncadd.s32 @!p1 $0xFFFFF000  }
0x9c: {  	[tilespmem:s24], [sflag:$0x5] =	stream.linear.gather [hbm4b:s17+s4], $0x300, $0x38;
	[tilespmem:$0x1EE00] =	vst v63  }
0x9d: {  	_ =	swait.ge [sflag:s14], $0x300  }
0x9e: {  	[sflag:s14] =	ssyncset.done $0x0  }
0x9f: {  	[sflag:s14] =	ssyncadd.s32 $0xFFFFFD00  }
0xa0: {  	[tilespmem:s25], [sflag:$0x2] =	stream.indirect.gather [hbm4b:s6+s18], $0x20, s24, s18, $0xb8;
	[tilespmem:$0x1EE00] =	vst v63  }
0xa1: {  	_ = 	snop  }
0xa2: {  	[tilespmem:s28], [sflag:$0x2] =	stream.indirect.gather [hbm4b:s6+s18], $0x20, s26, s18, $0xb8;
	[tilespmem:$0x1EE00] =	vst v63  }
0xa3: {  	_ = 	snop  }
0xa4: {  	[tilespmem:s30], [sflag:$0x2] =	stream.indirect.gather [hbm4b:s6+s18], $0x20, s29, s18, $0xb8;
	[tilespmem:$0x1EE00] =	vst v63  }
0xa5: {  	_ =	swait.ge [sflag:s31], $0x1000  }
0xa6: {  	[sflag:s31] =	ssyncset.done $0x0  }
0xa7: {  	[sflag:s31] =	ssyncadd.s32 $0xFFFFF000  }
0xa8: {  	_ =	swait.ge [sflag:s31], $0x1000  }
0xa9: {  	[sflag:s31] =	ssyncset.done $0x0  }
0xaa: {  	[sflag:s31] =	ssyncadd.s32 $0xFFFFF000  }
0xab: {  	_ =	swait.ge [sflag:s31], $0x1000  }
0xac: {  	[sflag:s31] =	ssyncset.done $0x0  }
0xad: {  	[sflag:s31] =	ssyncadd.s32 $0xFFFFF000  }
0xae: {  	[spmem:s3] =	stream.indirect.scatter.add.f32 [tilespmem:s19], [sflag:$0x3], $0x20, s18, s18, $0xb8;
	[tilespmem:$0x1EE00] =	vst v63  }
0xaf: {  	p1 =	por $0x0, $0x0  }
0xb0: {  	[spmem:s3] =	stream.indirect.scatter.add.f32 [tilespmem:s21], [sflag:$0x3], $0x20, s0, s18, $0xb8;
	[tilespmem:$0x1EE00] =	vst v63  }
0xb1: {  	s7 =	simm.s32 @!p1 $0x3  }
0xb2: {  	[spmem:s3] =	stream.indirect.scatter.add.f32 [tilespmem:s23], [sflag:$0x3], $0x20, s1, s18, $0xb8;
	[tilespmem:$0x1EE00] =	vst v63  }
0xb3: {  	_ =	swait.ge @!p1 [sflag:s7], $0x1000  }
0xb4: {  	[sflag:s7] =	ssyncset.done @!p1 $0x0  }
0xb5: {  	[sflag:s7] =	ssyncadd.s32 @!p1 $0xFFFFF000  }
0xb6: {  	_ =	swait.ge @!p1 [sflag:s7], $0x1000  }
0xb7: {  	[sflag:s7] =	ssyncset.done @!p1 $0x0  }
0xb8: {  	[sflag:s7] =	ssyncadd.s32 @!p1 $0xFFFFF000  }
0xb9: {  	_ =	swait.ge @!p1 [sflag:s7], $0x1000  }
0xba: {  	s10 =	sadd.s32 @!p1 $0x0, s9;
	s11 =	simm.s32 @!p1 $0x0;
	[sflag:s7] =	ssyncset.done @!p1 $0x0  }
0xbb: {  	s10 =	sadd.s32 @!p1 $0xC0, s10;
	[sflag:s7] =	ssyncadd.s32 @!p1 $0xFFFFF000;
	s7 =	simm.s32 @!p1 $0x5  }
0xbc: {  	[tilespmem:s11], [sflag:$0x5] =	stream.linear.gather @!p1 [hbm4b:s10+s11], $0x300, $0x38;
	[tilespmem:$0x1EE00] =	vst v63  }
0xbd: {  	_ =	swait.ge @!p1 [sflag:s7], $0x300  }
0xbe: {  	[sflag:s7] =	ssyncset.done @!p1 $0x0  }
0xbf: {  	s10 =	simm.s32 @!p1 $0x80;
	[sflag:s7] =	ssyncadd.s32 @!p1 $0xFFFFFD00;
	s7 =	simm.s32 @!p1 $0x600  }
0xc0: {  	[tilespmem:s7], [sflag:$0x1] =	stream.indirect.gather @!p1 [hbm4b:s6+s10], $0x20, s11, s10, $0xb8;
	[tilespmem:$0x1EE00] =	vst v63  }
0xc1: {  	s7 =	simm.s32 @!p1 $0x100;
	s11 =	simm.s32 @!p1 $0x1600  }
0xc2: {  	[tilespmem:s11], [sflag:$0x1] =	stream.indirect.gather @!p1 [hbm4b:s6+s10], $0x20, s7, s10, $0xb8;
	[tilespmem:$0x1EE00] =	vst v63  }
0xc3: {  	s7 =	simm.s32 @!p1 $0x200;
	s11 =	simm.s32 @!p1 $0x2600  }
0xc4: {  	[tilespmem:s11], [sflag:$0x1] =	stream.indirect.gather @!p1 [hbm4b:s6+s10], $0x20, s7, s10, $0xb8;
	[tilespmem:$0x1EE00] =	vst v63  }
0xc5: {  	_ =	swait.ge [sflag:s2], $0x1000  }
0xc6: {  	[sflag:s2] =	ssyncset.done $0x0  }
0xc7: {  	[sflag:s2] =	ssyncadd.s32 $0xFFFFF000  }
0xc8: {  	_ =	swait.ge [sflag:s2], $0x1000  }
0xc9: {  	[sflag:s2] =	ssyncset.done $0x0  }
0xca: {  	[sflag:s2] =	ssyncadd.s32 $0xFFFFF000  }
0xcb: {  	_ =	swait.ge [sflag:s2], $0x1000  }
0xcc: {  	[sflag:s2] =	ssyncset.done $0x0  }
0xcd: {  	p6 =	por $0x0, $0x0;
	[sflag:s2] =	ssyncadd.s32 $0xFFFFF000  }
0xce: {  	[spmem:s3] =	stream.indirect.scatter.add.f32 [tilespmem:s25], [sflag:$0x4], $0x20, s20, s18, $0xb8;
	[tilespmem:$0x1EE00] =	vst v63  }
0xcf: {  	s16 =	simm.s32 $0xC0;
	s17 =	simm.s32 $0x180;
	p1 =	por p6, p6  }
0xd0: {  	[spmem:s3] =	stream.indirect.scatter.add.f32 [tilespmem:s28], [sflag:$0x4], $0x20, s22, s18, $0xb8;
	[tilespmem:$0x1EE00] =	vst v63  }
.LBB2_6:
0xd1: {  	p3 =	seq.s32 s17, $0x0  }
0xd2: {  	s7 =	simm.s32 @!p1 $0x4;
	s13 =	smov.u32 s17;
	s17 =	sadd.s32 $0xC0, s17  }
0xd3: {  	[spmem:s3] =	stream.indirect.scatter.add.f32 [tilespmem:s30], [sflag:$0x4], $0x20, s8, s18, $0xb8;
	[tilespmem:$0x1EE00] =	vst v63  }
0xd4: {  	p2 =	sne.s32 s17, $0x3180;
	_ =	swait.ge @!p1 [sflag:s7], $0x1000  }
0xd5: {  	[sflag:s7] =	ssyncset.done @!p1 $0x0  }
0xd6: {  	[sflag:s7] =	ssyncadd.s32 @!p1 $0xFFFFF000  }
0xd7: {  	_ =	swait.ge @!p1 [sflag:s7], $0x1000  }
0xd8: {  	[sflag:s7] =	ssyncset.done @!p1 $0x0  }
0xd9: {  	[sflag:s7] =	ssyncadd.s32 @!p1 $0xFFFFF000  }
0xda: {  	_ =	swait.ge @!p1 [sflag:s7], $0x1000  }
0xdb: {  	s10 =	sadd.s32 s16, s9;
	[sflag:s7] =	ssyncset.done @!p1 $0x0  }
0xdc: {  	[sflag:s7] =	ssyncadd.s32 @!p1 $0xFFFFF000;
	s7 =	sadd.s32 $0x60, s10;
	p1 =	por p3, p3  }
0xdd: {  	[tilespmem:s24], [sflag:$0x5] =	stream.linear.gather [hbm4b:s7+s4], $0x300, $0x38;
	[tilespmem:$0x1EE00] =	vst v63  }
0xde: {  	_ =	swait.ge [sflag:s14], $0x300  }
0xdf: {  	[sflag:s14] =	ssyncset.done $0x0  }
0xe0: {  	[sflag:s14] =	ssyncadd.s32 $0xFFFFFD00  }
0xe1: {  	[tilespmem:s25], [sflag:$0x2] =	stream.indirect.gather [hbm4b:s6+s18], $0x20, s24, s18, $0xb8;
	[tilespmem:$0x1EE00] =	vst v63  }
0xe2: {  	_ = 	snop  }
0xe3: {  	[tilespmem:s28], [sflag:$0x2] =	stream.indirect.gather [hbm4b:s6+s18], $0x20, s26, s18, $0xb8;
	[tilespmem:$0x1EE00] =	vst v63  }
0xe4: {  	_ = 	snop  }
0xe5: {  	[tilespmem:s30], [sflag:$0x2] =	stream.indirect.gather [hbm4b:s6+s18], $0x20, s29, s18, $0xb8;
	[tilespmem:$0x1EE00] =	vst v63  }
0xe6: {  	_ =	swait.ge [sflag:s31], $0x1000  }
0xe7: {  	[sflag:s31] =	ssyncset.done $0x0  }
0xe8: {  	[sflag:s31] =	ssyncadd.s32 $0xFFFFF000  }
0xe9: {  	_ =	swait.ge [sflag:s31], $0x1000  }
0xea: {  	[sflag:s31] =	ssyncset.done $0x0  }
0xeb: {  	[sflag:s31] =	ssyncadd.s32 $0xFFFFF000  }
0xec: {  	_ =	swait.ge [sflag:s31], $0x1000  }
0xed: {  	[sflag:s31] =	ssyncset.done $0x0  }
0xee: {  	[sflag:s31] =	ssyncadd.s32 $0xFFFFF000  }
0xef: {  	[spmem:s3] =	stream.indirect.scatter.add.f32 [tilespmem:s19], [sflag:$0x3], $0x20, s18, s18, $0xb8;
	[tilespmem:$0x1EE00] =	vst v63  }
0xf0: {  	_ = 	snop  }
0xf1: {  	[spmem:s3] =	stream.indirect.scatter.add.f32 [tilespmem:s21], [sflag:$0x3], $0x20, s0, s18, $0xb8;
	[tilespmem:$0x1EE00] =	vst v63  }
0xf2: {  	p3 =	seq.s32 s16, $0x30C0  }
0xf3: {  	[spmem:s3] =	stream.indirect.scatter.add.f32 [tilespmem:s23], [sflag:$0x3], $0x20, s1, s18, $0xb8;
	[tilespmem:$0x1EE00] =	vst v63  }
0xf4: {  	s7 =	simm.s32 @!p3 $0x3;
	s10 =	sadd.s32 @!p3 s16, s9;
	s16 =	smov.u32 s13  }
0xf5: {  	s10 =	sadd.s32 @!p3 $0xC0, s10;
	_ =	swait.ge @!p3 [sflag:s7], $0x1000  }
0xf6: {  	[sflag:s7] =	ssyncset.done @!p3 $0x0  }
0xf7: {  	[sflag:s7] =	ssyncadd.s32 @!p3 $0xFFFFF000  }
0xf8: {  	_ =	swait.ge @!p3 [sflag:s7], $0x1000  }
0xf9: {  	[sflag:s7] =	ssyncset.done @!p3 $0x0  }
0xfa: {  	[sflag:s7] =	ssyncadd.s32 @!p3 $0xFFFFF000  }
0xfb: {  	_ =	swait.ge @!p3 [sflag:s7], $0x1000  }
0xfc: {  	s11 =	simm.s32 @!p3 $0x0;
	[sflag:s7] =	ssyncset.done @!p3 $0x0  }
0xfd: {  	[sflag:s7] =	ssyncadd.s32 @!p3 $0xFFFFF000;
	s7 =	simm.s32 @!p3 $0x5  }
0xfe: {  	[tilespmem:s11], [sflag:$0x5] =	stream.linear.gather @!p3 [hbm4b:s10+s11], $0x300, $0x38;
	[tilespmem:$0x1EE00] =	vst v63  }
0xff: {  	_ =	swait.ge @!p3 [sflag:s7], $0x300  }
0x100: {  	s12 =	simm.s32 @!p3 $0x600;
	s10 =	simm.s32 @!p3 $0x80;
	[sflag:s7] =	ssyncset.done @!p3 $0x0  }
0x101: {  	s13 =	simm.s32 @!p3 $0x1600;
	[sflag:s7] =	ssyncadd.s32 @!p3 $0xFFFFFD00;
	s7 =	simm.s32 @!p3 $0x100  }
0x102: {  	[tilespmem:s12], [sflag:$0x1] =	stream.indirect.gather @!p3 [hbm4b:s6+s10], $0x20, s11, s10, $0xb8;
	[tilespmem:$0x1EE00] =	vst v63  }
0x103: {  	s11 =	simm.s32 @!p3 $0x200;
	s12 =	simm.s32 @!p3 $0x2600  }
0x104: {  	[tilespmem:s13], [sflag:$0x1] =	stream.indirect.gather @!p3 [hbm4b:s6+s10], $0x20, s7, s10, $0xb8;
	[tilespmem:$0x1EE00] =	vst v63  }
0x105: {  	_ = 	snop  }
0x106: {  	[tilespmem:s12], [sflag:$0x1] =	stream.indirect.gather @!p3 [hbm4b:s6+s10], $0x20, s11, s10, $0xb8;
	[tilespmem:$0x1EE00] =	vst v63  }
0x107: {  	_ =	swait.ge [sflag:s2], $0x1000  }
0x108: {  	[sflag:s2] =	ssyncset.done $0x0  }
0x109: {  	[sflag:s2] =	ssyncadd.s32 $0xFFFFF000  }
0x10a: {  	_ =	swait.ge [sflag:s2], $0x1000  }
0x10b: {  	[sflag:s2] =	ssyncset.done $0x0  }
0x10c: {  	[sflag:s2] =	ssyncadd.s32 $0xFFFFF000  }
0x10d: {  	_ =	swait.ge [sflag:s2], $0x1000  }
.Ltmp3:
0x10e: {  	[sflag:s2] =	ssyncset.done $0x0;
	(pc) =	sbr.rel @p2 .LBB2_6-.Ltmp3, $4  }
0x10f: {  	[sflag:s2] =	ssyncadd.s32 $0xFFFFF000  }
0x110: {  	[spmem:s3] =	stream.indirect.scatter.add.f32 [tilespmem:s25], [sflag:$0x4], $0x20, s20, s18, $0xb8;
	[tilespmem:$0x1EE00] =	vst v63  }
0x111: {  	_ = 	snop  }
0x112: {  	[spmem:s3] =	stream.indirect.scatter.add.f32 [tilespmem:s28], [sflag:$0x4], $0x20, s22, s18, $0xb8;
	[tilespmem:$0x1EE00] =	vst v63  }
.Ltmp4:
0x113: {  	_ = 	snop;
	(pc) =	sbr.rel .LBB2_7-.Ltmp4, $1  }
0x114: {  	_ =	sdelay $0x3  }
.LBB2_2:
0x115: {  	s13 =	simm.s32 $0x0;
	p1 =	por $0x1, $0x1  }
0x116: {  	[tilespmem:s19], [sflag:$0x1] =	stream.indirect.gather [hbm4b:s5+s18], $0x20, s13, s18, $0xb8;
	[tilespmem:$0x1EE00] =	vst v63  }
0x117: {  	s7 =	simm.s32 $0x100;
	p1 =	por p1, p1  }
0x118: {  	[tilespmem:s21], [sflag:$0x1] =	stream.indirect.gather [hbm4b:s5+s18], $0x20, s7, s18, $0xb8;
	[tilespmem:$0x1EE00] =	vst v63  }
0x119: {  	s16 =	simm.s32 $0x200;
	s13 =	simm.s32 @!p1 $0x4  }
0x11a: {  	[tilespmem:s23], [sflag:$0x1] =	stream.indirect.gather [hbm4b:s5+s18], $0x20, s16, s18, $0xb8;
	[tilespmem:$0x1EE00] =	vst v63  }
0x11b: {  	_ =	swait.ge @!p1 [sflag:s13], $0x1000  }
0x11c: {  	[sflag:s13] =	ssyncset.done @!p1 $0x0  }
0x11d: {  	[sflag:s13] =	ssyncadd.s32 @!p1 $0xFFFFF000  }
0x11e: {  	_ =	swait.ge @!p1 [sflag:s13], $0x1000  }
0x11f: {  	[sflag:s13] =	ssyncset.done @!p1 $0x0  }
0x120: {  	[sflag:s13] =	ssyncadd.s32 @!p1 $0xFFFFF000  }
0x121: {  	_ =	swait.ge @!p1 [sflag:s13], $0x1000  }
0x122: {  	s16 =	sadd.s32 $0x0, s9;
	[sflag:s13] =	ssyncset.done @!p1 $0x0  }
0x123: {  	s17 =	sadd.s32 $0x60, s16;
	[sflag:s13] =	ssyncadd.s32 @!p1 $0xFFFFF000  }
0x124: {  	[tilespmem:s24], [sflag:$0x5] =	stream.linear.gather [hbm4b:s17+s4], $0x300, $0x38;
	[tilespmem:$0x1EE00] =	vst v63  }
0x125: {  	_ =	swait.ge [sflag:s14], $0x300  }
0x126: {  	[sflag:s14] =	ssyncset.done $0x0  }
0x127: {  	[sflag:s14] =	ssyncadd.s32 $0xFFFFFD00  }
0x128: {  	[tilespmem:s25], [sflag:$0x2] =	stream.indirect.gather [hbm4b:s5+s18], $0x20, s24, s18, $0xb8;
	[tilespmem:$0x1EE00] =	vst v63  }
0x129: {  	_ = 	snop  }
0x12a: {  	[tilespmem:s28], [sflag:$0x2] =	stream.indirect.gather [hbm4b:s5+s18], $0x20, s26, s18, $0xb8;
	[tilespmem:$0x1EE00] =	vst v63  }
0x12b: {  	_ = 	snop  }
0x12c: {  	[tilespmem:s30], [sflag:$0x2] =	stream.indirect.gather [hbm4b:s5+s18], $0x20, s29, s18, $0xb8;
	[tilespmem:$0x1EE00] =	vst v63  }
0x12d: {  	_ =	swait.ge [sflag:s31], $0x1000  }
0x12e: {  	[sflag:s31] =	ssyncset.done $0x0  }
0x12f: {  	[sflag:s31] =	ssyncadd.s32 $0xFFFFF000  }
0x130: {  	_ =	swait.ge [sflag:s31], $0x1000  }
0x131: {  	[sflag:s31] =	ssyncset.done $0x0  }
0x132: {  	[sflag:s31] =	ssyncadd.s32 $0xFFFFF000  }
0x133: {  	_ =	swait.ge [sflag:s31], $0x1000  }
0x134: {  	[sflag:s31] =	ssyncset.done $0x0  }
0x135: {  	[sflag:s31] =	ssyncadd.s32 $0xFFFFF000  }
0x136: {  	[spmem:s3] =	stream.indirect.scatter.add.f32 [tilespmem:s19], [sflag:$0x3], $0x20, s18, s18, $0xb8;
	[tilespmem:$0x1EE00] =	vst v63  }
0x137: {  	p1 =	por $0x0, $0x0  }
0x138: {  	[spmem:s3] =	stream.indirect.scatter.add.f32 [tilespmem:s21], [sflag:$0x3], $0x20, s0, s18, $0xb8;
	[tilespmem:$0x1EE00] =	vst v63  }
0x139: {  	s13 =	simm.s32 @!p1 $0x3  }
0x13a: {  	[spmem:s3] =	stream.indirect.scatter.add.f32 [tilespmem:s23], [sflag:$0x3], $0x20, s1, s18, $0xb8;
	[tilespmem:$0x1EE00] =	vst v63  }
0x13b: {  	_ =	swait.ge @!p1 [sflag:s13], $0x1000  }
0x13c: {  	[sflag:s13] =	ssyncset.done @!p1 $0x0  }
0x13d: {  	[sflag:s13] =	ssyncadd.s32 @!p1 $0xFFFFF000  }
0x13e: {  	_ =	swait.ge @!p1 [sflag:s13], $0x1000  }
0x13f: {  	[sflag:s13] =	ssyncset.done @!p1 $0x0  }
0x140: {  	[sflag:s13] =	ssyncadd.s32 @!p1 $0xFFFFF000  }
0x141: {  	_ =	swait.ge @!p1 [sflag:s13], $0x1000  }
0x142: {  	s16 =	sadd.s32 @!p1 $0x0, s9;
	s17 =	simm.s32 @!p1 $0x0;
	[sflag:s13] =	ssyncset.done @!p1 $0x0  }
0x143: {  	s16 =	sadd.s32 @!p1 $0xC0, s16;
	[sflag:s13] =	ssyncadd.s32 @!p1 $0xFFFFF000;
	s13 =	simm.s32 @!p1 $0x5  }
0x144: {  	[tilespmem:s17], [sflag:$0x5] =	stream.linear.gather @!p1 [hbm4b:s16+s17], $0x300, $0x38;
	[tilespmem:$0x1EE00] =	vst v63  }
0x145: {  	_ =	swait.ge @!p1 [sflag:s13], $0x300  }
0x146: {  	[sflag:s13] =	ssyncset.done @!p1 $0x0  }
0x147: {  	s16 =	simm.s32 @!p1 $0x80;
	[sflag:s13] =	ssyncadd.s32 @!p1 $0xFFFFFD00;
	s13 =	simm.s32 @!p1 $0x600  }
0x148: {  	[tilespmem:s13], [sflag:$0x1] =	stream.indirect.gather @!p1 [hbm4b:s5+s16], $0x20, s17, s16, $0xb8;
	[tilespmem:$0x1EE00] =	vst v63  }
0x149: {  	s13 =	simm.s32 @!p1 $0x100;
	s17 =	simm.s32 @!p1 $0x1600  }
0x14a: {  	[tilespmem:s17], [sflag:$0x1] =	stream.indirect.gather @!p1 [hbm4b:s5+s16], $0x20, s13, s16, $0xb8;
	[tilespmem:$0x1EE00] =	vst v63  }
0x14b: {  	s13 =	simm.s32 @!p1 $0x200;
	s17 =	simm.s32 @!p1 $0x2600  }
0x14c: {  	[tilespmem:s17], [sflag:$0x1] =	stream.indirect.gather @!p1 [hbm4b:s5+s16], $0x20, s13, s16, $0xb8;
	[tilespmem:$0x1EE00] =	vst v63  }
0x14d: {  	_ =	swait.ge [sflag:s2], $0x1000  }
0x14e: {  	[sflag:s2] =	ssyncset.done $0x0  }
0x14f: {  	[sflag:s2] =	ssyncadd.s32 $0xFFFFF000  }
0x150: {  	_ =	swait.ge [sflag:s2], $0x1000  }
0x151: {  	[sflag:s2] =	ssyncset.done $0x0  }
0x152: {  	[sflag:s2] =	ssyncadd.s32 $0xFFFFF000  }
0x153: {  	_ =	swait.ge [sflag:s2], $0x1000  }
0x154: {  	[sflag:s2] =	ssyncset.done $0x0  }
0x155: {  	p6 =	por $0x0, $0x0;
	[sflag:s2] =	ssyncadd.s32 $0xFFFFF000  }
0x156: {  	[spmem:s3] =	stream.indirect.scatter.add.f32 [tilespmem:s25], [sflag:$0x4], $0x20, s20, s18, $0xb8;
	[tilespmem:$0x1EE00] =	vst v63  }
0x157: {  	s16 =	simm.s32 $0xC0;
	s17 =	simm.s32 $0x180;
	p1 =	por p6, p6  }
0x158: {  	[spmem:s3] =	stream.indirect.scatter.add.f32 [tilespmem:s28], [sflag:$0x4], $0x20, s22, s18, $0xb8;
	[tilespmem:$0x1EE00] =	vst v63  }
.LBB2_3:
0x159: {  	p3 =	seq.s32 s17, $0x0  }
0x15a: {  	s7 =	simm.s32 @!p1 $0x4;
	s13 =	smov.u32 s17;
	s17 =	sadd.s32 $0xC0, s17  }
0x15b: {  	[spmem:s3] =	stream.indirect.scatter.add.f32 [tilespmem:s30], [sflag:$0x4], $0x20, s8, s18, $0xb8;
	[tilespmem:$0x1EE00] =	vst v63  }
0x15c: {  	p2 =	seq.s32 s17, $0x3180;
	_ =	swait.ge @!p1 [sflag:s7], $0x1000  }
0x15d: {  	[sflag:s7] =	ssyncset.done @!p1 $0x0  }
0x15e: {  	[sflag:s7] =	ssyncadd.s32 @!p1 $0xFFFFF000  }
0x15f: {  	_ =	swait.ge @!p1 [sflag:s7], $0x1000  }
0x160: {  	[sflag:s7] =	ssyncset.done @!p1 $0x0  }
0x161: {  	[sflag:s7] =	ssyncadd.s32 @!p1 $0xFFFFF000  }
0x162: {  	_ =	swait.ge @!p1 [sflag:s7], $0x1000  }
0x163: {  	s10 =	sadd.s32 s16, s9;
	[sflag:s7] =	ssyncset.done @!p1 $0x0  }
0x164: {  	[sflag:s7] =	ssyncadd.s32 @!p1 $0xFFFFF000;
	s7 =	sadd.s32 $0x60, s10;
	p1 =	por p3, p3  }
0x165: {  	[tilespmem:s24], [sflag:$0x5] =	stream.linear.gather [hbm4b:s7+s4], $0x300, $0x38;
	[tilespmem:$0x1EE00] =	vst v63  }
0x166: {  	_ =	swait.ge [sflag:s14], $0x300  }
0x167: {  	[sflag:s14] =	ssyncset.done $0x0  }
0x168: {  	[sflag:s14] =	ssyncadd.s32 $0xFFFFFD00  }
0x169: {  	[tilespmem:s25], [sflag:$0x2] =	stream.indirect.gather [hbm4b:s5+s18], $0x20, s24, s18, $0xb8;
	[tilespmem:$0x1EE00] =	vst v63  }
0x16a: {  	_ = 	snop  }
0x16b: {  	[tilespmem:s28], [sflag:$0x2] =	stream.indirect.gather [hbm4b:s5+s18], $0x20, s26, s18, $0xb8;
	[tilespmem:$0x1EE00] =	vst v63  }
0x16c: {  	_ = 	snop  }
0x16d: {  	[tilespmem:s30], [sflag:$0x2] =	stream.indirect.gather [hbm4b:s5+s18], $0x20, s29, s18, $0xb8;
	[tilespmem:$0x1EE00] =	vst v63  }
0x16e: {  	_ =	swait.ge [sflag:s31], $0x1000  }
0x16f: {  	[sflag:s31] =	ssyncset.done $0x0  }
0x170: {  	[sflag:s31] =	ssyncadd.s32 $0xFFFFF000  }
0x171: {  	_ =	swait.ge [sflag:s31], $0x1000  }
0x172: {  	[sflag:s31] =	ssyncset.done $0x0  }
0x173: {  	[sflag:s31] =	ssyncadd.s32 $0xFFFFF000  }
0x174: {  	_ =	swait.ge [sflag:s31], $0x1000  }
0x175: {  	[sflag:s31] =	ssyncset.done $0x0  }
0x176: {  	[sflag:s31] =	ssyncadd.s32 $0xFFFFF000  }
0x177: {  	[spmem:s3] =	stream.indirect.scatter.add.f32 [tilespmem:s19], [sflag:$0x3], $0x20, s18, s18, $0xb8;
	[tilespmem:$0x1EE00] =	vst v63  }
0x178: {  	_ = 	snop  }
0x179: {  	[spmem:s3] =	stream.indirect.scatter.add.f32 [tilespmem:s21], [sflag:$0x3], $0x20, s0, s18, $0xb8;
	[tilespmem:$0x1EE00] =	vst v63  }
0x17a: {  	p3 =	seq.s32 s16, $0x30C0  }
0x17b: {  	[spmem:s3] =	stream.indirect.scatter.add.f32 [tilespmem:s23], [sflag:$0x3], $0x20, s1, s18, $0xb8;
	[tilespmem:$0x1EE00] =	vst v63  }
0x17c: {  	s7 =	simm.s32 @!p3 $0x3;
	s10 =	sadd.s32 @!p3 s16, s9;
	s16 =	smov.u32 s13  }
0x17d: {  	s10 =	sadd.s32 @!p3 $0xC0, s10;
	_ =	swait.ge @!p3 [sflag:s7], $0x1000  }
0x17e: {  	[sflag:s7] =	ssyncset.done @!p3 $0x0  }
0x17f: {  	[sflag:s7] =	ssyncadd.s32 @!p3 $0xFFFFF000  }
0x180: {  	_ =	swait.ge @!p3 [sflag:s7], $0x1000  }
0x181: {  	[sflag:s7] =	ssyncset.done @!p3 $0x0  }
0x182: {  	[sflag:s7] =	ssyncadd.s32 @!p3 $0xFFFFF000  }
0x183: {  	_ =	swait.ge @!p3 [sflag:s7], $0x1000  }
0x184: {  	s13 =	simm.s32 @!p3 $0x0;
	[sflag:s7] =	ssyncset.done @!p3 $0x0  }
0x185: {  	[sflag:s7] =	ssyncadd.s32 @!p3 $0xFFFFF000;
	s7 =	simm.s32 @!p3 $0x5  }
0x186: {  	[tilespmem:s13], [sflag:$0x5] =	stream.linear.gather @!p3 [hbm4b:s10+s13], $0x300, $0x38;
	[tilespmem:$0x1EE00] =	vst v63  }
0x187: {  	_ =	swait.ge @!p3 [sflag:s7], $0x300  }
0x188: {  	s11 =	simm.s32 @!p3 $0x600;
	s10 =	simm.s32 @!p3 $0x80;
	[sflag:s7] =	ssyncset.done @!p3 $0x0  }
0x189: {  	s12 =	simm.s32 @!p3 $0x1600;
	[sflag:s7] =	ssyncadd.s32 @!p3 $0xFFFFFD00;
	s7 =	simm.s32 @!p3 $0x100  }
0x18a: {  	[tilespmem:s11], [sflag:$0x1] =	stream.indirect.gather @!p3 [hbm4b:s5+s10], $0x20, s13, s10, $0xb8;
	[tilespmem:$0x1EE00] =	vst v63  }
0x18b: {  	s11 =	simm.s32 @!p3 $0x200;
	s13 =	simm.s32 @!p3 $0x2600  }
0x18c: {  	[tilespmem:s12], [sflag:$0x1] =	stream.indirect.gather @!p3 [hbm4b:s5+s10], $0x20, s7, s10, $0xb8;
	[tilespmem:$0x1EE00] =	vst v63  }
0x18d: {  	_ = 	snop  }
0x18e: {  	[tilespmem:s13], [sflag:$0x1] =	stream.indirect.gather @!p3 [hbm4b:s5+s10], $0x20, s11, s10, $0xb8;
	[tilespmem:$0x1EE00] =	vst v63  }
0x18f: {  	_ =	swait.ge [sflag:s2], $0x1000  }
0x190: {  	[sflag:s2] =	ssyncset.done $0x0  }
0x191: {  	[sflag:s2] =	ssyncadd.s32 $0xFFFFF000  }
0x192: {  	_ =	swait.ge [sflag:s2], $0x1000  }
0x193: {  	[sflag:s2] =	ssyncset.done $0x0  }
0x194: {  	[sflag:s2] =	ssyncadd.s32 $0xFFFFF000  }
0x195: {  	_ =	swait.ge [sflag:s2], $0x1000  }
.Ltmp5:
0x196: {  	[sflag:s2] =	ssyncset.done $0x0;
	(pc) =	sbr.rel @!p2 .LBB2_3-.Ltmp5, $4  }
0x197: {  	[sflag:s2] =	ssyncadd.s32 $0xFFFFF000  }
0x198: {  	[spmem:s3] =	stream.indirect.scatter.add.f32 [tilespmem:s25], [sflag:$0x4], $0x20, s20, s18, $0xb8;
	[tilespmem:$0x1EE00] =	vst v63  }
0x199: {  	_ = 	snop  }
0x19a: {  	[spmem:s3] =	stream.indirect.scatter.add.f32 [tilespmem:s28], [sflag:$0x4], $0x20, s22, s18, $0xb8;
	[tilespmem:$0x1EE00] =	vst v63  }
0x19b: {  	s7 =	simm.s32 @!p1 $0x4  }
0x19c: {  	[spmem:s3] =	stream.indirect.scatter.add.f32 [tilespmem:s30], [sflag:$0x4], $0x20, s8, s18, $0xb8;
	[tilespmem:$0x1EE00] =	vst v63  }
0x19d: {  	_ =	swait.ge @!p1 [sflag:s7], $0x1000  }
0x19e: {  	[sflag:s7] =	ssyncset.done @!p1 $0x0  }
0x19f: {  	[sflag:s7] =	ssyncadd.s32 @!p1 $0xFFFFF000  }
0x1a0: {  	_ =	swait.ge @!p1 [sflag:s7], $0x1000  }
0x1a1: {  	[sflag:s7] =	ssyncset.done @!p1 $0x0  }
0x1a2: {  	[sflag:s7] =	ssyncadd.s32 @!p1 $0xFFFFF000  }
0x1a3: {  	_ =	swait.ge @!p1 [sflag:s7], $0x1000  }
0x1a4: {  	s10 =	sadd.s32 s16, s9;
	[sflag:s7] =	ssyncset.done @!p1 $0x0  }
0x1a5: {  	s17 =	sadd.s32 $0x60, s10;
	[sflag:s7] =	ssyncadd.s32 @!p1 $0xFFFFF000  }
0x1a6: {  	[tilespmem:s24], [sflag:$0x5] =	stream.linear.gather [hbm4b:s17+s4], $0x300, $0x38;
	[tilespmem:$0x1EE00] =	vst v63  }
0x1a7: {  	_ =	swait.ge [sflag:s14], $0x300  }
0x1a8: {  	[sflag:s14] =	ssyncset.done $0x0  }
0x1a9: {  	[sflag:s14] =	ssyncadd.s32 $0xFFFFFD00  }
0x1aa: {  	[tilespmem:s25], [sflag:$0x2] =	stream.indirect.gather [hbm4b:s5+s18], $0x20, s24, s18, $0xb8;
	[tilespmem:$0x1EE00] =	vst v63  }
0x1ab: {  	_ = 	snop  }
0x1ac: {  	[tilespmem:s28], [sflag:$0x2] =	stream.indirect.gather [hbm4b:s5+s18], $0x20, s26, s18, $0xb8;
	[tilespmem:$0x1EE00] =	vst v63  }
0x1ad: {  	_ = 	snop  }
0x1ae: {  	[tilespmem:s30], [sflag:$0x2] =	stream.indirect.gather [hbm4b:s5+s18], $0x20, s29, s18, $0xb8;
	[tilespmem:$0x1EE00] =	vst v63  }
0x1af: {  	_ =	swait.ge [sflag:s31], $0x1000  }
0x1b0: {  	[sflag:s31] =	ssyncset.done $0x0  }
0x1b1: {  	[sflag:s31] =	ssyncadd.s32 $0xFFFFF000  }
0x1b2: {  	_ =	swait.ge [sflag:s31], $0x1000  }
0x1b3: {  	[sflag:s31] =	ssyncset.done $0x0  }
0x1b4: {  	[sflag:s31] =	ssyncadd.s32 $0xFFFFF000  }
0x1b5: {  	_ =	swait.ge [sflag:s31], $0x1000  }
0x1b6: {  	[sflag:s31] =	ssyncset.done $0x0  }
0x1b7: {  	[sflag:s31] =	ssyncadd.s32 $0xFFFFF000  }
0x1b8: {  	[spmem:s3] =	stream.indirect.scatter.add.f32 [tilespmem:s19], [sflag:$0x3], $0x20, s18, s18, $0xb8;
	[tilespmem:$0x1EE00] =	vst v63  }
0x1b9: {  	p1 =	seq.s32 s16, $0x30C0  }
0x1ba: {  	[spmem:s3] =	stream.indirect.scatter.add.f32 [tilespmem:s21], [sflag:$0x3], $0x20, s0, s18, $0xb8;
	[tilespmem:$0x1EE00] =	vst v63  }
0x1bb: {  	s7 =	simm.s32 @!p1 $0x3  }
0x1bc: {  	[spmem:s3] =	stream.indirect.scatter.add.f32 [tilespmem:s23], [sflag:$0x3], $0x20, s1, s18, $0xb8;
	[tilespmem:$0x1EE00] =	vst v63  }
0x1bd: {  	_ =	swait.ge @!p1 [sflag:s7], $0x1000  }
0x1be: {  	[sflag:s7] =	ssyncset.done @!p1 $0x0  }
0x1bf: {  	[sflag:s7] =	ssyncadd.s32 @!p1 $0xFFFFF000  }
0x1c0: {  	_ =	swait.ge @!p1 [sflag:s7], $0x1000  }
0x1c1: {  	[sflag:s7] =	ssyncset.done @!p1 $0x0  }
0x1c2: {  	[sflag:s7] =	ssyncadd.s32 @!p1 $0xFFFFF000  }
0x1c3: {  	_ =	swait.ge @!p1 [sflag:s7], $0x1000  }
0x1c4: {  	s10 =	sadd.s32 @!p1 s16, s9;
	s11 =	simm.s32 @!p1 $0x0;
	[sflag:s7] =	ssyncset.done @!p1 $0x0  }
0x1c5: {  	s10 =	sadd.s32 @!p1 $0xC0, s10;
	[sflag:s7] =	ssyncadd.s32 @!p1 $0xFFFFF000;
	s7 =	simm.s32 @!p1 $0x5  }
0x1c6: {  	[tilespmem:s11], [sflag:$0x5] =	stream.linear.gather @!p1 [hbm4b:s10+s11], $0x300, $0x38;
	[tilespmem:$0x1EE00] =	vst v63  }
0x1c7: {  	_ =	swait.ge @!p1 [sflag:s7], $0x300  }
0x1c8: {  	[sflag:s7] =	ssyncset.done @!p1 $0x0  }
0x1c9: {  	s10 =	simm.s32 @!p1 $0x80;
	[sflag:s7] =	ssyncadd.s32 @!p1 $0xFFFFFD00;
	s7 =	simm.s32 @!p1 $0x600  }
0x1ca: {  	[tilespmem:s7], [sflag:$0x1] =	stream.indirect.gather @!p1 [hbm4b:s5+s10], $0x20, s11, s10, $0xb8;
	[tilespmem:$0x1EE00] =	vst v63  }
0x1cb: {  	s7 =	simm.s32 @!p1 $0x100;
	s11 =	simm.s32 @!p1 $0x1600  }
0x1cc: {  	[tilespmem:s11], [sflag:$0x1] =	stream.indirect.gather @!p1 [hbm4b:s5+s10], $0x20, s7, s10, $0xb8;
	[tilespmem:$0x1EE00] =	vst v63  }
0x1cd: {  	s7 =	simm.s32 @!p1 $0x200;
	s11 =	simm.s32 @!p1 $0x2600  }
0x1ce: {  	[tilespmem:s11], [sflag:$0x1] =	stream.indirect.gather @!p1 [hbm4b:s5+s10], $0x20, s7, s10, $0xb8;
	[tilespmem:$0x1EE00] =	vst v63  }
0x1cf: {  	_ =	swait.ge [sflag:s2], $0x1000  }
0x1d0: {  	[sflag:s2] =	ssyncset.done $0x0  }
0x1d1: {  	[sflag:s2] =	ssyncadd.s32 $0xFFFFF000  }
0x1d2: {  	_ =	swait.ge [sflag:s2], $0x1000  }
0x1d3: {  	[sflag:s2] =	ssyncset.done $0x0  }
0x1d4: {  	[sflag:s2] =	ssyncadd.s32 $0xFFFFF000  }
0x1d5: {  	_ =	swait.ge [sflag:s2], $0x1000  }
0x1d6: {  	[sflag:s2] =	ssyncset.done $0x0  }
0x1d7: {  	[sflag:s2] =	ssyncadd.s32 $0xFFFFF000  }
0x1d8: {  	[spmem:s3] =	stream.indirect.scatter.add.f32 [tilespmem:s25], [sflag:$0x4], $0x20, s20, s18, $0xb8;
	[tilespmem:$0x1EE00] =	vst v63  }
.Ltmp6:
0x1d9: {  	_ = 	snop;
	(pc) =	sbr.rel .LBB2_8-.Ltmp6, $4  }
0x1da: {  	_ = 	snop  }
0x1db: {  	[spmem:s3] =	stream.indirect.scatter.add.f32 [tilespmem:s28], [sflag:$0x4], $0x20, s22, s18, $0xb8;
	[tilespmem:$0x1EE00] =	vst v63  }
0x1dc: {  	s13 =	rddreg [dreg:$0x1]  }
0x1dd: {  	[spmem:s3] =	stream.indirect.scatter.add.f32 [tilespmem:s30], [sflag:$0x4], $0x20, s8, s18, $0xb8;
	[tilespmem:$0x1EE00] =	vst v63  }
.LBB2_9:
0x1de: {  	_ =	sfence.sel $0x180000  }
0x1df: {  	[bflag:$0x0] =	sbarrier.arrive $0xFFFF  }
0x1e0: {  	_ =	strace $0x9000004A  }
0x1e1: {  	s0 =	stileid.u32;
	[bflag:$0x2] =	sbarrier.arrive $0xFFFF  }
0x1e2: {  	p0 =	sne.s32 s0, $0x0;
	s0 =	rddreg [dreg:$0x3]  }
0x1e3: {  	s0 =	sadd.s32 @!p0 $0x100000, s0  }
0x1e4: {  	[sflag:s0] =	ssyncadd.tile.s32 @!p0 $0x1;
	_ =	shalt  }
.Lfunc_end2:
_tile_overlayer_lowered:
.L_overlay_start_2:
0x1e5: {  	(tag) =	ssettag $0x2  }
0x1e6: {  	s0 =	rddreg [dreg:$0x0];
	s2 =	stileid.u32  }
0x1e7: {  	s1 =	rddreg [dreg:$0x1];
	p0 =	sne.s32 s2, $0x0  }
0x1e8: {  	s3 =	rddreg [dreg:$0x2];
	[bflag:$0x3] =	sbarrier.arrive $0xFFFF;
	s2 =	simm.s32 @!p0 $0x1C05  }
0x1e9: {  	[timem:s3], [sflag:s2] =	dma.local @!p0 [hbm:s0], s1  }
0x1ea: {  	s0 =	simm.s32 @!p0 $0x5  }
0x1eb: {  	_ =	swait.ge @!p0 [sflag:s0], s1  }
0x1ec: {  	s1 =	ssub.s32 @!p0 $0x0, s1;
	[sflag:s0] =	ssyncset.done @!p0 $0x0  }
0x1ed: {  	[sflag:s0] =	ssyncadd.s32 @!p0 s1  }
0x1ee: {  	[bflag:$0x3] =	sbarrier.arrive $0xFFFF  }
0x1ef: {  	_ =	shalt  }

// kernel: kernel.7.cloned.1.call-start
scs
__scs_entry_jumppad:
0x0: {  	(pc) =	sbr.rel $0x88, $3  }
0x1: {  	(tag) =	ssettag $0x0;
	lr =	simm.s32 $0x1  }
0x2: {  	[smem:$0x3F99] =	sst lr;
	_ =	strace $0xD0000000  }
0x3: {  	_ = 	snop  }
0x4: {  	_ = 	snop  }
0x5: {  	_ = 	snop  }
0x6: {  	_ = 	snop  }
0x7: {  	_ = 	snop  }
__scs_overlays_trampoline_lowered:
0x8: {  	[smem:$0x3FA8] =	sst s0  }
0x9: {  	[smem:$0x3FA9] =	sst s1  }
0xa: {  	[smem:$0x3FAA] =	sst s2  }
0xb: {  	[smem:$0x3FAB] =	sst s3  }
0xc: {  	[smem:$0x3FAC] =	sst s4  }
0xd: {  	[smem:$0x3FAD] =	sst s5  }
0xe: {  	[smem:$0x3FAE] =	sst s6  }
0xf: {  	[smem:$0x3FAF] =	sst s7  }
0x10: {  	[smem:$0x3FB0] =	sst s8  }
0x11: {  	[smem:$0x3FB1] =	sst s9;
	s0 =	simm.s32 @!p0 $0x0  }
0x12: {  	s1 =	sld [smem:$0x3F97];
	s0 =	simm.s32 @p0 $0x1  }
0x13: {  	[smem:$0x3FB2] =	sst s0;
	s0 =	simm.s32 @!p1 $0x0  }
0x14: {  	s2 =	sld [smem:$0x3F96];
	s0 =	simm.s32 @p1 $0x1  }
0x15: {  	[smem:$0x3FB3] =	sst s0;
	s0 =	simm.s32 @!p2 $0x0  }
0x16: {  	s3 =	sld [smem:$0x3FDB];
	s0 =	simm.s32 @p2 $0x1  }
0x17: {  	s4 =	simm.s32 $0x1BF5;
	[smem:$0x3FB5] =	sst s0  }
0x18: {  	s0 =	sld [smem:$0x3F98];
	_ =	swait.ge [sflag:s4], $0x0  }
0x19: {  	s7 =	sld [smem:$0x3F99]  }
0x1a: {  	s8 =	sadd.s32 $0xFFFFE003, lr  }
0x1b: {  	s9 =	sadd.s32 $0xFFFFFEF7, lr;
	s5 =	simm.s32 $0xFFFFFFFF;
	p2 =	slt.u32 s8, $0xFFFFF086  }
0x1c: {  	p1 =	slt.u32 s9, $0xF7A;
	s5 =	simm.s32 @!p2 $0x0  }
0x1d: {  	s5 =	simm.s32 @p1 $0x1;
	p0 =	seq.s32 s7, s2  }
0x1e: {  	s7 =	smul.u32 @!p0 $0xF7A, s2;
	p2 =	seq.s32 @!p0 s5, $0x0  }
0x1f: {  	s9 =	smul.u32 $0xF7A, s1;
	s8 =	simm.s32 @!p0 $0x1BF5;
	p2 =	por !p2, p0  }
0x20: {  	[sflag:s8] =	ssyncset.s32 @!p0 $0xFFFFF086;
	s6 =	sadd.s32 @!p0 s3, s7;
	s7 =	simm.s32 @!p0 $0x108  }
0x21: {  	s3 =	sadd.s32 s3, s9;
	s6 =	sadd.s32 @!p0 $0x88, s6;
	s7 =	simm.s32 @p2 $0x1082  }
0x22: {  	[simem:s7], [sflag:s8] =	dma.local @!p0 [hbm:s6], $0xF7A  }
0x23: {  	s9 =	sor.u32 $0xD0000000, s2;
	s6 =	simm.s32 $0x108;
	_ =	swait.ge @!p0 [sflag:s8], $0x0  }
0x24: {  	s3 =	sadd.s32 $0x88, s3;
	s6 =	simm.s32 @!p1 $0x1082;
	[sflag:s4] =	ssyncset.s32 $0xFFFFF086  }
0x25: {  	[simem:s6], [sflag:s4] =	dma.local [hbm:s3], $0xF7A  }
0x26: {  	[smem:$0x3F99] =	sst s1;
	(tag) =	ssettag s2;
	_ =	strace s9  }
0x27: {  	s1 =	sld [smem:$0x3FA9]  }
0x28: {  	s2 =	sld [smem:$0x3FAA]  }
0x29: {  	s4 =	sld [smem:$0x3FAC]  }
0x2a: {  	p0 =	seq.s32 s5, $0x0;
	s5 =	sld [smem:$0x3FAD]  }
0x2b: {  	s6 =	sld [smem:$0x3FAE]  }
0x2c: {  	s7 =	sld [smem:$0x3FAF]  }
0x2d: {  	s3 =	simm.s32 $0x108;
	s8 =	sld [smem:$0x3FB0]  }
0x2e: {  	s3 =	simm.s32 @!p0 $0x1082;
	s9 =	sld [smem:$0x3FB1]  }
0x2f: {  	lr =	sadd.s32 s0, s3;
	s0 =	sld [smem:$0x3FA8]  }
0x30: {  	s3 =	sld [smem:$0x3FAB]  }
0x31: {  	[smem:$0x3FB4] =	sst s10  }
0x32: {  	s10 =	sld [smem:$0x3FB2];
	_ =	sdelay $0x3  }
0x33: {  	p0 =	seq.s32 s10, $0x1;
	s10 =	sld [smem:$0x3FB4];
	_ =	sdelay $0x3  }
0x34: {  	[smem:$0x3FB4] =	sst s10  }
0x35: {  	s10 =	sld [smem:$0x3FB3];
	_ =	sdelay $0x3  }
0x36: {  	p1 =	seq.s32 s10, $0x1;
	s10 =	sld [smem:$0x3FB4];
	_ =	sdelay $0x3  }
0x37: {  	[smem:$0x3FB4] =	sst s10  }
0x38: {  	s10 =	sld [smem:$0x3FB5]  }
0x39: {  	_ = 	snop;
	(pc) =	sbr.ind lr, $3  }
0x3a: {  	_ = 	snop  }
0x3b: {  	_ = 	snop  }
0x3c: {  	p2 =	seq.s32 s10, $0x1;
	s10 =	sld [smem:$0x3FB4]  }
0x3d: {  	_ =	shalt  }
0x3e: {  	_ =	shalt  }
0x3f: {  	_ =	shalt  }
0x40: {  	_ =	shalt  }
0x41: {  	_ =	shalt  }
0x42: {  	_ =	shalt  }
0x43: {  	_ =	shalt  }
0x44: {  	_ =	shalt  }
0x45: {  	_ =	shalt  }
0x46: {  	_ =	shalt  }
0x47: {  	_ =	shalt  }
0x48: {  	_ =	shalt  }
0x49: {  	_ =	shalt  }
0x4a: {  	_ =	shalt  }
0x4b: {  	_ =	shalt  }
0x4c: {  	_ =	shalt  }
0x4d: {  	_ =	shalt  }
0x4e: {  	_ =	shalt  }
0x4f: {  	_ =	shalt  }
0x50: {  	_ =	shalt  }
0x51: {  	_ =	shalt  }
0x52: {  	_ =	shalt  }
0x53: {  	_ =	shalt  }
0x54: {  	_ =	shalt  }
0x55: {  	_ =	shalt  }
0x56: {  	_ =	shalt  }
0x57: {  	_ =	shalt  }
0x58: {  	_ =	shalt  }
0x59: {  	_ =	shalt  }
0x5a: {  	_ =	shalt  }
0x5b: {  	_ =	shalt  }
0x5c: {  	_ =	shalt  }
0x5d: {  	_ =	shalt  }
0x5e: {  	_ =	shalt  }
0x5f: {  	_ =	shalt  }
0x60: {  	_ =	shalt  }
0x61: {  	_ =	shalt  }
0x62: {  	_ =	shalt  }
0x63: {  	_ =	shalt  }
0x64: {  	_ =	shalt  }
0x65: {  	_ =	shalt  }
0x66: {  	_ =	shalt  }
0x67: {  	_ =	shalt  }
0x68: {  	_ =	shalt  }
0x69: {  	_ =	shalt  }
0x6a: {  	_ =	shalt  }
0x6b: {  	_ =	shalt  }
0x6c: {  	_ =	shalt  }
0x6d: {  	_ =	shalt  }
0x6e: {  	_ =	shalt  }
0x6f: {  	_ =	shalt  }
0x70: {  	_ =	shalt  }
0x71: {  	_ =	shalt  }
0x72: {  	_ =	shalt  }
0x73: {  	_ =	shalt  }
0x74: {  	_ =	shalt  }
0x75: {  	_ =	shalt  }
0x76: {  	_ =	shalt  }
0x77: {  	_ =	shalt  }
0x78: {  	_ =	shalt  }
0x79: {  	_ =	shalt  }
0x7a: {  	_ =	shalt  }
0x7b: {  	_ =	shalt  }
0x7c: {  	_ =	shalt  }
0x7d: {  	_ =	shalt  }
0x7e: {  	_ =	shalt  }
0x7f: {  	_ =	shalt  }
0x80: {  	_ =	shalt  }
0x81: {  	_ =	shalt  }
0x82: {  	_ =	shalt  }
0x83: {  	_ =	shalt  }
0x84: {  	_ =	shalt  }
0x85: {  	_ =	shalt  }
0x86: {  	_ =	shalt  }
0x87: {  	_ =	shalt  }
.Lfunc_end0:
.L_simem_size_0:
called_computation_lowered:
.L_overlay_start_0:
0x88: {  	s2 =	sld [smem:$0x3FD9]  }
0x89: {  	s3 =	sld [smem:$0x3FFE];
	_ =	sdelay $0x1  }
0x8a: {  	s1 =	srdreg.scid  }
0x8b: {  	s0 =	sand.u32 $0x1, s1  }
0x8c: {  	s17 =	sshll.u32 s0, $0xA;
	s2 =	sadd.s32 s3, s2  }
0x8d: {  	s2 =	sadd.s32 s2, s17  }
0x8e: {  	[smem:$0x3FC0] =	sst s2  }
0x8f: {  	_ = 	snop  }
0x90: {  	s2 =	sld [smem:$0x3FD0];
	(tm) =	ssettm $0x1  }
0x91: {  	s18 =	sld [smem:$0x3FFB];
	_ =	sdelay $0x3  }
0x92: {  	_ =	strace s18  }
0x93: {  	s3 =	sld [smem:$0x3FFC];
	_ =	sdelay $0x3  }
0x94: {  	_ =	strace s3  }
0x95: {  	s3 =	sld [smem:$0x3FFD];
	_ =	sdelay $0x3  }
0x96: {  	_ =	strace s3  }
0x97: {  	_ =	strace $0x8FFFFFFF  }
0x98: {  	s19 =	sld [smem:$0x3FDB];
	_ =	sdelay $0x1  }
0x99: {  	s4 =	simm.s32 $_scs_section_size  }
0x9a: {  	s5 =	simm.s32 $_size__tile_overlayer_lowered;
	s6 =	simm.s32 $_tile_overlayer_lowered  }
0x9b: {  	s22 =	simm.s32 $0x1BFF;
	s21 =	sshll.u32 s6, $0x1;
	s3 =	sadd.s32 s4, s19  }
0x9c: {  	s7 =	simm.s32 $0x0;
	s20 =	sshll.u32 s5, $0x1;
	s5 =	sadd.s32 s21, s3  }
0x9d: {  	[timem:s7], [sflag:s22] =	dma.local [hbm:s5], s20  }
0x9e: {  	_ =	swait.ge [sflag:s22], s20  }
0x9f: {  	s4 =	ssub.s32 $0x0, s20;
	[sflag:s22] =	ssyncset.done $0x0  }
0xa0: {  	[sflag:s22] =	ssyncadd.s32 s4;
	_ =	sdelay $0x1  }
0xa1: {  	s23 =	simm.s32 $0x1B8B  }
0xa2: {  	_ =	swait.ge [sflag:s23], $0x1  }
0xa3: {  	[sflag:s23] =	ssyncset.done $0x0  }
0xa4: {  	s25 =	simm.s32 $0x1B8E;
	s24 =	sld [smem:$0x3FFE];
	[sflag:s23] =	ssyncadd.s32 $0xFFFFFFFF  }
0xa5: {  	s26 =	simm.s32 $execute0_lowered;
	[smem:$0x3FD2] =	sst s25  }
0xa6: {  	s5 =	sshll.u32 s26, $0x1;
	_ =	strace $0x80000046;
	[dreg:$0x1] =	wrdreg $0xFFFFFFFF  }
0xa7: {  	s28 =	simm.s32 $_size_execute0_lowered;
	s3 =	sadd.s32 s3, s5;
	[dreg:$0x0] =	wrdreg $0x0  }
0xa8: {  	s5 =	sshll.u32 s28, $0x1;
	[dreg:$0x2] =	wrdreg s3  }
0xa9: {  	[dreg:$0x3] =	wrdreg s5  }
0xaa: {  	[dreg:$0x4] =	wrdreg $0xC0  }
0xab: {  	_ =	task [dreg:s7], $0x5FFFF  }
0xac: {  	[dreg:$0x1] =	wrdreg $0xFFFFFFFF  }
0xad: {  	[dreg:$0x0] =	wrdreg $0x60  }
0xae: {  	[dreg:$0x2] =	wrdreg s2  }
0xaf: {  	[dreg:$0x3] =	wrdreg s24  }
0xb0: {  	[dreg:$0x4] =	wrdreg $0xB000  }
0xb1: {  	[dreg:$0x5] =	wrdreg $0x9  }
0xb2: {  	_ =	task.clear_ibuf [dreg:s7], $0x6FFFF;
	_ =	strace $0x90000046  }
0xb3: {  	s29 =	simm.s32 $0x9;
	_ =	strace $0x80000048  }
0xb4: {  	_ =	swait.ge [sflag:s29], $0x1  }
0xb5: {  	[sflag:s29] =	ssyncadd.s32 $0xFFFFFFFF  }
0xb6: {  	_ =	strace $0x90000048  }
0xb7: {  	_ =	sfence  }
0xb8: {  	s30 =	sld [smem:$0x0];
	_ =	sdelay $0x2  }
0xb9: {  	s31 =	sshll.u32 s1, $0xD;
	s1 =	sshrl.u32 s1, $0x2  }
0xba: {  	s3 =	sand.u32 $0x4000, s31;
	s1 =	sadd.s32 s1, s30  }
0xbb: {  	s0 =	sor.u32 s3, s0;
	s1 =	sshll.u32 s1, $0x11  }
0xbc: {  	s0 =	sor.u32 s1, s0  }
0xbd: {  	s0 =	sadd.s32 $0x8F2B, s0  }
0xbe: {  	[sflag:s0] =	ssyncadd.remote.s32 $0x1  }
0xbf: {  	_ =	sfence.sel $0xFFFF  }
0xc0: {  	[dreg:$0x0] =	wrdreg $0xFFFFFFFF;
	(pc) =	sbr.abs _section_cstart, $3  }
0xc1: {  	[dreg:$0x1] =	wrdreg $0xFFFFFFFF  }
0xc2: {  	_ =	task.clear_ibuf [dreg:s7], $0x2FFFF;
	_ =	strace $0x9FFFFFFF  }
0xc3: {  	(tm) =	ssettm $0x7FFFFFFF  }
tec
execute0_lowered:
.L_overlay_start_1:
0x0: {  	(tag) =	ssettag $0x1  }
0x1: {  	s0 =	rddreg [dreg:$0x0]  }
0x2: {  	s3 =	rddreg [dreg:$0x1]  }
0x3: {  	s1 =	rddreg [dreg:$0x2];
	s2 =	simm.s32 $0x0;
	s6 =	srdreg.scid  }
0x4: {  	s7 =	stileid.u32;
	s18 =	simm.s32 $0x3;
	s28 =	simm.s32 $0x280  }
0x5: {  	s29 =	simm.s32 $0x1;
	s30 =	simm.s32 $0x2;
	s31 =	simm.s32 $0x0  }
0x6: {  	[smem:$0x7FF] =	sst s2;
	s16 =	sadd.s32 $0x2400, s3;
	s4 =	sadd.s32 $0x1B000, s3  }
0x7: {  	s5 =	sadd.s32 $0x1B200, s3;
	s8 =	sand.u32 $0x1, s6;
	s9 =	smul.u32 $0x31000, s7  }
0x8: {  	s22 =	sadd.s32 $0x1BA00, s3;
	s3 =	sadd.s32 $0x34200, s3;
	s11 =	smul.u32 $0xC400, s7  }
0x9: {  	s14 =	smul.u32 $0x18C0, s7;
	_ =	strace $0x80000047;
	[dreg:$0x4] =	wrdreg s22  }
0xa: {  	s26 =	sshll.u32 s7, $0x6;
	[dreg:$0x5] =	wrdreg s3;
	s23 =	ssub.s32 $0x2, s8  }
0xb: {  	p0 =	seq.s32 s8, $0x1;
	s17 =	sor.u32 $0x1C03, s26;
	s22 =	simm.s32 $0x300  }
0xc: {  	s26 =	simm.s32 $0x200;
	s10 =	sshrl.u32 s23, $0x1;
	s9 =	sshrl.u32 s9, $0x2  }
0xd: {  	s8 =	sadd.s32 s11, s1;
	s15 =	sor.u32 $0x30, s14;
	s25 =	sadd.s32 $0x60, s14  }
0xe: {  	s3 =	ssub.s32 s23, s10;
	s9 =	sadd.s32 s9, s1;
	s10 =	sshrl.u32 s11, $0x3  }
0xf: {  	s11 =	sadd.s32 s16, s14;
	s24 =	sadd.s32 s0, s15;
	s15 =	sadd.s32 s16, s15  }
.Ltmp0:
0x10: {  	s16 =	sadd.s32 s16, s25;
	s23 =	simm.s32 $0x80;
	(pc) =	sbr.rel .LBB2_1-.Ltmp0, $4  }
0x11: {  	s19 =	sadd.s32 $0x3100, s9;
	s20 =	sadd.s32 $0x6200, s9;
	s21 =	sadd.s32 $0x9300, s9  }
0x12: {  	s9 =	sadd.s32 s0, s14;
	s12 =	smax.u32 s3, $0x1;
	[dreg:$0x6] =	wrdreg s24  }
0x13: {  	s14 =	sadd.s32 s0, s25;
	s24 =	simm.s32 $0x100;
	s25 =	simm.s32 $0x180  }
0x14: {  	s19 =	sshrl.u32 s19, $0x3;
	s20 =	sshrl.u32 s20, $0x3;
	s21 =	sshrl.u32 s21, $0x3  }
.LBB2_4:
0x15: {  	s3 =	rddreg [dreg:$0x4]  }
0x16: {  	s3 =	smov.u32 @p1 s3  }
.LBB2_8:
0x17: {  	_ =	swait.ge [sflag:s29], $0x800  }
0x18: {  	[sflag:s29] =	ssyncset.done $0x0  }
0x19: {  	[sflag:s29] =	ssyncadd.s32 $0xFFFFF800  }
0x1a: {  	_ =	swait.ge [sflag:s29], $0x800  }
0x1b: {  	[sflag:s29] =	ssyncset.done $0x0  }
0x1c: {  	[sflag:s29] =	ssyncadd.s32 $0xFFFFF800  }
0x1d: {  	_ =	swait.ge [sflag:s29], $0x800  }
0x1e: {  	[sflag:s29] =	ssyncset.done $0x0  }
0x1f: {  	[sflag:s29] =	ssyncadd.s32 $0xFFFFF800  }
0x20: {  	_ =	swait.ge [sflag:s30], $0x800  }
0x21: {  	[sflag:s30] =	ssyncset.done $0x0  }
0x22: {  	[sflag:s30] =	ssyncadd.s32 $0xFFFFF800  }
0x23: {  	_ =	swait.ge [sflag:s30], $0x800  }
0x24: {  	[sflag:s30] =	ssyncset.done $0x0  }
0x25: {  	[sflag:s30] =	ssyncadd.s32 $0xFFFFF800  }
0x26: {  	_ =	swait.ge [sflag:s30], $0x800  }
0x27: {  	s31 =	sadd.s32 $0x1, s31;
	[sflag:s30] =	ssyncset.done $0x0  }
0x28: {  	p1 =	sne.s32 s31, s12;
	[sflag:s30] =	ssyncadd.s32 $0xFFFFF800  }
.Ltmp1:
0x29: {  	s3 =	sadd.s32 s3, s10;
	[bflag:$0x0] =	sbarrier.arrive $0xFFFF;
	(pc) =	sbr.rel @!p1 .LBB2_9-.Ltmp1, $4  }
0x2a: {  	[hbm:s3], [sflag:s17] =	dma.local [spmem:s0], $0x1880  }
0x2b: {  	_ =	swait.ge [sflag:s18], $0x1880  }
0x2c: {  	[sflag:s18] =	ssyncset.done $0x0  }
0x2d: {  	[sflag:s18] =	ssyncadd.s32 $0xFFFFE780  }
.LBB2_1:
0x2e: {  	s0 =	sshrl.u32 s8, $0x3  }
0x2f: {  	[spmem:s0], [sflag:s17] =	dma.local [hbm:s5], $0x620  }
0x30: {  	_ =	swait.ge [sflag:s18], $0x620  }
0x31: {  	[sflag:s18] =	ssyncset.done $0x0  }
0x32: {  	[sflag:s18] =	ssyncadd.s32 $0xFFFFF9E0  }
0x33: {  	[spmem:s19], [sflag:s17] =	dma.local [hbm:s5], $0x620  }
0x34: {  	_ =	swait.ge [sflag:s18], $0x620  }
0x35: {  	[sflag:s18] =	ssyncset.done $0x0  }
0x36: {  	[sflag:s18] =	ssyncadd.s32 $0xFFFFF9E0  }
0x37: {  	[spmem:s20], [sflag:s17] =	dma.local [hbm:s5], $0x620  }
0x38: {  	_ =	swait.ge [sflag:s18], $0x620  }
0x39: {  	[sflag:s18] =	ssyncset.done $0x0  }
0x3a: {  	[sflag:s18] =	ssyncadd.s32 $0xFFFFF9E0  }
0x3b: {  	[spmem:s21], [sflag:s17] =	dma.local [hbm:s5], $0x620  }
0x3c: {  	_ =	swait.ge [sflag:s18], $0x620  }
0x3d: {  	[sflag:s18] =	ssyncset.done $0x0  }
0x3e: {  	[sflag:s18] =	ssyncadd.s32 $0xFFFFF9E0  }
0x3f: {  	[tilespmem:s22], [sflag:$0x3] =	stream.linear.gather [hbm4b:s4+s2], $0x800, $0x38;
	[tilespmem:$0xCF00] =	vst v63  }
.Ltmp2:
0x40: {  	_ =	swait.ge [sflag:s18], $0x800;
	(pc) =	sbr.rel @!p0 .LBB2_2-.Ltmp2, $3  }
0x41: {  	[sflag:s18] =	ssyncset.done $0x0  }
0x42: {  	[sflag:s18] =	ssyncadd.s32 $0xFFFFF800  }
0x43: {  	[bflag:$0x0] =	sbarrier.arrive $0xFFFF;
	_ =	sdelay $0x1  }
0x44: {  	[tilespmem:s2], [sflag:$0x3] =	stream.linear.gather [hbm4b:s11+s2], $0x180, $0x38;
	[tilespmem:$0xCF00] =	vst v63  }
0x45: {  	_ =	swait.ge [sflag:s18], $0x180  }
0x46: {  	[sflag:s18] =	ssyncset.done $0x0  }
0x47: {  	[sflag:s18] =	ssyncadd.s32 $0xFFFFFE80  }
0x48: {  	[spmem:s1] =	stream.indirect.scatter.add.f32 [tilespmem:s22], [sflag:$0x1], $0x10, s2, s23, $0xb8;
	[tilespmem:$0xCF00] =	vst v63  }
0x49: {  	_ = 	snop  }
0x4a: {  	[spmem:s1] =	stream.indirect.scatter.add.f32 [tilespmem:s22], [sflag:$0x1], $0x10, s23, s23, $0xb8;
	[tilespmem:$0xCF00] =	vst v63  }
0x4b: {  	_ = 	snop  }
0x4c: {  	[spmem:s1] =	stream.indirect.scatter.add.f32 [tilespmem:s22], [sflag:$0x1], $0x10, s24, s23, $0xb8;
	[tilespmem:$0xCF00] =	vst v63  }
0x4d: {  	_ = 	snop  }
0x4e: {  	[tilespmem:s25], [sflag:$0x3] =	stream.linear.gather [hbm4b:s15+s2], $0x180, $0x38;
	[tilespmem:$0xCF00] =	vst v63  }
0x4f: {  	_ =	swait.ge [sflag:s18], $0x180  }
0x50: {  	[sflag:s18] =	ssyncset.done $0x0  }
0x51: {  	[sflag:s18] =	ssyncadd.s32 $0xFFFFFE80  }
0x52: {  	[spmem:s1] =	stream.indirect.scatter.add.f32 [tilespmem:s22], [sflag:$0x2], $0x10, s25, s23, $0xb8;
	[tilespmem:$0xCF00] =	vst v63  }
0x53: {  	_ = 	snop  }
0x54: {  	[spmem:s1] =	stream.indirect.scatter.add.f32 [tilespmem:s22], [sflag:$0x2], $0x10, s26, s23, $0xb8;
	[tilespmem:$0xCF00] =	vst v63  }
0x55: {  	_ = 	snop  }
0x56: {  	[spmem:s1] =	stream.indirect.scatter.add.f32 [tilespmem:s22], [sflag:$0x2], $0x10, s28, s23, $0xb8;
	[tilespmem:$0xCF00] =	vst v63  }
0x57: {  	_ =	swait.ge [sflag:s29], $0x800  }
0x58: {  	[sflag:s29] =	ssyncset.done $0x0  }
0x59: {  	[sflag:s29] =	ssyncadd.s32 $0xFFFFF800  }
0x5a: {  	_ =	swait.ge [sflag:s29], $0x800  }
0x5b: {  	[sflag:s29] =	ssyncset.done $0x0  }
0x5c: {  	[sflag:s29] =	ssyncadd.s32 $0xFFFFF800  }
0x5d: {  	_ =	swait.ge [sflag:s29], $0x800  }
0x5e: {  	[sflag:s29] =	ssyncset.done $0x0  }
0x5f: {  	[sflag:s29] =	ssyncadd.s32 $0xFFFFF800  }
0x60: {  	[tilespmem:s2], [sflag:$0x3] =	stream.linear.gather [hbm4b:s16+s2], $0x180, $0x38;
	[tilespmem:$0xCF00] =	vst v63  }
0x61: {  	_ =	swait.ge [sflag:s18], $0x180  }
0x62: {  	[sflag:s18] =	ssyncset.done $0x0  }
0x63: {  	[sflag:s18] =	ssyncadd.s32 $0xFFFFFE80  }
0x64: {  	[spmem:s1] =	stream.indirect.scatter.add.f32 [tilespmem:s22], [sflag:$0x1], $0x10, s2, s23, $0xb8;
	[tilespmem:$0xCF00] =	vst v63  }
0x65: {  	_ = 	snop  }
0x66: {  	[spmem:s1] =	stream.indirect.scatter.add.f32 [tilespmem:s22], [sflag:$0x1], $0x10, s23, s23, $0xb8;
	[tilespmem:$0xCF00] =	vst v63  }
0x67: {  	s3 =	simm.s32 $0xFFFFE7A0  }
0x68: {  	[spmem:s1] =	stream.indirect.scatter.add.f32 [tilespmem:s22], [sflag:$0x1], $0x10, s24, s23, $0xb8;
	[tilespmem:$0xCF00] =	vst v63  }
.LBB2_6:
0x69: {  	_ =	swait.ge [sflag:s30], $0x800  }
0x6a: {  	[sflag:s30] =	ssyncset.done $0x0  }
0x6b: {  	[sflag:s30] =	ssyncadd.s32 $0xFFFFF800  }
0x6c: {  	_ =	swait.ge [sflag:s30], $0x800  }
0x6d: {  	[sflag:s30] =	ssyncset.done $0x0  }
0x6e: {  	[sflag:s30] =	ssyncadd.s32 $0xFFFFF800  }
0x6f: {  	_ =	swait.ge [sflag:s30], $0x800  }
0x70: {  	s6 =	sadd.s32 s3, s11;
	[sflag:s30] =	ssyncset.done $0x0  }
0x71: {  	s6 =	sadd.s32 $0x18F0, s6;
	[sflag:s30] =	ssyncadd.s32 $0xFFFFF800  }
0x72: {  	[tilespmem:s25], [sflag:$0x3] =	stream.linear.gather [hbm4b:s6+s2], $0x180, $0x38;
	[tilespmem:$0xCF00] =	vst v63  }
0x73: {  	_ =	swait.ge [sflag:s18], $0x180  }
0x74: {  	[sflag:s18] =	ssyncset.done $0x0  }
0x75: {  	[sflag:s18] =	ssyncadd.s32 $0xFFFFFE80  }
0x76: {  	[spmem:s1] =	stream.indirect.scatter.add.f32 [tilespmem:s22], [sflag:$0x2], $0x10, s25, s23, $0xb8;
	[tilespmem:$0xCF00] =	vst v63  }
0x77: {  	p1 =	seq.s32 s3, $0xFFFFFFA0  }
0x78: {  	[spmem:s1] =	stream.indirect.scatter.add.f32 [tilespmem:s22], [sflag:$0x2], $0x10, s26, s23, $0xb8;
	[tilespmem:$0xCF00] =	vst v63  }
0x79: {  	s6 =	simm.s32 @!p1 $0x1  }
0x7a: {  	[spmem:s1] =	stream.indirect.scatter.add.f32 [tilespmem:s22], [sflag:$0x2], $0x10, s28, s23, $0xb8;
	[tilespmem:$0xCF00] =	vst v63  }
0x7b: {  	_ =	swait.ge @!p1 [sflag:s6], $0x800  }
0x7c: {  	[sflag:s6] =	ssyncset.done @!p1 $0x0  }
0x7d: {  	[sflag:s6] =	ssyncadd.s32 @!p1 $0xFFFFF800  }
0x7e: {  	_ =	swait.ge @!p1 [sflag:s6], $0x800  }
0x7f: {  	[sflag:s6] =	ssyncset.done @!p1 $0x0  }
0x80: {  	[sflag:s6] =	ssyncadd.s32 @!p1 $0xFFFFF800  }
0x81: {  	_ =	swait.ge @!p1 [sflag:s6], $0x800  }
0x82: {  	s7 =	sadd.s32 @!p1 s3, s11;
	[sflag:s6] =	ssyncset.done @!p1 $0x0  }
0x83: {  	[sflag:s6] =	ssyncadd.s32 @!p1 $0xFFFFF800;
	s6 =	sadd.s32 @!p1 $0x1920, s7;
	s7 =	simm.s32 @!p1 $0x0  }
0x84: {  	[tilespmem:s7], [sflag:$0x3] =	stream.linear.gather @!p1 [hbm4b:s6+s7], $0x180, $0x38;
	[tilespmem:$0xCF00] =	vst v63  }
0x85: {  	s6 =	simm.s32 @!p1 $0x3  }
0x86: {  	s3 =	sadd.s32 @!p1 $0x60, s3;
	_ =	swait.ge @!p1 [sflag:s6], $0x180  }
0x87: {  	s13 =	simm.s32 @!p1 $0x300;
	p2 =	sne.s32 @!p1 s3, $0x0;
	[sflag:s6] =	ssyncset.done @!p1 $0x0  }
0x88: {  	p2 =	por p1, !p2;
	[sflag:s6] =	ssyncadd.s32 @!p1 $0xFFFFFE80;
	s6 =	simm.s32 @!p1 $0x80  }
0x89: {  	[spmem:s1] =	stream.indirect.scatter.add.f32 @!p1 [tilespmem:s13], [sflag:$0x1], $0x10, s7, s6, $0xb8;
	[tilespmem:$0xCF00] =	vst v63  }
.Ltmp3:
0x8a: {  	_ = 	snop;
	(pc) =	sbr.rel @!p2 .LBB2_6-.Ltmp3, $4  }
0x8b: {  	_ = 	snop  }
0x8c: {  	[spmem:s1] =	stream.indirect.scatter.add.f32 @!p1 [tilespmem:s13], [sflag:$0x1], $0x10, s6, s6, $0xb8;
	[tilespmem:$0xCF00] =	vst v63  }
0x8d: {  	s7 =	simm.s32 @!p1 $0x100  }
0x8e: {  	[spmem:s1] =	stream.indirect.scatter.add.f32 @!p1 [tilespmem:s13], [sflag:$0x1], $0x10, s7, s6, $0xb8;
	[tilespmem:$0xCF00] =	vst v63  }
.Ltmp4:
0x8f: {  	(pc) =	sbr.rel .LBB2_8-.Ltmp4, $3  }
0x90: {  	_ =	sdelay $0x1  }
0x91: {  	s3 =	rddreg [dreg:$0x5]  }
0x92: {  	s3 =	smov.u32 @p1 s3  }
.LBB2_2:
0x93: {  	[tilespmem:s2], [sflag:$0x3] =	stream.linear.gather [hbm4b:s9+s2], $0x180, $0x38;
	[tilespmem:$0xCF00] =	vst v63  }
0x94: {  	_ =	swait.ge [sflag:s18], $0x180  }
0x95: {  	[sflag:s18] =	ssyncset.done $0x0  }
0x96: {  	[sflag:s18] =	ssyncadd.s32 $0xFFFFFE80  }
0x97: {  	[spmem:s1] =	stream.indirect.scatter.add.f32 [tilespmem:s22], [sflag:$0x1], $0x10, s2, s23, $0xb8;
	[tilespmem:$0xCF00] =	vst v63  }
0x98: {  	_ = 	snop  }
0x99: {  	[spmem:s1] =	stream.indirect.scatter.add.f32 [tilespmem:s22], [sflag:$0x1], $0x10, s23, s23, $0xb8;
	[tilespmem:$0xCF00] =	vst v63  }
0x9a: {  	_ = 	snop  }
0x9b: {  	[spmem:s1] =	stream.indirect.scatter.add.f32 [tilespmem:s22], [sflag:$0x1], $0x10, s24, s23, $0xb8;
	[tilespmem:$0xCF00] =	vst v63  }
0x9c: {  	s3 =	rddreg [dreg:$0x6]  }
0x9d: {  	[tilespmem:s25], [sflag:$0x3] =	stream.linear.gather [hbm4b:s3+s2], $0x180, $0x38;
	[tilespmem:$0xCF00] =	vst v63  }
0x9e: {  	_ =	swait.ge [sflag:s18], $0x180  }
0x9f: {  	[sflag:s18] =	ssyncset.done $0x0  }
0xa0: {  	[sflag:s18] =	ssyncadd.s32 $0xFFFFFE80  }
0xa1: {  	[spmem:s1] =	stream.indirect.scatter.add.f32 [tilespmem:s22], [sflag:$0x2], $0x10, s25, s23, $0xb8;
	[tilespmem:$0xCF00] =	vst v63  }
0xa2: {  	_ = 	snop  }
0xa3: {  	[spmem:s1] =	stream.indirect.scatter.add.f32 [tilespmem:s22], [sflag:$0x2], $0x10, s26, s23, $0xb8;
	[tilespmem:$0xCF00] =	vst v63  }
0xa4: {  	_ = 	snop  }
0xa5: {  	[spmem:s1] =	stream.indirect.scatter.add.f32 [tilespmem:s22], [sflag:$0x2], $0x10, s28, s23, $0xb8;
	[tilespmem:$0xCF00] =	vst v63  }
0xa6: {  	_ =	swait.ge [sflag:s29], $0x800  }
0xa7: {  	[sflag:s29] =	ssyncset.done $0x0  }
0xa8: {  	[sflag:s29] =	ssyncadd.s32 $0xFFFFF800  }
0xa9: {  	_ =	swait.ge [sflag:s29], $0x800  }
0xaa: {  	[sflag:s29] =	ssyncset.done $0x0  }
0xab: {  	[sflag:s29] =	ssyncadd.s32 $0xFFFFF800  }
0xac: {  	_ =	swait.ge [sflag:s29], $0x800  }
0xad: {  	[sflag:s29] =	ssyncset.done $0x0  }
0xae: {  	[sflag:s29] =	ssyncadd.s32 $0xFFFFF800  }
0xaf: {  	[tilespmem:s2], [sflag:$0x3] =	stream.linear.gather [hbm4b:s14+s2], $0x180, $0x38;
	[tilespmem:$0xCF00] =	vst v63  }
0xb0: {  	_ =	swait.ge [sflag:s18], $0x180  }
0xb1: {  	[sflag:s18] =	ssyncset.done $0x0  }
0xb2: {  	[sflag:s18] =	ssyncadd.s32 $0xFFFFFE80  }
0xb3: {  	[spmem:s1] =	stream.indirect.scatter.add.f32 [tilespmem:s22], [sflag:$0x1], $0x10, s2, s23, $0xb8;
	[tilespmem:$0xCF00] =	vst v63  }
0xb4: {  	_ = 	snop  }
0xb5: {  	[spmem:s1] =	stream.indirect.scatter.add.f32 [tilespmem:s22], [sflag:$0x1], $0x10, s23, s23, $0xb8;
	[tilespmem:$0xCF00] =	vst v63  }
0xb6: {  	s3 =	simm.s32 $0xFFFFE7A0  }
0xb7: {  	[spmem:s1] =	stream.indirect.scatter.add.f32 [tilespmem:s22], [sflag:$0x1], $0x10, s24, s23, $0xb8;
	[tilespmem:$0xCF00] =	vst v63  }
.LBB2_3:
0xb8: {  	_ =	swait.ge [sflag:s30], $0x800  }
0xb9: {  	[sflag:s30] =	ssyncset.done $0x0  }
0xba: {  	[sflag:s30] =	ssyncadd.s32 $0xFFFFF800  }
0xbb: {  	_ =	swait.ge [sflag:s30], $0x800  }
0xbc: {  	[sflag:s30] =	ssyncset.done $0x0  }
0xbd: {  	[sflag:s30] =	ssyncadd.s32 $0xFFFFF800  }
0xbe: {  	_ =	swait.ge [sflag:s30], $0x800  }
0xbf: {  	s6 =	sadd.s32 s3, s9;
	[sflag:s30] =	ssyncset.done $0x0  }
0xc0: {  	s6 =	sadd.s32 $0x18F0, s6;
	[sflag:s30] =	ssyncadd.s32 $0xFFFFF800  }
0xc1: {  	[tilespmem:s25], [sflag:$0x3] =	stream.linear.gather [hbm4b:s6+s2], $0x180, $0x38;
	[tilespmem:$0xCF00] =	vst v63  }
0xc2: {  	_ =	swait.ge [sflag:s18], $0x180  }
0xc3: {  	[sflag:s18] =	ssyncset.done $0x0  }
0xc4: {  	[sflag:s18] =	ssyncadd.s32 $0xFFFFFE80  }
0xc5: {  	[spmem:s1] =	stream.indirect.scatter.add.f32 [tilespmem:s22], [sflag:$0x2], $0x10, s25, s23, $0xb8;
	[tilespmem:$0xCF00] =	vst v63  }
0xc6: {  	p1 =	seq.s32 s3, $0xFFFFFFA0  }
0xc7: {  	[spmem:s1] =	stream.indirect.scatter.add.f32 [tilespmem:s22], [sflag:$0x2], $0x10, s26, s23, $0xb8;
	[tilespmem:$0xCF00] =	vst v63  }
0xc8: {  	s6 =	simm.s32 @!p1 $0x1  }
0xc9: {  	[spmem:s1] =	stream.indirect.scatter.add.f32 [tilespmem:s22], [sflag:$0x2], $0x10, s28, s23, $0xb8;
	[tilespmem:$0xCF00] =	vst v63  }
0xca: {  	_ =	swait.ge @!p1 [sflag:s6], $0x800  }
0xcb: {  	[sflag:s6] =	ssyncset.done @!p1 $0x0  }
0xcc: {  	[sflag:s6] =	ssyncadd.s32 @!p1 $0xFFFFF800  }
0xcd: {  	_ =	swait.ge @!p1 [sflag:s6], $0x800  }
0xce: {  	[sflag:s6] =	ssyncset.done @!p1 $0x0  }
0xcf: {  	[sflag:s6] =	ssyncadd.s32 @!p1 $0xFFFFF800  }
0xd0: {  	_ =	swait.ge @!p1 [sflag:s6], $0x800  }
0xd1: {  	s7 =	sadd.s32 @!p1 s3, s9;
	[sflag:s6] =	ssyncset.done @!p1 $0x0  }
0xd2: {  	[sflag:s6] =	ssyncadd.s32 @!p1 $0xFFFFF800;
	s6 =	sadd.s32 @!p1 $0x1920, s7;
	s7 =	simm.s32 @!p1 $0x0  }
0xd3: {  	[tilespmem:s7], [sflag:$0x3] =	stream.linear.gather @!p1 [hbm4b:s6+s7], $0x180, $0x38;
	[tilespmem:$0xCF00] =	vst v63  }
0xd4: {  	s6 =	simm.s32 @!p1 $0x3  }
0xd5: {  	s3 =	sadd.s32 @!p1 $0x60, s3;
	_ =	swait.ge @!p1 [sflag:s6], $0x180  }
0xd6: {  	s13 =	simm.s32 @!p1 $0x300;
	p2 =	seq.s32 @!p1 s3, $0x0;
	[sflag:s6] =	ssyncset.done @!p1 $0x0  }
0xd7: {  	p2 =	por p1, p2;
	[sflag:s6] =	ssyncadd.s32 @!p1 $0xFFFFFE80;
	s6 =	simm.s32 @!p1 $0x80  }
0xd8: {  	[spmem:s1] =	stream.indirect.scatter.add.f32 @!p1 [tilespmem:s13], [sflag:$0x1], $0x10, s7, s6, $0xb8;
	[tilespmem:$0xCF00] =	vst v63  }
.Ltmp5:
0xd9: {  	_ = 	snop;
	(pc) =	sbr.rel @!p2 .LBB2_3-.Ltmp5, $4  }
0xda: {  	_ = 	snop  }
0xdb: {  	[spmem:s1] =	stream.indirect.scatter.add.f32 @!p1 [tilespmem:s13], [sflag:$0x1], $0x10, s6, s6, $0xb8;
	[tilespmem:$0xCF00] =	vst v63  }
0xdc: {  	s7 =	simm.s32 @!p1 $0x100  }
0xdd: {  	[spmem:s1] =	stream.indirect.scatter.add.f32 @!p1 [tilespmem:s13], [sflag:$0x1], $0x10, s7, s6, $0xb8;
	[tilespmem:$0xCF00] =	vst v63  }
.Ltmp6:
0xde: {  	_ = 	snop;
	(pc) =	sbr.rel .LBB2_4-.Ltmp6, $1  }
0xdf: {  	_ =	sdelay $0x3  }
.LBB2_9:
0xe0: {  	_ =	sfence.sel $0x180000  }
0xe1: {  	[bflag:$0x0] =	sbarrier.arrive $0xFFFF  }
0xe2: {  	_ =	strace $0x90000047  }
0xe3: {  	s0 =	stileid.u32;
	[bflag:$0x2] =	sbarrier.arrive $0xFFFF  }
0xe4: {  	p0 =	sne.s32 s0, $0x0;
	s0 =	rddreg [dreg:$0x3]  }
0xe5: {  	s0 =	sadd.s32 @!p0 $0x100000, s0  }
0xe6: {  	[sflag:s0] =	ssyncadd.tile.s32 @!p0 $0x1;
	_ =	shalt  }
.Lfunc_end2:
_tile_overlayer_lowered:
.L_overlay_start_2:
0xe7: {  	(tag) =	ssettag $0x2  }
0xe8: {  	s0 =	rddreg [dreg:$0x0];
	s2 =	stileid.u32  }
0xe9: {  	s1 =	rddreg [dreg:$0x1];
	p0 =	sne.s32 s2, $0x0  }
0xea: {  	s3 =	rddreg [dreg:$0x2];
	[bflag:$0x3] =	sbarrier.arrive $0xFFFF;
	s2 =	simm.s32 @!p0 $0x1C03  }
0xeb: {  	[timem:s3], [sflag:s2] =	dma.local @!p0 [hbm:s0], s1  }
0xec: {  	s0 =	simm.s32 @!p0 $0x3  }
0xed: {  	_ =	swait.ge @!p0 [sflag:s0], s1  }
0xee: {  	s1 =	ssub.s32 @!p0 $0x0, s1;
	[sflag:s0] =	ssyncset.done @!p0 $0x0  }
0xef: {  	[sflag:s0] =	ssyncadd.s32 @!p0 s1  }
0xf0: {  	[bflag:$0x3] =	sbarrier.arrive $0xFFFF  }
0xf1: {  	_ =	shalt  }

</sc_bundles>
